<compile_context>
chip_gen: v7x
topology: tpu7x:2x2x1
jax: 0.10.2.dev20260603
libtpu: 0.0.44.dev20260713+nightly
codegen_flags: <defaults>
</compile_context>

<pallas_src>
import functools

import jax
import jax.numpy as jnp
from jax import lax
from jax.experimental import pallas as pl
from jax.experimental.pallas import tpu as pltpu
from jax.experimental.pallas import tpu_sc as plsc

H = 1024
FF = 2048
E = 8
FFE = FF // E
TT = 256

NC = 2
NS = 16
NW = NC * NS
L = 16


def _router_body(x_ref, gw_ref, pe_ref, pe2_ref, pw_ref, pw2_ref):
    x = x_ref[...]
    logits = jnp.dot(x, gw_ref[...], preferred_element_type=jnp.float32)
    eidx = lax.broadcasted_iota(jnp.int32, logits.shape, 1)
    v1 = jnp.max(logits, axis=-1, keepdims=True)
    i1 = jnp.min(jnp.where(logits == v1, eidx, E), axis=-1, keepdims=True)
    lm = jnp.where(eidx == i1, -jnp.inf, logits)
    v2 = jnp.max(lm, axis=-1, keepdims=True)
    i2 = jnp.min(jnp.where(lm == v2, eidx, E), axis=-1, keepdims=True)
    w1 = 1.0 / (1.0 + jnp.exp(v2 - v1))
    pe_ref[...] = i1
    pe2_ref[...] = i2
    pw_ref[...] = w1
    pw2_ref[...] = 1.0 - w1


def _router(x_flat, gate_weight):
    T = x_flat.shape[0]
    return pl.pallas_call(
        _router_body,
        out_shape=[
            jax.ShapeDtypeStruct((T, 1), jnp.int32),
            jax.ShapeDtypeStruct((T, 1), jnp.int32),
            jax.ShapeDtypeStruct((T, 1), jnp.float32),
            jax.ShapeDtypeStruct((T, 1), jnp.float32),
        ],
    )(x_flat, gate_weight)


def _dispatch_body(P, PAD, pe_hbm, pos_hbm, src_hbm, te_hbm,
                   pe_v, rank_v, dst_v, st_v, init_v, allh_v, te_v,
                   hist_r, base_r, sh_hists, sh_src):
    cid = lax.axis_index("c")
    sid = lax.axis_index("s")
    ppw = P // NS
    spw = PAD // NS
    lane = lax.iota(jnp.int32, L)

    @pl.when(cid == 0)
    def _():
        base_pair = sid * ppw
        pltpu.sync_copy(pe_hbm.at[pl.ds(base_pair, ppw)], pe_v)
        hist_r[...] = jnp.zeros((L,), jnp.int32)

        @pl.loop(0, ppw // L)
        def _(j):
            v = pe_v[pl.ds(j * L, L)]
            base = plsc.load_gather(hist_r, [v])
            rank_in = jnp.zeros((L,), jnp.int32)
            cntv = jnp.zeros((L,), jnp.int32)
            for e in range(E):
                m = v == e
                c = plsc.cumsum(m.astype(jnp.int32))
                rank_in = jnp.where(m, c - 1, rank_in)
                tote = jnp.max(c)
                cntv = cntv + jnp.where(lane == e, 1, 0) * tote
            rank_v[pl.ds(j * L, L)] = base + rank_in
            hist_r[...] = hist_r[...] + cntv

        pltpu.sync_copy(hist_r, sh_hists.at[sid])
        plsc.subcore_barrier()
        pltpu.sync_copy(sh_hists, allh_v)
        tot = jnp.zeros((L,), jnp.int32)
        prevc = jnp.zeros((L,), jnp.int32)
        for w2 in range(NS):
            hw = allh_v[w2]
            tot = tot + hw
            prevc = prevc + hw * (w2 < sid).astype(jnp.int32)
        pcnt = (tot + (TT - 1)) & (-TT)
        segend = plsc.cumsum(pcnt)
        segstart = segend - pcnt
        base_r[...] = segstart + prevc

        @pl.loop(0, ppw // L)
        def _(j):
            v = pe_v[pl.ds(j * L, L)]
            r = rank_v[pl.ds(j * L, L)]
            bgl = plsc.load_gather(base_r, [v])
            dst_v[pl.ds(j * L, L)] = bgl + r
            pvec = base_pair + j * L + lane
            st_v[pl.ds(j * L, L)] = pvec & (P // 2 - 1)

        pltpu.sync_copy(dst_v, pos_hbm.at[pl.ds(base_pair, ppw)])

        base_slot = sid * spw

        @pl.loop(0, spw // L)
        def _(j):
            init_v[pl.ds(j * L, L)] = (base_slot + j * L + lane) & (P // 2 - 1)

        pltpu.sync_copy(init_v, sh_src.at[pl.ds(base_slot, spw)])
        plsc.subcore_barrier()

        @pl.loop(0, ppw // L)
        def _(j):
            idxv = dst_v[pl.ds(j * L, L)]
            pltpu.sync_copy(st_v.at[pl.ds(j * L, L)], sh_src.at[idxv])

        plsc.subcore_barrier()
        pltpu.sync_copy(sh_src.at[pl.ds(base_slot, spw)],
                        src_hbm.at[pl.ds(base_slot, spw)])

        @pl.when(sid == 0)
        def _():
            ntiles = PAD // TT
            nvec = (ntiles + L - 1) // L
            for k in range(nvec):
                tstart = (k * L + lane) * TT
                cnt = jnp.zeros((L,), jnp.int32)
                for e in range(E):
                    se = jnp.max(jnp.where(lane == e, segend, 0))
                    cnt = cnt + (se <= tstart).astype(jnp.int32)
                te_v[pl.ds(k * L, L)] = jnp.minimum(cnt, E - 1)
            pltpu.sync_copy(te_v, te_hbm)


def _dispatch(pe_flat):
    P = pe_flat.shape[0]
    PAD = (P // TT + E) * TT
    ntiles = PAD // TT
    te_n = ((ntiles + L - 1) // L) * L
    mesh = plsc.VectorSubcoreMesh(core_axis_name="c", subcore_axis_name="s", num_cores=NC, num_subcores=NS)
    f = pl.kernel(
        functools.partial(_dispatch_body, P, PAD),
        compiler_params=pltpu.CompilerParams(needs_layout_passes=False),
        out_type=[
            jax.ShapeDtypeStruct((P,), jnp.int32),
            jax.ShapeDtypeStruct((PAD,), jnp.int32),
            jax.ShapeDtypeStruct((te_n,), jnp.int32),
        ],
        mesh=mesh,
        scratch_types=[
            pltpu.VMEM((P // NS,), jnp.int32),
            pltpu.VMEM((P // NS,), jnp.int32),
            pltpu.VMEM((P // NS,), jnp.int32),
            pltpu.VMEM((P // NS,), jnp.int32),
            pltpu.VMEM((PAD // NS,), jnp.int32),
            pltpu.VMEM((NS, L), jnp.int32),
            pltpu.VMEM((te_n,), jnp.int32),
            pltpu.VMEM((L,), jnp.int32),
            pltpu.VMEM((L,), jnp.int32),
            pltpu.VMEM_SHARED((NS, L), jnp.int32),
            pltpu.VMEM_SHARED((PAD,), jnp.int32),
        ],
    )
    return f(pe_flat)


def _gather_body(PAD, src_hbm, x_hbm, xs_hbm, src_v, xrow0, xrow1, xrow2, xrow3, sem):
    cid = lax.axis_index("c")
    sid = lax.axis_index("s")
    wid = sid * NC + cid
    spw = PAD // NW
    base = wid * spw
    pltpu.sync_copy(src_hbm.at[pl.ds(base, spw)], src_v)
    bufs = (xrow0, xrow1, xrow2, xrow3)
    nb = len(bufs)

    @pl.loop(0, spw // (L * nb))
    def _(g):
        j0 = g * nb
        started = []
        for b in range(nb):
            idxv = src_v[pl.ds((j0 + b) * L, L)]
            started.append(pltpu.async_copy(x_hbm.at[idxv], bufs[b], sem))
        for b in range(nb):
            started[b].wait()
            pltpu.sync_copy(bufs[b], xs_hbm.at[pl.ds(base + (j0 + b) * L, L)])


def _gather(src, x_flat):
    PAD = src.shape[0]
    mesh = plsc.VectorSubcoreMesh(core_axis_name="c", subcore_axis_name="s", num_cores=NC, num_subcores=NS)
    f = pl.kernel(
        functools.partial(_gather_body, PAD),
        compiler_params=pltpu.CompilerParams(needs_layout_passes=False),
        out_type=jax.ShapeDtypeStruct((PAD, H), jnp.float32),
        mesh=mesh,
        scratch_types=[
            pltpu.VMEM((PAD // NW,), jnp.int32),
            pltpu.VMEM((L, H), jnp.float32),
            pltpu.VMEM((L, H), jnp.float32),
            pltpu.VMEM((L, H), jnp.float32),
            pltpu.VMEM((L, H), jnp.float32),
            pltpu.SemaphoreType.DMA,
        ],
    )
    return f(src, x_flat)


def _gemm_body(te_ref, xs_ref, wg_ref, wu_ref, wd_ref, y_ref):
    xw = xs_ref[...]
    hg = jnp.dot(xw, wg_ref[0], preferred_element_type=jnp.float32)
    hu = jnp.dot(xw, wu_ref[0], preferred_element_type=jnp.float32)
    h1 = hg * jax.nn.sigmoid(hg) * hu
    y_ref[...] = jnp.dot(h1, wd_ref[0], preferred_element_type=jnp.float32)


def _gemm(te, xs, W_gate, W_up, W_down):
    PAD = xs.shape[0]
    ntiles = PAD // TT
    grid_spec = pltpu.PrefetchScalarGridSpec(
        num_scalar_prefetch=1,
        grid=(ntiles,),
        in_specs=[
            pl.BlockSpec((TT, H), lambda i, te_ref: (i, 0)),
            pl.BlockSpec((1, H, FFE), lambda i, te_ref: (te_ref[i], 0, 0)),
            pl.BlockSpec((1, H, FFE), lambda i, te_ref: (te_ref[i], 0, 0)),
            pl.BlockSpec((1, FFE, H), lambda i, te_ref: (te_ref[i], 0, 0)),
        ],
        out_specs=pl.BlockSpec((TT, H), lambda i, te_ref: (i, 0)),
    )
    return pl.pallas_call(
        _gemm_body,
        grid_spec=grid_spec,
        out_shape=jax.ShapeDtypeStruct((PAD, H), jnp.float32),
    )(te, xs, W_gate, W_up, W_down)


def _combine_body(T, pos_hbm, pw_hbm, y_hbm, out_hbm,
                  pos1_v, pos2_v, pw1_v, pw2_v, y1_v, y2_v, out_v, sem1, sem2):
    cid = lax.axis_index("c")
    sid = lax.axis_index("s")
    wid = sid * NC + cid
    tpw = T // NW
    tb = wid * tpw
    pltpu.sync_copy(pos_hbm.at[pl.ds(tb, tpw)], pos1_v)
    pltpu.sync_copy(pos_hbm.at[pl.ds(T + tb, tpw)], pos2_v)
    pltpu.sync_copy(pw_hbm.at[pl.ds(tb, tpw)], pw1_v.at[pl.ds(0, tpw)])
    pltpu.sync_copy(pw_hbm.at[pl.ds(T + tb, tpw)], pw2_v.at[pl.ds(0, tpw)])

    @pl.loop(0, tpw // L)
    def _(jc):
        i1v = pos1_v[pl.ds(jc * L, L)]
        i2v = pos2_v[pl.ds(jc * L, L)]
        d1 = pltpu.async_copy(y_hbm.at[i1v], y1_v, sem1)
        d2 = pltpu.async_copy(y_hbm.at[i2v], y2_v, sem2)
        d1.wait()
        d2.wait()
        for r in range(L):
            w1 = pw1_v[pl.ds(jc * L + r, L)][0]
            w2 = pw2_v[pl.ds(jc * L + r, L)][0]

            @pl.loop(0, H // L)
            def _(c):
                out_v[r, pl.ds(c * L, L)] = (
                    y1_v[r, pl.ds(c * L, L)] * w1 + y2_v[r, pl.ds(c * L, L)] * w2
                )
        pltpu.sync_copy(out_v, out_hbm.at[pl.ds(tb + jc * L, L)])


def _combine(pos, pw_flat, y, T):
    mesh = plsc.VectorSubcoreMesh(core_axis_name="c", subcore_axis_name="s", num_cores=NC, num_subcores=NS)
    f = pl.kernel(
        functools.partial(_combine_body, T),
        compiler_params=pltpu.CompilerParams(needs_layout_passes=False),
        out_type=jax.ShapeDtypeStruct((T, H), jnp.float32),
        mesh=mesh,
        scratch_types=[
            pltpu.VMEM((T // NW,), jnp.int32),
            pltpu.VMEM((T // NW,), jnp.int32),
            pltpu.VMEM((T // NW + L,), jnp.float32),
            pltpu.VMEM((T // NW + L,), jnp.float32),
            pltpu.VMEM((L, H), jnp.float32),
            pltpu.VMEM((L, H), jnp.float32),
            pltpu.VMEM((L, H), jnp.float32),
            pltpu.SemaphoreType.DMA,
            pltpu.SemaphoreType.DMA,
        ],
    )
    return f(pos, pw_flat, y)


@jax.jit
def kernel(x, gate_weight, W_gate, W_up, W_down):
    b, s, h = x.shape
    T = b * s
    x_flat = x.reshape(T, h)
    pe1, pe2, pw1, pw2 = _router(x_flat, gate_weight)
    pe_flat = jnp.concatenate([pe1.reshape(-1), pe2.reshape(-1)])
    pw_flat = jnp.concatenate([pw1.reshape(-1), pw2.reshape(-1)])
    pos, src, te = _dispatch(pe_flat)
    xs = _gather(src, x_flat)
    y = _gemm(te, xs, W_gate, W_up, W_down)
    out = _combine(pos, pw_flat, y, T)
    return out.reshape(b, s, h)

# --- scband reference (transcript-rebuilt; emitter-appended) ---
"""Pipeline reference for scband-sparse-mlpwith-lo-ra-38603166056858 (READ-ONLY COPY).

The authoritative reference and input builder live on the scoring server;
editing this copy changes nothing except your own understanding.
"""

import jax, jax.numpy as jnp
import numpy as np

H = 1024
FF = 2048
E = 8
TOPK = 2
FFE = FF // E  # per-expert ff hidden size = 256
B, S = 2, 2048


def setup_inputs(seed: int = 0) -> dict:
    key = jax.random.key(seed)
    ks = jax.random.split(key, 5)
    x = jax.random.normal(ks[0], (B, S, H), dtype=jnp.float32)
    # gating weight [h, num_experts], float32, normal(mean=0, std=0.02)
    gate_weight = jax.random.normal(ks[1], (H, E), dtype=jnp.float32) * 0.02
    # per-expert gated-MLP (SwiGLU-style) weights, stacked over experts
    W_gate = jax.random.normal(ks[2], (E, H, FFE), dtype=jnp.float32) * (1.0 / np.sqrt(H))
    W_up = jax.random.normal(ks[3], (E, H, FFE), dtype=jnp.float32) * (1.0 / np.sqrt(H))
    W_down = jax.random.normal(ks[4], (E, FFE, H), dtype=jnp.float32) * (1.0 / np.sqrt(FFE))
    return {"x": x, "gate_weight": gate_weight, "W_gate": W_gate, "W_up": W_up, "W_down": W_down}


def reference(x, gate_weight, W_gate, W_up, W_down):
    b, s, h = x.shape
    x_flat = x.reshape(-1, h).astype(jnp.float32)
    # router: logits -> softmax over all experts -> top-k -> renormalize
    logits = x_flat @ gate_weight  # [T, E]
    probs = jax.nn.softmax(logits, axis=-1)
    topk_vals, topk_idx = jax.lax.top_k(probs, TOPK)  # [T, k]
    denom = jnp.clip(jnp.sum(topk_vals, axis=-1, keepdims=True), 1e-9, None)
    weights_topk = topk_vals / denom  # [T, k]
    out_flat = jnp.zeros_like(x_flat)
    for e in range(E):
        mask_for_expert = (topk_idx == e)  # [T, k]
        # per-token combine weight for this expert (0 if token not routed here)
        w_e = jnp.sum(weights_topk * mask_for_expert.astype(weights_topk.dtype), axis=-1)  # [T]
        # expert gated MLP (LoRA disabled: lora_rank=0)
        h1 = jax.nn.silu(x_flat @ W_gate[e]) * (x_flat @ W_up[e])  # [T, FFE]
        y = h1 @ W_down[e]  # [T, H]
        # tokens not routed to expert e get weight 0 -> zero contribution,
        # matching the masked gather/scatter-add of the torch module
        out_flat = out_flat + w_e[:, None] * y
    return out_flat.reshape(b, s, h)

if __name__ == "__main__":
    import jax
    _d = setup_inputs()
    print(jax.jit(kernel)(*tuple(_d.values())))

</pallas_src>

<mosaic_0001>
#map = affine_map<(d0, d1) -> (0)>
#map1 = affine_map<(d0, d1) -> (0, 0)>
module attributes {stable_mosaic.version = 14 : i64} {
  func.func @_combine_body(%arg0: i32, %arg1: i32, %arg2: memref<8192xi32, #tpu.memory_space<hbm>>, %arg3: memref<8192xf32, #tpu.memory_space<hbm>>, %arg4: memref<10240x1024xf32, #tpu.memory_space<hbm>>, %arg5: memref<4096x1024xf32, #tpu.memory_space<hbm>>, %arg6: memref<128xi32, #tpu.memory_space<vmem>>, %arg7: memref<128xi32, #tpu.memory_space<vmem>>, %arg8: memref<144xf32, #tpu.memory_space<vmem>>, %arg9: memref<144xf32, #tpu.memory_space<vmem>>, %arg10: memref<16x1024xf32, #tpu.memory_space<vmem>>, %arg11: memref<16x1024xf32, #tpu.memory_space<vmem>>, %arg12: memref<16x1024xf32, #tpu.memory_space<vmem>>, %arg13: memref<!tpu.dma_semaphore, #tpu.memory_space<semaphore_mem>>, %arg14: memref<!tpu.dma_semaphore, #tpu.memory_space<semaphore_mem>>) attributes {dimension_semantics = [#tpu.dimension_semantics<core_parallel>, #tpu.dimension_semantics<subcore_parallel>], iteration_bounds = array<i64: 2, 16>, scalar_prefetch = 0 : i64, scratch_operands = 9 : i64, tpu.core_type = #tpu.core_type<sc_vector_subcore>, window_params = [{transform_indices = #map}, {transform_indices = #map}, {transform_indices = #map1}, {transform_indices = #map1}]} {
    %mul3A = arith.constant 2 : i32
    %mul3A_0 = arith.muli %arg1, %mul3A : i32
    %add3A = arith.addi %mul3A_0, %arg0 : i32
    %mul3A_1 = arith.constant 128 : i32
    %mul3A_2 = arith.muli %add3A, %mul3A_1 : i32
    "tpu.region"() ({
      %run_scoped3A = tpu.sem_alloc : memref<!tpu.dma_semaphore, #tpu.memory_space<semaphore_mem>>
      %dma_start3A = tpu.memref_slice %arg2[%mul3A_2] : memref<8192xi32, #tpu.memory_space<hbm>> -> memref<128xi32, #tpu.memory_space<hbm>>
      %dma_start3A_11 = tpu.memref_slice %arg2[%mul3A_2] : memref<8192xi32, #tpu.memory_space<hbm>> -> memref<128xi32, #tpu.memory_space<hbm>>
      tpu.enqueue_dma source(%dma_start3A_11 : memref<128xi32, #tpu.memory_space<hbm>>) target(%arg6 : memref<128xi32, #tpu.memory_space<vmem>>) target_semaphore(%run_scoped3A : memref<!tpu.dma_semaphore, #tpu.memory_space<semaphore_mem>>)
      %dma_wait3A = tpu.memref_slice %arg2[%mul3A_2] : memref<8192xi32, #tpu.memory_space<hbm>> -> memref<128xi32, #tpu.memory_space<hbm>>
      %dma_wait3A_12 = tpu.memref_slice %arg2[%mul3A_2] : memref<8192xi32, #tpu.memory_space<hbm>> -> memref<128xi32, #tpu.memory_space<hbm>>
      tpu.wait_dma2 semaphore(%run_scoped3A : memref<!tpu.dma_semaphore, #tpu.memory_space<semaphore_mem>>) src(%dma_wait3A_12 : memref<128xi32, #tpu.memory_space<hbm>>) dst(%arg6 : memref<128xi32, #tpu.memory_space<vmem>>)
      tpu.yield
    }) : () -> ()
    %add3A_3 = arith.constant 4096 : i32
    %add3A_4 = arith.addi %add3A_3, %mul3A_2 : i32
    "tpu.region"() ({
      %run_scoped3A = tpu.sem_alloc : memref<!tpu.dma_semaphore, #tpu.memory_space<semaphore_mem>>
      %dma_start3A = tpu.memref_slice %arg2[%add3A_4] : memref<8192xi32, #tpu.memory_space<hbm>> -> memref<128xi32, #tpu.memory_space<hbm>>
      %dma_start3A_11 = tpu.memref_slice %arg2[%add3A_4] : memref<8192xi32, #tpu.memory_space<hbm>> -> memref<128xi32, #tpu.memory_space<hbm>>
      tpu.enqueue_dma source(%dma_start3A_11 : memref<128xi32, #tpu.memory_space<hbm>>) target(%arg7 : memref<128xi32, #tpu.memory_space<vmem>>) target_semaphore(%run_scoped3A : memref<!tpu.dma_semaphore, #tpu.memory_space<semaphore_mem>>)
      %dma_wait3A = tpu.memref_slice %arg2[%add3A_4] : memref<8192xi32, #tpu.memory_space<hbm>> -> memref<128xi32, #tpu.memory_space<hbm>>
      %dma_wait3A_12 = tpu.memref_slice %arg2[%add3A_4] : memref<8192xi32, #tpu.memory_space<hbm>> -> memref<128xi32, #tpu.memory_space<hbm>>
      tpu.wait_dma2 semaphore(%run_scoped3A : memref<!tpu.dma_semaphore, #tpu.memory_space<semaphore_mem>>) src(%dma_wait3A_12 : memref<128xi32, #tpu.memory_space<hbm>>) dst(%arg7 : memref<128xi32, #tpu.memory_space<vmem>>)
      tpu.yield
    }) : () -> ()
    "tpu.region"() ({
      %run_scoped3A = tpu.sem_alloc : memref<!tpu.dma_semaphore, #tpu.memory_space<semaphore_mem>>
      %dma_start3A = arith.constant 0 : i32
      %dma_start3A_11 = tpu.memref_slice %arg8[%dma_start3A] : memref<144xf32, #tpu.memory_space<vmem>> -> memref<128xf32, #tpu.memory_space<vmem>>
      %dma_start3A_12 = tpu.memref_slice %arg3[%mul3A_2] : memref<8192xf32, #tpu.memory_space<hbm>> -> memref<128xf32, #tpu.memory_space<hbm>>
      %dma_start3A_13 = arith.constant 0 : i32
      %dma_start3A_14 = tpu.memref_slice %arg8[%dma_start3A_13] : memref<144xf32, #tpu.memory_space<vmem>> -> memref<128xf32, #tpu.memory_space<vmem>>
      %dma_start3A_15 = tpu.memref_slice %arg3[%mul3A_2] : memref<8192xf32, #tpu.memory_space<hbm>> -> memref<128xf32, #tpu.memory_space<hbm>>
      tpu.enqueue_dma source(%dma_start3A_15 : memref<128xf32, #tpu.memory_space<hbm>>) target(%dma_start3A_14 : memref<128xf32, #tpu.memory_space<vmem>>) target_semaphore(%run_scoped3A : memref<!tpu.dma_semaphore, #tpu.memory_space<semaphore_mem>>)
      %dma_wait3A = arith.constant 0 : i32
      %dma_wait3A_16 = tpu.memref_slice %arg8[%dma_wait3A] : memref<144xf32, #tpu.memory_space<vmem>> -> memref<128xf32, #tpu.memory_space<vmem>>
      %dma_wait3A_17 = tpu.memref_slice %arg3[%mul3A_2] : memref<8192xf32, #tpu.memory_space<hbm>> -> memref<128xf32, #tpu.memory_space<hbm>>
      %dma_wait3A_18 = arith.constant 0 : i32
      %dma_wait3A_19 = tpu.memref_slice %arg8[%dma_wait3A_18] : memref<144xf32, #tpu.memory_space<vmem>> -> memref<128xf32, #tpu.memory_space<vmem>>
      %dma_wait3A_20 = tpu.memref_slice %arg3[%mul3A_2] : memref<8192xf32, #tpu.memory_space<hbm>> -> memref<128xf32, #tpu.memory_space<hbm>>
      tpu.wait_dma2 semaphore(%run_scoped3A : memref<!tpu.dma_semaphore, #tpu.memory_space<semaphore_mem>>) src(%dma_wait3A_20 : memref<128xf32, #tpu.memory_space<hbm>>) dst(%dma_wait3A_19 : memref<128xf32, #tpu.memory_space<vmem>>)
      tpu.yield
    }) : () -> ()
    %add3A_5 = arith.constant 4096 : i32
    %add3A_6 = arith.addi %add3A_5, %mul3A_2 : i32
    "tpu.region"() ({
      %run_scoped3A = tpu.sem_alloc : memref<!tpu.dma_semaphore, #tpu.memory_space<semaphore_mem>>
      %dma_start3A = arith.constant 0 : i32
      %dma_start3A_11 = tpu.memref_slice %arg9[%dma_start3A] : memref<144xf32, #tpu.memory_space<vmem>> -> memref<128xf32, #tpu.memory_space<vmem>>
      %dma_start3A_12 = tpu.memref_slice %arg3[%add3A_6] : memref<8192xf32, #tpu.memory_space<hbm>> -> memref<128xf32, #tpu.memory_space<hbm>>
      %dma_start3A_13 = arith.constant 0 : i32
      %dma_start3A_14 = tpu.memref_slice %arg9[%dma_start3A_13] : memref<144xf32, #tpu.memory_space<vmem>> -> memref<128xf32, #tpu.memory_space<vmem>>
      %dma_start3A_15 = tpu.memref_slice %arg3[%add3A_6] : memref<8192xf32, #tpu.memory_space<hbm>> -> memref<128xf32, #tpu.memory_space<hbm>>
      tpu.enqueue_dma source(%dma_start3A_15 : memref<128xf32, #tpu.memory_space<hbm>>) target(%dma_start3A_14 : memref<128xf32, #tpu.memory_space<vmem>>) target_semaphore(%run_scoped3A : memref<!tpu.dma_semaphore, #tpu.memory_space<semaphore_mem>>)
      %dma_wait3A = arith.constant 0 : i32
      %dma_wait3A_16 = tpu.memref_slice %arg9[%dma_wait3A] : memref<144xf32, #tpu.memory_space<vmem>> -> memref<128xf32, #tpu.memory_space<vmem>>
      %dma_wait3A_17 = tpu.memref_slice %arg3[%add3A_6] : memref<8192xf32, #tpu.memory_space<hbm>> -> memref<128xf32, #tpu.memory_space<hbm>>
      %dma_wait3A_18 = arith.constant 0 : i32
      %dma_wait3A_19 = tpu.memref_slice %arg9[%dma_wait3A_18] : memref<144xf32, #tpu.memory_space<vmem>> -> memref<128xf32, #tpu.memory_space<vmem>>
      %dma_wait3A_20 = tpu.memref_slice %arg3[%add3A_6] : memref<8192xf32, #tpu.memory_space<hbm>> -> memref<128xf32, #tpu.memory_space<hbm>>
      tpu.wait_dma2 semaphore(%run_scoped3A : memref<!tpu.dma_semaphore, #tpu.memory_space<semaphore_mem>>) src(%dma_wait3A_20 : memref<128xf32, #tpu.memory_space<hbm>>) dst(%dma_wait3A_19 : memref<128xf32, #tpu.memory_space<vmem>>)
      tpu.yield
    }) : () -> ()
    %scan3A = arith.constant 0 : i32
    %scan3A_7 = arith.constant 8 : i32
    %scan3A_8 = arith.addi %scan3A, %scan3A_7 : i32
    %scan3A_9 = arith.constant 1 : i32
    scf.for %scan3A_11 = %scan3A to %scan3A_8 step %scan3A_9  : i32 {
      %mul3A_12 = arith.constant 1 : i32
      %mul3A_13 = arith.muli %scan3A_11, %mul3A_12 : i32
      %add3A_14 = arith.constant 0 : i32
      %add3A_15 = arith.addi %add3A_14, %mul3A_13 : i32
      %mul3A_16 = arith.constant 16 : i32
      %mul3A_17 = arith.muli %add3A_15, %mul3A_16 : i32
      %get3A = arith.index_cast %mul3A_17 : i32 to index
      %get3A_18 = tpu.vector_load %arg6[%get3A] {strides = array<i32>} : memref<128xi32, #tpu.memory_space<vmem>>, vector<16xi32>,
      %mul3A_19 = arith.constant 16 : i32
      %mul3A_20 = arith.muli %add3A_15, %mul3A_19 : i32
      %get3A_21 = arith.index_cast %mul3A_20 : i32 to index
      %get3A_22 = tpu.vector_load %arg7[%get3A_21] {strides = array<i32>} : memref<128xi32, #tpu.memory_space<vmem>>, vector<16xi32>,
      %dma_start3A = arith.constant 0 : i32
      %dma_start3A_23 = arith.constant 0 : i32
      %dma_start3A_24 = tpu.memref_slice %arg4[%dma_start3A, %dma_start3A_23] : memref<10240x1024xf32, #tpu.memory_space<hbm>> -> memref<10240x1024xf32, #tpu.memory_space<hbm>>
      tpu.enqueue_indirect_dma source(%dma_start3A_24 : memref<10240x1024xf32, #tpu.memory_space<hbm>>) target(%arg10 : memref<16x1024xf32, #tpu.memory_space<vmem>>) offsets(%get3A_18 : vector<16xi32>) semaphore(%arg13 : memref<!tpu.dma_semaphore, #tpu.memory_space<semaphore_mem>>)
      %dma_start3A_25 = arith.constant 0 : i32
      %dma_start3A_26 = arith.constant 0 : i32
      %dma_start3A_27 = tpu.memref_slice %arg4[%dma_start3A_25, %dma_start3A_26] : memref<10240x1024xf32, #tpu.memory_space<hbm>> -> memref<10240x1024xf32, #tpu.memory_space<hbm>>
      tpu.enqueue_indirect_dma source(%dma_start3A_27 : memref<10240x1024xf32, #tpu.memory_space<hbm>>) target(%arg11 : memref<16x1024xf32, #tpu.memory_space<vmem>>) offsets(%get3A_22 : vector<16xi32>) semaphore(%arg14 : memref<!tpu.dma_semaphore, #tpu.memory_space<semaphore_mem>>)
      %dma_wait3A = arith.constant 0 : i32
      %dma_wait3A_28 = arith.constant 0 : i32
      %dma_wait3A_29 = tpu.memref_slice %arg4[%dma_wait3A, %dma_wait3A_28] : memref<10240x1024xf32, #tpu.memory_space<hbm>> -> memref<10240x1024xf32, #tpu.memory_space<hbm>>
      tpu.wait_indirect_dma semaphore(%arg13 : memref<!tpu.dma_semaphore, #tpu.memory_space<semaphore_mem>>) src(%dma_wait3A_29 : memref<10240x1024xf32, #tpu.memory_space<hbm>>) dst(%arg10 : memref<16x1024xf32, #tpu.memory_space<vmem>>)
      %dma_wait3A_30 = arith.constant 0 : i32
      %dma_wait3A_31 = arith.constant 0 : i32
      %dma_wait3A_32 = tpu.memref_slice %arg4[%dma_wait3A_30, %dma_wait3A_31] : memref<10240x1024xf32, #tpu.memory_space<hbm>> -> memref<10240x1024xf32, #tpu.memory_space<hbm>>
      tpu.wait_indirect_dma semaphore(%arg14 : memref<!tpu.dma_semaphore, #tpu.memory_space<semaphore_mem>>) src(%dma_wait3A_32 : memref<10240x1024xf32, #tpu.memory_space<hbm>>) dst(%arg11 : memref<16x1024xf32, #tpu.memory_space<vmem>>)
      %mul3A_33 = arith.constant 16 : i32
      %mul3A_34 = arith.muli %add3A_15, %mul3A_33 : i32
      %add3A_35 = arith.constant 0 : i32
      %add3A_36 = arith.addi %mul3A_34, %add3A_35 : i32
      %get3A_37 = arith.index_cast %add3A_36 : i32 to index
      %get3A_38 = tpu.vector_load %arg8[%get3A_37] {strides = array<i32>} : memref<144xf32, #tpu.memory_space<vmem>>, vector<16xf32>,
      %slice3A = vector.extract_strided_slice %get3A_38 {offsets = [0], sizes = [1], strides = [1]} : vector<16xf32> to vector<1xf32>
      %squeeze3A = vector.extract %slice3A[0] : f32 from vector<1xf32>
      %mul3A_39 = arith.constant 16 : i32
      %mul3A_40 = arith.muli %add3A_15, %mul3A_39 : i32
      %add3A_41 = arith.constant 0 : i32
      %add3A_42 = arith.addi %mul3A_40, %add3A_41 : i32
      %get3A_43 = arith.index_cast %add3A_42 : i32 to index
      %get3A_44 = tpu.vector_load %arg9[%get3A_43] {strides = array<i32>} : memref<144xf32, #tpu.memory_space<vmem>>, vector<16xf32>,
      %slice3A_45 = vector.extract_strided_slice %get3A_44 {offsets = [0], sizes = [1], strides = [1]} : vector<16xf32> to vector<1xf32>
      %squeeze3A_46 = vector.extract %slice3A_45[0] : f32 from vector<1xf32>
      %scan3A_47 = arith.constant 0 : i32
      %scan3A_48 = arith.constant 64 : i32
      %scan3A_49 = arith.addi %scan3A_47, %scan3A_48 : i32
      %scan3A_50 = arith.constant 1 : i32
      scf.for %scan3A_370 = %scan3A_47 to %scan3A_49 step %scan3A_50  : i32 {
        %mul3A_371 = arith.constant 1 : i32
        %mul3A_372 = arith.muli %scan3A_370, %mul3A_371 : i32
        %add3A_373 = arith.constant 0 : i32
        %add3A_374 = arith.addi %add3A_373, %mul3A_372 : i32
        %mul3A_375 = arith.constant 16 : i32
        %mul3A_376 = arith.muli %add3A_374, %mul3A_375 : i32
        %get3A_377 = arith.constant 0 : i32
        %get3A_378 = arith.index_cast %get3A_377 : i32 to index
        %get3A_379 = arith.index_cast %mul3A_376 : i32 to index
        %get3A_380 = tpu.vector_load %arg10[%get3A_378, %get3A_379] {strides = array<i32>} : memref<16x1024xf32, #tpu.memory_space<vmem>>, vector<16xf32>,
        %mul3A_381 = vector.broadcast %squeeze3A : f32 to vector<16xf32>
        %mul3A_382 = arith.mulf %get3A_380, %mul3A_381 : vector<16xf32>
        %mul3A_383 = arith.constant 16 : i32
        %mul3A_384 = arith.muli %add3A_374, %mul3A_383 : i32
        %get3A_385 = arith.constant 0 : i32
        %get3A_386 = arith.index_cast %get3A_385 : i32 to index
        %get3A_387 = arith.index_cast %mul3A_384 : i32 to index
        %get3A_388 = tpu.vector_load %arg11[%get3A_386, %get3A_387] {strides = array<i32>} : memref<16x1024xf32, #tpu.memory_space<vmem>>, vector<16xf32>,
        %mul3A_389 = vector.broadcast %squeeze3A_46 : f32 to vector<16xf32>
        %mul3A_390 = arith.mulf %get3A_388, %mul3A_389 : vector<16xf32>
        %add3A_391 = arith.addf %mul3A_382, %mul3A_390 : vector<16xf32>
        %mul3A_392 = arith.constant 16 : i32
        %mul3A_393 = arith.muli %add3A_374, %mul3A_392 : i32
        %swap3A = arith.constant 0 : i32
        %swap3A_394 = arith.index_cast %swap3A : i32 to index
        %swap3A_395 = arith.index_cast %mul3A_393 : i32 to index
        %swap3A_396 = tpu.vector_load %arg12[%swap3A_394, %swap3A_395] {strides = array<i32>} : memref<16x1024xf32, #tpu.memory_space<vmem>>, vector<16xf32>,
        tpu.vector_store %arg12[%swap3A_394, %swap3A_395], %add3A_391 {strides = array<i32>} : memref<16x1024xf32, #tpu.memory_space<vmem>>, vector<16xf32>,
      }
      %scan3A_51 = arith.constant 64 : i32
      %mul3A_52 = arith.constant 16 : i32
      %mul3A_53 = arith.muli %add3A_15, %mul3A_52 : i32
      %add3A_54 = arith.constant 1 : i32
      %add3A_55 = arith.addi %mul3A_53, %add3A_54 : i32
      %get3A_56 = arith.index_cast %add3A_55 : i32 to index
      %get3A_57 = tpu.vector_load %arg8[%get3A_56] {strides = array<i32>} : memref<144xf32, #tpu.memory_space<vmem>>, vector<16xf32>,
      %slice3A_58 = vector.extract_strided_slice %get3A_57 {offsets = [0], sizes = [1], strides = [1]} : vector<16xf32> to vector<1xf32>
      %squeeze3A_59 = vector.extract %slice3A_58[0] : f32 from vector<1xf32>
      %mul3A_60 = arith.constant 16 : i32
      %mul3A_61 = arith.muli %add3A_15, %mul3A_60 : i32
      %add3A_62 = arith.constant 1 : i32
      %add3A_63 = arith.addi %mul3A_61, %add3A_62 : i32
      %get3A_64 = arith.index_cast %add3A_63 : i32 to index
      %get3A_65 = tpu.vector_load %arg9[%get3A_64] {strides = array<i32>} : memref<144xf32, #tpu.memory_space<vmem>>, vector<16xf32>,
      %slice3A_66 = vector.extract_strided_slice %get3A_65 {offsets = [0], sizes = [1], strides = [1]} : vector<16xf32> to vector<1xf32>
      %squeeze3A_67 = vector.extract %slice3A_66[0] : f32 from vector<1xf32>
      %scan3A_68 = arith.constant 0 : i32
      %scan3A_69 = arith.constant 64 : i32
      %scan3A_70 = arith.addi %scan3A_68, %scan3A_69 : i32
      %scan3A_71 = arith.constant 1 : i32
      scf.for %scan3A_370 = %scan3A_68 to %scan3A_70 step %scan3A_71  : i32 {
        %mul3A_371 = arith.constant 1 : i32
        %mul3A_372 = arith.muli %scan3A_370, %mul3A_371 : i32
        %add3A_373 = arith.constant 0 : i32
        %add3A_374 = arith.addi %add3A_373, %mul3A_372 : i32
        %mul3A_375 = arith.constant 16 : i32
        %mul3A_376 = arith.muli %add3A_374, %mul3A_375 : i32
        %get3A_377 = arith.constant 1 : i32
        %get3A_378 = arith.index_cast %get3A_377 : i32 to index
        %get3A_379 = arith.index_cast %mul3A_376 : i32 to index
        %get3A_380 = tpu.vector_load %arg10[%get3A_378, %get3A_379] {strides = array<i32>} : memref<16x1024xf32, #tpu.memory_space<vmem>>, vector<16xf32>,
        %mul3A_381 = vector.broadcast %squeeze3A_59 : f32 to vector<16xf32>
        %mul3A_382 = arith.mulf %get3A_380, %mul3A_381 : vector<16xf32>
        %mul3A_383 = arith.constant 16 : i32
        %mul3A_384 = arith.muli %add3A_374, %mul3A_383 : i32
        %get3A_385 = arith.constant 1 : i32
        %get3A_386 = arith.index_cast %get3A_385 : i32 to index
        %get3A_387 = arith.index_cast %mul3A_384 : i32 to index
        %get3A_388 = tpu.vector_load %arg11[%get3A_386, %get3A_387] {strides = array<i32>} : memref<16x1024xf32, #tpu.memory_space<vmem>>, vector<16xf32>,
        %mul3A_389 = vector.broadcast %squeeze3A_67 : f32 to vector<16xf32>
        %mul3A_390 = arith.mulf %get3A_388, %mul3A_389 : vector<16xf32>
        %add3A_391 = arith.addf %mul3A_382, %mul3A_390 : vector<16xf32>
        %mul3A_392 = arith.constant 16 : i32
        %mul3A_393 = arith.muli %add3A_374, %mul3A_392 : i32
        %swap3A = arith.constant 1 : i32
        %swap3A_394 = arith.index_cast %swap3A : i32 to index
        %swap3A_395 = arith.index_cast %mul3A_393 : i32 to index
        %swap3A_396 = tpu.vector_load %arg12[%swap3A_394, %swap3A_395] {strides = array<i32>} : memref<16x1024xf32, #tpu.memory_space<vmem>>, vector<16xf32>,
        tpu.vector_store %arg12[%swap3A_394, %swap3A_395], %add3A_391 {strides = array<i32>} : memref<16x1024xf32, #tpu.memory_space<vmem>>, vector<16xf32>,
      }
      %scan3A_72 = arith.constant 64 : i32
      %mul3A_73 = arith.constant 16 : i32
      %mul3A_74 = arith.muli %add3A_15, %mul3A_73 : i32
      %add3A_75 = arith.constant 2 : i32
      %add3A_76 = arith.addi %mul3A_74, %add3A_75 : i32
      %get3A_77 = arith.index_cast %add3A_76 : i32 to index
      %get3A_78 = tpu.vector_load %arg8[%get3A_77] {strides = array<i32>} : memref<144xf32, #tpu.memory_space<vmem>>, vector<16xf32>,
      %slice3A_79 = vector.extract_strided_slice %get3A_78 {offsets = [0], sizes = [1], strides = [1]} : vector<16xf32> to vector<1xf32>
      %squeeze3A_80 = vector.extract %slice3A_79[0] : f32 from vector<1xf32>
      %mul3A_81 = arith.constant 16 : i32
      %mul3A_82 = arith.muli %add3A_15, %mul3A_81 : i32
      %add3A_83 = arith.constant 2 : i32
      %add3A_84 = arith.addi %mul3A_82, %add3A_83 : i32
      %get3A_85 = arith.index_cast %add3A_84 : i32 to index
      %get3A_86 = tpu.vector_load %arg9[%get3A_85] {strides = array<i32>} : memref<144xf32, #tpu.memory_space<vmem>>, vector<16xf32>,
      %slice3A_87 = vector.extract_strided_slice %get3A_86 {offsets = [0], sizes = [1], strides = [1]} : vector<16xf32> to vector<1xf32>
      %squeeze3A_88 = vector.extract %slice3A_87[0] : f32 from vector<1xf32>
      %scan3A_89 = arith.constant 0 : i32
      %scan3A_90 = arith.constant 64 : i32
      %scan3A_91 = arith.addi %scan3A_89, %scan3A_90 : i32
      %scan3A_92 = arith.constant 1 : i32
      scf.for %scan3A_370 = %scan3A_89 to %scan3A_91 step %scan3A_92  : i32 {
        %mul3A_371 = arith.constant 1 : i32
        %mul3A_372 = arith.muli %scan3A_370, %mul3A_371 : i32
        %add3A_373 = arith.constant 0 : i32
        %add3A_374 = arith.addi %add3A_373, %mul3A_372 : i32
        %mul3A_375 = arith.constant 16 : i32
        %mul3A_376 = arith.muli %add3A_374, %mul3A_375 : i32
        %get3A_377 = arith.constant 2 : i32
        %get3A_378 = arith.index_cast %get3A_377 : i32 to index
        %get3A_379 = arith.index_cast %mul3A_376 : i32 to index
        %get3A_380 = tpu.vector_load %arg10[%get3A_378, %get3A_379] {strides = array<i32>} : memref<16x1024xf32, #tpu.memory_space<vmem>>, vector<16xf32>,
        %mul3A_381 = vector.broadcast %squeeze3A_80 : f32 to vector<16xf32>
        %mul3A_382 = arith.mulf %get3A_380, %mul3A_381 : vector<16xf32>
        %mul3A_383 = arith.constant 16 : i32
        %mul3A_384 = arith.muli %add3A_374, %mul3A_383 : i32
        %get3A_385 = arith.constant 2 : i32
        %get3A_386 = arith.index_cast %get3A_385 : i32 to index
        %get3A_387 = arith.index_cast %mul3A_384 : i32 to index
        %get3A_388 = tpu.vector_load %arg11[%get3A_386, %get3A_387] {strides = array<i32>} : memref<16x1024xf32, #tpu.memory_space<vmem>>, vector<16xf32>,
        %mul3A_389 = vector.broadcast %squeeze3A_88 : f32 to vector<16xf32>
        %mul3A_390 = arith.mulf %get3A_388, %mul3A_389 : vector<16xf32>
        %add3A_391 = arith.addf %mul3A_382, %mul3A_390 : vector<16xf32>
        %mul3A_392 = arith.constant 16 : i32
        %mul3A_393 = arith.muli %add3A_374, %mul3A_392 : i32
        %swap3A = arith.constant 2 : i32
        %swap3A_394 = arith.index_cast %swap3A : i32 to index
        %swap3A_395 = arith.index_cast %mul3A_393 : i32 to index
        %swap3A_396 = tpu.vector_load %arg12[%swap3A_394, %swap3A_395] {strides = array<i32>} : memref<16x1024xf32, #tpu.memory_space<vmem>>, vector<16xf32>,
        tpu.vector_store %arg12[%swap3A_394, %swap3A_395], %add3A_391 {strides = array<i32>} : memref<16x1024xf32, #tpu.memory_space<vmem>>, vector<16xf32>,
      }
      %scan3A_93 = arith.constant 64 : i32
      %mul3A_94 = arith.constant 16 : i32
      %mul3A_95 = arith.muli %add3A_15, %mul3A_94 : i32
      %add3A_96 = arith.constant 3 : i32
      %add3A_97 = arith.addi %mul3A_95, %add3A_96 : i32
      %get3A_98 = arith.index_cast %add3A_97 : i32 to index
      %get3A_99 = tpu.vector_load %arg8[%get3A_98] {strides = array<i32>} : memref<144xf32, #tpu.memory_space<vmem>>, vector<16xf32>,
      %slice3A_100 = vector.extract_strided_slice %get3A_99 {offsets = [0], sizes = [1], strides = [1]} : vector<16xf32> to vector<1xf32>
      %squeeze3A_101 = vector.extract %slice3A_100[0] : f32 from vector<1xf32>
      %mul3A_102 = arith.constant 16 : i32
      %mul3A_103 = arith.muli %add3A_15, %mul3A_102 : i32
      %add3A_104 = arith.constant 3 : i32
      %add3A_105 = arith.addi %mul3A_103, %add3A_104 : i32
      %get3A_106 = arith.index_cast %add3A_105 : i32 to index
      %get3A_107 = tpu.vector_load %arg9[%get3A_106] {strides = array<i32>} : memref<144xf32, #tpu.memory_space<vmem>>, vector<16xf32>,
      %slice3A_108 = vector.extract_strided_slice %get3A_107 {offsets = [0], sizes = [1], strides = [1]} : vector<16xf32> to vector<1xf32>
      %squeeze3A_109 = vector.extract %slice3A_108[0] : f32 from vector<1xf32>
      %scan3A_110 = arith.constant 0 : i32
      %scan3A_111 = arith.constant 64 : i32
      %scan3A_112 = arith.addi %scan3A_110, %scan3A_111 : i32
      %scan3A_113 = arith.constant 1 : i32
      scf.for %scan3A_370 = %scan3A_110 to %scan3A_112 step %scan3A_113  : i32 {
        %mul3A_371 = arith.constant 1 : i32
        %mul3A_372 = arith.muli %scan3A_370, %mul3A_371 : i32
        %add3A_373 = arith.constant 0 : i32
        %add3A_374 = arith.addi %add3A_373, %mul3A_372 : i32
        %mul3A_375 = arith.constant 16 : i32
        %mul3A_376 = arith.muli %add3A_374, %mul3A_375 : i32
        %get3A_377 = arith.constant 3 : i32
        %get3A_378 = arith.index_cast %get3A_377 : i32 to index
        %get3A_379 = arith.index_cast %mul3A_376 : i32 to index
        %get3A_380 = tpu.vector_load %arg10[%get3A_378, %get3A_379] {strides = array<i32>} : memref<16x1024xf32, #tpu.memory_space<vmem>>, vector<16xf32>,
        %mul3A_381 = vector.broadcast %squeeze3A_101 : f32 to vector<16xf32>
        %mul3A_382 = arith.mulf %get3A_380, %mul3A_381 : vector<16xf32>
        %mul3A_383 = arith.constant 16 : i32
        %mul3A_384 = arith.muli %add3A_374, %mul3A_383 : i32
        %get3A_385 = arith.constant 3 : i32
        %get3A_386 = arith.index_cast %get3A_385 : i32 to index
        %get3A_387 = arith.index_cast %mul3A_384 : i32 to index
        %get3A_388 = tpu.vector_load %arg11[%get3A_386, %get3A_387] {strides = array<i32>} : memref<16x1024xf32, #tpu.memory_space<vmem>>, vector<16xf32>,
        %mul3A_389 = vector.broadcast %squeeze3A_109 : f32 to vector<16xf32>
        %mul3A_390 = arith.mulf %get3A_388, %mul3A_389 : vector<16xf32>
        %add3A_391 = arith.addf %mul3A_382, %mul3A_390 : vector<16xf32>
        %mul3A_392 = arith.constant 16 : i32
        %mul3A_393 = arith.muli %add3A_374, %mul3A_392 : i32
        %swap3A = arith.constant 3 : i32
        %swap3A_394 = arith.index_cast %swap3A : i32 to index
        %swap3A_395 = arith.index_cast %mul3A_393 : i32 to index
        %swap3A_396 = tpu.vector_load %arg12[%swap3A_394, %swap3A_395] {strides = array<i32>} : memref<16x1024xf32, #tpu.memory_space<vmem>>, vector<16xf32>,
        tpu.vector_store %arg12[%swap3A_394, %swap3A_395], %add3A_391 {strides = array<i32>} : memref<16x1024xf32, #tpu.memory_space<vmem>>, vector<16xf32>,
      }
      %scan3A_114 = arith.constant 64 : i32
      %mul3A_115 = arith.constant 16 : i32
      %mul3A_116 = arith.muli %add3A_15, %mul3A_115 : i32
      %add3A_117 = arith.constant 4 : i32
      %add3A_118 = arith.addi %mul3A_116, %add3A_117 : i32
      %get3A_119 = arith.index_cast %add3A_118 : i32 to index
      %get3A_120 = tpu.vector_load %arg8[%get3A_119] {strides = array<i32>} : memref<144xf32, #tpu.memory_space<vmem>>, vector<16xf32>,
      %slice3A_121 = vector.extract_strided_slice %get3A_120 {offsets = [0], sizes = [1], strides = [1]} : vector<16xf32> to vector<1xf32>
      %squeeze3A_122 = vector.extract %slice3A_121[0] : f32 from vector<1xf32>
      %mul3A_123 = arith.constant 16 : i32
      %mul3A_124 = arith.muli %add3A_15, %mul3A_123 : i32
      %add3A_125 = arith.constant 4 : i32
      %add3A_126 = arith.addi %mul3A_124, %add3A_125 : i32
      %get3A_127 = arith.index_cast %add3A_126 : i32 to index
      %get3A_128 = tpu.vector_load %arg9[%get3A_127] {strides = array<i32>} : memref<144xf32, #tpu.memory_space<vmem>>, vector<16xf32>,
      %slice3A_129 = vector.extract_strided_slice %get3A_128 {offsets = [0], sizes = [1], strides = [1]} : vector<16xf32> to vector<1xf32>
      %squeeze3A_130 = vector.extract %slice3A_129[0] : f32 from vector<1xf32>
      %scan3A_131 = arith.constant 0 : i32
      %scan3A_132 = arith.constant 64 : i32
      %scan3A_133 = arith.addi %scan3A_131, %scan3A_132 : i32
      %scan3A_134 = arith.constant 1 : i32
      scf.for %scan3A_370 = %scan3A_131 to %scan3A_133 step %scan3A_134  : i32 {
        %mul3A_371 = arith.constant 1 : i32
        %mul3A_372 = arith.muli %scan3A_370, %mul3A_371 : i32
        %add3A_373 = arith.constant 0 : i32
        %add3A_374 = arith.addi %add3A_373, %mul3A_372 : i32
        %mul3A_375 = arith.constant 16 : i32
        %mul3A_376 = arith.muli %add3A_374, %mul3A_375 : i32
        %get3A_377 = arith.constant 4 : i32
        %get3A_378 = arith.index_cast %get3A_377 : i32 to index
        %get3A_379 = arith.index_cast %mul3A_376 : i32 to index
        %get3A_380 = tpu.vector_load %arg10[%get3A_378, %get3A_379] {strides = array<i32>} : memref<16x1024xf32, #tpu.memory_space<vmem>>, vector<16xf32>,
        %mul3A_381 = vector.broadcast %squeeze3A_122 : f32 to vector<16xf32>
        %mul3A_382 = arith.mulf %get3A_380, %mul3A_381 : vector<16xf32>
        %mul3A_383 = arith.constant 16 : i32
        %mul3A_384 = arith.muli %add3A_374, %mul3A_383 : i32
        %get3A_385 = arith.constant 4 : i32
        %get3A_386 = arith.index_cast %get3A_385 : i32 to index
        %get3A_387 = arith.index_cast %mul3A_384 : i32 to index
        %get3A_388 = tpu.vector_load %arg11[%get3A_386, %get3A_387] {strides = array<i32>} : memref<16x1024xf32, #tpu.memory_space<vmem>>, vector<16xf32>,
        %mul3A_389 = vector.broadcast %squeeze3A_130 : f32 to vector<16xf32>
        %mul3A_390 = arith.mulf %get3A_388, %mul3A_389 : vector<16xf32>
        %add3A_391 = arith.addf %mul3A_382, %mul3A_390 : vector<16xf32>
        %mul3A_392 = arith.constant 16 : i32
        %mul3A_393 = arith.muli %add3A_374, %mul3A_392 : i32
        %swap3A = arith.constant 4 : i32
        %swap3A_394 = arith.index_cast %swap3A : i32 to index
        %swap3A_395 = arith.index_cast %mul3A_393 : i32 to index
        %swap3A_396 = tpu.vector_load %arg12[%swap3A_394, %swap3A_395] {strides = array<i32>} : memref<16x1024xf32, #tpu.memory_space<vmem>>, vector<16xf32>,
        tpu.vector_store %arg12[%swap3A_394, %swap3A_395], %add3A_391 {strides = array<i32>} : memref<16x1024xf32, #tpu.memory_space<vmem>>, vector<16xf32>,
      }
      %scan3A_135 = arith.constant 64 : i32
      %mul3A_136 = arith.constant 16 : i32
      %mul3A_137 = arith.muli %add3A_15, %mul3A_136 : i32
      %add3A_138 = arith.constant 5 : i32
      %add3A_139 = arith.addi %mul3A_137, %add3A_138 : i32
      %get3A_140 = arith.index_cast %add3A_139 : i32 to index
      %get3A_141 = tpu.vector_load %arg8[%get3A_140] {strides = array<i32>} : memref<144xf32, #tpu.memory_space<vmem>>, vector<16xf32>,
      %slice3A_142 = vector.extract_strided_slice %get3A_141 {offsets = [0], sizes = [1], strides = [1]} : vector<16xf32> to vector<1xf32>
      %squeeze3A_143 = vector.extract %slice3A_142[0] : f32 from vector<1xf32>
      %mul3A_144 = arith.constant 16 : i32
      %mul3A_145 = arith.muli %add3A_15, %mul3A_144 : i32
      %add3A_146 = arith.constant 5 : i32
      %add3A_147 = arith.addi %mul3A_145, %add3A_146 : i32
      %get3A_148 = arith.index_cast %add3A_147 : i32 to index
      %get3A_149 = tpu.vector_load %arg9[%get3A_148] {strides = array<i32>} : memref<144xf32, #tpu.memory_space<vmem>>, vector<16xf32>,
      %slice3A_150 = vector.extract_strided_slice %get3A_149 {offsets = [0], sizes = [1], strides = [1]} : vector<16xf32> to vector<1xf32>
      %squeeze3A_151 = vector.extract %slice3A_150[0] : f32 from vector<1xf32>
      %scan3A_152 = arith.constant 0 : i32
      %scan3A_153 = arith.constant 64 : i32
      %scan3A_154 = arith.addi %scan3A_152, %scan3A_153 : i32
      %scan3A_155 = arith.constant 1 : i32
      scf.for %scan3A_370 = %scan3A_152 to %scan3A_154 step %scan3A_155  : i32 {
        %mul3A_371 = arith.constant 1 : i32
        %mul3A_372 = arith.muli %scan3A_370, %mul3A_371 : i32
        %add3A_373 = arith.constant 0 : i32
        %add3A_374 = arith.addi %add3A_373, %mul3A_372 : i32
        %mul3A_375 = arith.constant 16 : i32
        %mul3A_376 = arith.muli %add3A_374, %mul3A_375 : i32
        %get3A_377 = arith.constant 5 : i32
        %get3A_378 = arith.index_cast %get3A_377 : i32 to index
        %get3A_379 = arith.index_cast %mul3A_376 : i32 to index
        %get3A_380 = tpu.vector_load %arg10[%get3A_378, %get3A_379] {strides = array<i32>} : memref<16x1024xf32, #tpu.memory_space<vmem>>, vector<16xf32>,
        %mul3A_381 = vector.broadcast %squeeze3A_143 : f32 to vector<16xf32>
        %mul3A_382 = arith.mulf %get3A_380, %mul3A_381 : vector<16xf32>
        %mul3A_383 = arith.constant 16 : i32
        %mul3A_384 = arith.muli %add3A_374, %mul3A_383 : i32
        %get3A_385 = arith.constant 5 : i32
        %get3A_386 = arith.index_cast %get3A_385 : i32 to index
        %get3A_387 = arith.index_cast %mul3A_384 : i32 to index
        %get3A_388 = tpu.vector_load %arg11[%get3A_386, %get3A_387] {strides = array<i32>} : memref<16x1024xf32, #tpu.memory_space<vmem>>, vector<16xf32>,
        %mul3A_389 = vector.broadcast %squeeze3A_151 : f32 to vector<16xf32>
        %mul3A_390 = arith.mulf %get3A_388, %mul3A_389 : vector<16xf32>
        %add3A_391 = arith.addf %mul3A_382, %mul3A_390 : vector<16xf32>
        %mul3A_392 = arith.constant 16 : i32
        %mul3A_393 = arith.muli %add3A_374, %mul3A_392 : i32
        %swap3A = arith.constant 5 : i32
        %swap3A_394 = arith.index_cast %swap3A : i32 to index
        %swap3A_395 = arith.index_cast %mul3A_393 : i32 to index
        %swap3A_396 = tpu.vector_load %arg12[%swap3A_394, %swap3A_395] {strides = array<i32>} : memref<16x1024xf32, #tpu.memory_space<vmem>>, vector<16xf32>,
        tpu.vector_store %arg12[%swap3A_394, %swap3A_395], %add3A_391 {strides = array<i32>} : memref<16x1024xf32, #tpu.memory_space<vmem>>, vector<16xf32>,
      }
      %scan3A_156 = arith.constant 64 : i32
      %mul3A_157 = arith.constant 16 : i32
      %mul3A_158 = arith.muli %add3A_15, %mul3A_157 : i32
      %add3A_159 = arith.constant 6 : i32
      %add3A_160 = arith.addi %mul3A_158, %add3A_159 : i32
      %get3A_161 = arith.index_cast %add3A_160 : i32 to index
      %get3A_162 = tpu.vector_load %arg8[%get3A_161] {strides = array<i32>} : memref<144xf32, #tpu.memory_space<vmem>>, vector<16xf32>,
      %slice3A_163 = vector.extract_strided_slice %get3A_162 {offsets = [0], sizes = [1], strides = [1]} : vector<16xf32> to vector<1xf32>
      %squeeze3A_164 = vector.extract %slice3A_163[0] : f32 from vector<1xf32>
      %mul3A_165 = arith.constant 16 : i32
      %mul3A_166 = arith.muli %add3A_15, %mul3A_165 : i32
      %add3A_167 = arith.constant 6 : i32
      %add3A_168 = arith.addi %mul3A_166, %add3A_167 : i32
      %get3A_169 = arith.index_cast %add3A_168 : i32 to index
      %get3A_170 = tpu.vector_load %arg9[%get3A_169] {strides = array<i32>} : memref<144xf32, #tpu.memory_space<vmem>>, vector<16xf32>,
      %slice3A_171 = vector.extract_strided_slice %get3A_170 {offsets = [0], sizes = [1], strides = [1]} : vector<16xf32> to vector<1xf32>
      %squeeze3A_172 = vector.extract %slice3A_171[0] : f32 from vector<1xf32>
      %scan3A_173 = arith.constant 0 : i32
      %scan3A_174 = arith.constant 64 : i32
      %scan3A_175 = arith.addi %scan3A_173, %scan3A_174 : i32
      %scan3A_176 = arith.constant 1 : i32
      scf.for %scan3A_370 = %scan3A_173 to %scan3A_175 step %scan3A_176  : i32 {
        %mul3A_371 = arith.constant 1 : i32
        %mul3A_372 = arith.muli %scan3A_370, %mul3A_371 : i32
        %add3A_373 = arith.constant 0 : i32
        %add3A_374 = arith.addi %add3A_373, %mul3A_372 : i32
        %mul3A_375 = arith.constant 16 : i32
        %mul3A_376 = arith.muli %add3A_374, %mul3A_375 : i32
        %get3A_377 = arith.constant 6 : i32
        %get3A_378 = arith.index_cast %get3A_377 : i32 to index
        %get3A_379 = arith.index_cast %mul3A_376 : i32 to index
        %get3A_380 = tpu.vector_load %arg10[%get3A_378, %get3A_379] {strides = array<i32>} : memref<16x1024xf32, #tpu.memory_space<vmem>>, vector<16xf32>,
        %mul3A_381 = vector.broadcast %squeeze3A_164 : f32 to vector<16xf32>
        %mul3A_382 = arith.mulf %get3A_380, %mul3A_381 : vector<16xf32>
        %mul3A_383 = arith.constant 16 : i32
        %mul3A_384 = arith.muli %add3A_374, %mul3A_383 : i32
        %get3A_385 = arith.constant 6 : i32
        %get3A_386 = arith.index_cast %get3A_385 : i32 to index
        %get3A_387 = arith.index_cast %mul3A_384 : i32 to index
        %get3A_388 = tpu.vector_load %arg11[%get3A_386, %get3A_387] {strides = array<i32>} : memref<16x1024xf32, #tpu.memory_space<vmem>>, vector<16xf32>,
        %mul3A_389 = vector.broadcast %squeeze3A_172 : f32 to vector<16xf32>
        %mul3A_390 = arith.mulf %get3A_388, %mul3A_389 : vector<16xf32>
        %add3A_391 = arith.addf %mul3A_382, %mul3A_390 : vector<16xf32>
        %mul3A_392 = arith.constant 16 : i32
        %mul3A_393 = arith.muli %add3A_374, %mul3A_392 : i32
        %swap3A = arith.constant 6 : i32
        %swap3A_394 = arith.index_cast %swap3A : i32 to index
        %swap3A_395 = arith.index_cast %mul3A_393 : i32 to index
        %swap3A_396 = tpu.vector_load %arg12[%swap3A_394, %swap3A_395] {strides = array<i32>} : memref<16x1024xf32, #tpu.memory_space<vmem>>, vector<16xf32>,
        tpu.vector_store %arg12[%swap3A_394, %swap3A_395], %add3A_391 {strides = array<i32>} : memref<16x1024xf32, #tpu.memory_space<vmem>>, vector<16xf32>,
      }
      %scan3A_177 = arith.constant 64 : i32
      %mul3A_178 = arith.constant 16 : i32
      %mul3A_179 = arith.muli %add3A_15, %mul3A_178 : i32
      %add3A_180 = arith.constant 7 : i32
      %add3A_181 = arith.addi %mul3A_179, %add3A_180 : i32
      %get3A_182 = arith.index_cast %add3A_181 : i32 to index
      %get3A_183 = tpu.vector_load %arg8[%get3A_182] {strides = array<i32>} : memref<144xf32, #tpu.memory_space<vmem>>, vector<16xf32>,
      %slice3A_184 = vector.extract_strided_slice %get3A_183 {offsets = [0], sizes = [1], strides = [1]} : vector<16xf32> to vector<1xf32>
      %squeeze3A_185 = vector.extract %slice3A_184[0] : f32 from vector<1xf32>
      %mul3A_186 = arith.constant 16 : i32
      %mul3A_187 = arith.muli %add3A_15, %mul3A_186 : i32
      %add3A_188 = arith.constant 7 : i32
      %add3A_189 = arith.addi %mul3A_187, %add3A_188 : i32
      %get3A_190 = arith.index_cast %add3A_189 : i32 to index
      %get3A_191 = tpu.vector_load %arg9[%get3A_190] {strides = array<i32>} : memref<144xf32, #tpu.memory_space<vmem>>, vector<16xf32>,
      %slice3A_192 = vector.extract_strided_slice %get3A_191 {offsets = [0], sizes = [1], strides = [1]} : vector<16xf32> to vector<1xf32>
      %squeeze3A_193 = vector.extract %slice3A_192[0] : f32 from vector<1xf32>
      %scan3A_194 = arith.constant 0 : i32
      %scan3A_195 = arith.constant 64 : i32
      %scan3A_196 = arith.addi %scan3A_194, %scan3A_195 : i32
      %scan3A_197 = arith.constant 1 : i32
      scf.for %scan3A_370 = %scan3A_194 to %scan3A_196 step %scan3A_197  : i32 {
        %mul3A_371 = arith.constant 1 : i32
        %mul3A_372 = arith.muli %scan3A_370, %mul3A_371 : i32
        %add3A_373 = arith.constant 0 : i32
        %add3A_374 = arith.addi %add3A_373, %mul3A_372 : i32
        %mul3A_375 = arith.constant 16 : i32
        %mul3A_376 = arith.muli %add3A_374, %mul3A_375 : i32
        %get3A_377 = arith.constant 7 : i32
        %get3A_378 = arith.index_cast %get3A_377 : i32 to index
        %get3A_379 = arith.index_cast %mul3A_376 : i32 to index
        %get3A_380 = tpu.vector_load %arg10[%get3A_378, %get3A_379] {strides = array<i32>} : memref<16x1024xf32, #tpu.memory_space<vmem>>, vector<16xf32>,
        %mul3A_381 = vector.broadcast %squeeze3A_185 : f32 to vector<16xf32>
        %mul3A_382 = arith.mulf %get3A_380, %mul3A_381 : vector<16xf32>
        %mul3A_383 = arith.constant 16 : i32
        %mul3A_384 = arith.muli %add3A_374, %mul3A_383 : i32
        %get3A_385 = arith.constant 7 : i32
        %get3A_386 = arith.index_cast %get3A_385 : i32 to index
        %get3A_387 = arith.index_cast %mul3A_384 : i32 to index
        %get3A_388 = tpu.vector_load %arg11[%get3A_386, %get3A_387] {strides = array<i32>} : memref<16x1024xf32, #tpu.memory_space<vmem>>, vector<16xf32>,
        %mul3A_389 = vector.broadcast %squeeze3A_193 : f32 to vector<16xf32>
        %mul3A_390 = arith.mulf %get3A_388, %mul3A_389 : vector<16xf32>
        %add3A_391 = arith.addf %mul3A_382, %mul3A_390 : vector<16xf32>
        %mul3A_392 = arith.constant 16 : i32
        %mul3A_393 = arith.muli %add3A_374, %mul3A_392 : i32
        %swap3A = arith.constant 7 : i32
        %swap3A_394 = arith.index_cast %swap3A : i32 to index
        %swap3A_395 = arith.index_cast %mul3A_393 : i32 to index
        %swap3A_396 = tpu.vector_load %arg12[%swap3A_394, %swap3A_395] {strides = array<i32>} : memref<16x1024xf32, #tpu.memory_space<vmem>>, vector<16xf32>,
        tpu.vector_store %arg12[%swap3A_394, %swap3A_395], %add3A_391 {strides = array<i32>} : memref<16x1024xf32, #tpu.memory_space<vmem>>, vector<16xf32>,
      }
      %scan3A_198 = arith.constant 64 : i32
      %mul3A_199 = arith.constant 16 : i32
      %mul3A_200 = arith.muli %add3A_15, %mul3A_199 : i32
      %add3A_201 = arith.constant 8 : i32
      %add3A_202 = arith.addi %mul3A_200, %add3A_201 : i32
      %get3A_203 = arith.index_cast %add3A_202 : i32 to index
      %get3A_204 = tpu.vector_load %arg8[%get3A_203] {strides = array<i32>} : memref<144xf32, #tpu.memory_space<vmem>>, vector<16xf32>,
      %slice3A_205 = vector.extract_strided_slice %get3A_204 {offsets = [0], sizes = [1], strides = [1]} : vector<16xf32> to vector<1xf32>
      %squeeze3A_206 = vector.extract %slice3A_205[0] : f32 from vector<1xf32>
      %mul3A_207 = arith.constant 16 : i32
      %mul3A_208 = arith.muli %add3A_15, %mul3A_207 : i32
      %add3A_209 = arith.constant 8 : i32
      %add3A_210 = arith.addi %mul3A_208, %add3A_209 : i32
      %get3A_211 = arith.index_cast %add3A_210 : i32 to index
      %get3A_212 = tpu.vector_load %arg9[%get3A_211] {strides = array<i32>} : memref<144xf32, #tpu.memory_space<vmem>>, vector<16xf32>,
      %slice3A_213 = vector.extract_strided_slice %get3A_212 {offsets = [0], sizes = [1], strides = [1]} : vector<16xf32> to vector<1xf32>
      %squeeze3A_214 = vector.extract %slice3A_213[0] : f32 from vector<1xf32>
      %scan3A_215 = arith.constant 0 : i32
      %scan3A_216 = arith.constant 64 : i32
      %scan3A_217 = arith.addi %scan3A_215, %scan3A_216 : i32
      %scan3A_218 = arith.constant 1 : i32
      scf.for %scan3A_370 = %scan3A_215 to %scan3A_217 step %scan3A_218  : i32 {
        %mul3A_371 = arith.constant 1 : i32
        %mul3A_372 = arith.muli %scan3A_370, %mul3A_371 : i32
        %add3A_373 = arith.constant 0 : i32
        %add3A_374 = arith.addi %add3A_373, %mul3A_372 : i32
        %mul3A_375 = arith.constant 16 : i32
        %mul3A_376 = arith.muli %add3A_374, %mul3A_375 : i32
        %get3A_377 = arith.constant 8 : i32
        %get3A_378 = arith.index_cast %get3A_377 : i32 to index
        %get3A_379 = arith.index_cast %mul3A_376 : i32 to index
        %get3A_380 = tpu.vector_load %arg10[%get3A_378, %get3A_379] {strides = array<i32>} : memref<16x1024xf32, #tpu.memory_space<vmem>>, vector<16xf32>,
        %mul3A_381 = vector.broadcast %squeeze3A_206 : f32 to vector<16xf32>
        %mul3A_382 = arith.mulf %get3A_380, %mul3A_381 : vector<16xf32>
        %mul3A_383 = arith.constant 16 : i32
        %mul3A_384 = arith.muli %add3A_374, %mul3A_383 : i32
        %get3A_385 = arith.constant 8 : i32
        %get3A_386 = arith.index_cast %get3A_385 : i32 to index
        %get3A_387 = arith.index_cast %mul3A_384 : i32 to index
        %get3A_388 = tpu.vector_load %arg11[%get3A_386, %get3A_387] {strides = array<i32>} : memref<16x1024xf32, #tpu.memory_space<vmem>>, vector<16xf32>,
        %mul3A_389 = vector.broadcast %squeeze3A_214 : f32 to vector<16xf32>
        %mul3A_390 = arith.mulf %get3A_388, %mul3A_389 : vector<16xf32>
        %add3A_391 = arith.addf %mul3A_382, %mul3A_390 : vector<16xf32>
        %mul3A_392 = arith.constant 16 : i32
        %mul3A_393 = arith.muli %add3A_374, %mul3A_392 : i32
        %swap3A = arith.constant 8 : i32
        %swap3A_394 = arith.index_cast %swap3A : i32 to index
        %swap3A_395 = arith.index_cast %mul3A_393 : i32 to index
        %swap3A_396 = tpu.vector_load %arg12[%swap3A_394, %swap3A_395] {strides = array<i32>} : memref<16x1024xf32, #tpu.memory_space<vmem>>, vector<16xf32>,
        tpu.vector_store %arg12[%swap3A_394, %swap3A_395], %add3A_391 {strides = array<i32>} : memref<16x1024xf32, #tpu.memory_space<vmem>>, vector<16xf32>,
      }
      %scan3A_219 = arith.constant 64 : i32
      %mul3A_220 = arith.constant 16 : i32
      %mul3A_221 = arith.muli %add3A_15, %mul3A_220 : i32
      %add3A_222 = arith.constant 9 : i32
      %add3A_223 = arith.addi %mul3A_221, %add3A_222 : i32
      %get3A_224 = arith.index_cast %add3A_223 : i32 to index
      %get3A_225 = tpu.vector_load %arg8[%get3A_224] {strides = array<i32>} : memref<144xf32, #tpu.memory_space<vmem>>, vector<16xf32>,
      %slice3A_226 = vector.extract_strided_slice %get3A_225 {offsets = [0], sizes = [1], strides = [1]} : vector<16xf32> to vector<1xf32>
      %squeeze3A_227 = vector.extract %slice3A_226[0] : f32 from vector<1xf32>
      %mul3A_228 = arith.constant 16 : i32
      %mul3A_229 = arith.muli %add3A_15, %mul3A_228 : i32
      %add3A_230 = arith.constant 9 : i32
      %add3A_231 = arith.addi %mul3A_229, %add3A_230 : i32
      %get3A_232 = arith.index_cast %add3A_231 : i32 to index
      %get3A_233 = tpu.vector_load %arg9[%get3A_232] {strides = array<i32>} : memref<144xf32, #tpu.memory_space<vmem>>, vector<16xf32>,
      %slice3A_234 = vector.extract_strided_slice %get3A_233 {offsets = [0], sizes = [1], strides = [1]} : vector<16xf32> to vector<1xf32>
      %squeeze3A_235 = vector.extract %slice3A_234[0] : f32 from vector<1xf32>
      %scan3A_236 = arith.constant 0 : i32
      %scan3A_237 = arith.constant 64 : i32
      %scan3A_238 = arith.addi %scan3A_236, %scan3A_237 : i32
      %scan3A_239 = arith.constant 1 : i32
      scf.for %scan3A_370 = %scan3A_236 to %scan3A_238 step %scan3A_239  : i32 {
        %mul3A_371 = arith.constant 1 : i32
        %mul3A_372 = arith.muli %scan3A_370, %mul3A_371 : i32
        %add3A_373 = arith.constant 0 : i32
        %add3A_374 = arith.addi %add3A_373, %mul3A_372 : i32
        %mul3A_375 = arith.constant 16 : i32
        %mul3A_376 = arith.muli %add3A_374, %mul3A_375 : i32
        %get3A_377 = arith.constant 9 : i32
        %get3A_378 = arith.index_cast %get3A_377 : i32 to index
        %get3A_379 = arith.index_cast %mul3A_376 : i32 to index
        %get3A_380 = tpu.vector_load %arg10[%get3A_378, %get3A_379] {strides = array<i32>} : memref<16x1024xf32, #tpu.memory_space<vmem>>, vector<16xf32>,
        %mul3A_381 = vector.broadcast %squeeze3A_227 : f32 to vector<16xf32>
        %mul3A_382 = arith.mulf %get3A_380, %mul3A_381 : vector<16xf32>
        %mul3A_383 = arith.constant 16 : i32
        %mul3A_384 = arith.muli %add3A_374, %mul3A_383 : i32
        %get3A_385 = arith.constant 9 : i32
        %get3A_386 = arith.index_cast %get3A_385 : i32 to index
        %get3A_387 = arith.index_cast %mul3A_384 : i32 to index
        %get3A_388 = tpu.vector_load %arg11[%get3A_386, %get3A_387] {strides = array<i32>} : memref<16x1024xf32, #tpu.memory_space<vmem>>, vector<16xf32>,
        %mul3A_389 = vector.broadcast %squeeze3A_235 : f32 to vector<16xf32>
        %mul3A_390 = arith.mulf %get3A_388, %mul3A_389 : vector<16xf32>
        %add3A_391 = arith.addf %mul3A_382, %mul3A_390 : vector<16xf32>
        %mul3A_392 = arith.constant 16 : i32
        %mul3A_393 = arith.muli %add3A_374, %mul3A_392 : i32
        %swap3A = arith.constant 9 : i32
        %swap3A_394 = arith.index_cast %swap3A : i32 to index
        %swap3A_395 = arith.index_cast %mul3A_393 : i32 to index
        %swap3A_396 = tpu.vector_load %arg12[%swap3A_394, %swap3A_395] {strides = array<i32>} : memref<16x1024xf32, #tpu.memory_space<vmem>>, vector<16xf32>,
        tpu.vector_store %arg12[%swap3A_394, %swap3A_395], %add3A_391 {strides = array<i32>} : memref<16x1024xf32, #tpu.memory_space<vmem>>, vector<16xf32>,
      }
      %scan3A_240 = arith.constant 64 : i32
      %mul3A_241 = arith.constant 16 : i32
      %mul3A_242 = arith.muli %add3A_15, %mul3A_241 : i32
      %add3A_243 = arith.constant 10 : i32
      %add3A_244 = arith.addi %mul3A_242, %add3A_243 : i32
      %get3A_245 = arith.index_cast %add3A_244 : i32 to index
      %get3A_246 = tpu.vector_load %arg8[%get3A_245] {strides = array<i32>} : memref<144xf32, #tpu.memory_space<vmem>>, vector<16xf32>,
      %slice3A_247 = vector.extract_strided_slice %get3A_246 {offsets = [0], sizes = [1], strides = [1]} : vector<16xf32> to vector<1xf32>
      %squeeze3A_248 = vector.extract %slice3A_247[0] : f32 from vector<1xf32>
      %mul3A_249 = arith.constant 16 : i32
      %mul3A_250 = arith.muli %add3A_15, %mul3A_249 : i32
      %add3A_251 = arith.constant 10 : i32
      %add3A_252 = arith.addi %mul3A_250, %add3A_251 : i32
      %get3A_253 = arith.index_cast %add3A_252 : i32 to index
      %get3A_254 = tpu.vector_load %arg9[%get3A_253] {strides = array<i32>} : memref<144xf32, #tpu.memory_space<vmem>>, vector<16xf32>,
      %slice3A_255 = vector.extract_strided_slice %get3A_254 {offsets = [0], sizes = [1], strides = [1]} : vector<16xf32> to vector<1xf32>
      %squeeze3A_256 = vector.extract %slice3A_255[0] : f32 from vector<1xf32>
      %scan3A_257 = arith.constant 0 : i32
      %scan3A_258 = arith.constant 64 : i32
      %scan3A_259 = arith.addi %scan3A_257, %scan3A_258 : i32
      %scan3A_260 = arith.constant 1 : i32
      scf.for %scan3A_370 = %scan3A_257 to %scan3A_259 step %scan3A_260  : i32 {
        %mul3A_371 = arith.constant 1 : i32
        %mul3A_372 = arith.muli %scan3A_370, %mul3A_371 : i32
        %add3A_373 = arith.constant 0 : i32
        %add3A_374 = arith.addi %add3A_373, %mul3A_372 : i32
        %mul3A_375 = arith.constant 16 : i32
        %mul3A_376 = arith.muli %add3A_374, %mul3A_375 : i32
        %get3A_377 = arith.constant 10 : i32
        %get3A_378 = arith.index_cast %get3A_377 : i32 to index
        %get3A_379 = arith.index_cast %mul3A_376 : i32 to index
        %get3A_380 = tpu.vector_load %arg10[%get3A_378, %get3A_379] {strides = array<i32>} : memref<16x1024xf32, #tpu.memory_space<vmem>>, vector<16xf32>,
        %mul3A_381 = vector.broadcast %squeeze3A_248 : f32 to vector<16xf32>
        %mul3A_382 = arith.mulf %get3A_380, %mul3A_381 : vector<16xf32>
        %mul3A_383 = arith.constant 16 : i32
        %mul3A_384 = arith.muli %add3A_374, %mul3A_383 : i32
        %get3A_385 = arith.constant 10 : i32
        %get3A_386 = arith.index_cast %get3A_385 : i32 to index
        %get3A_387 = arith.index_cast %mul3A_384 : i32 to index
        %get3A_388 = tpu.vector_load %arg11[%get3A_386, %get3A_387] {strides = array<i32>} : memref<16x1024xf32, #tpu.memory_space<vmem>>, vector<16xf32>,
        %mul3A_389 = vector.broadcast %squeeze3A_256 : f32 to vector<16xf32>
        %mul3A_390 = arith.mulf %get3A_388, %mul3A_389 : vector<16xf32>
        %add3A_391 = arith.addf %mul3A_382, %mul3A_390 : vector<16xf32>
        %mul3A_392 = arith.constant 16 : i32
        %mul3A_393 = arith.muli %add3A_374, %mul3A_392 : i32
        %swap3A = arith.constant 10 : i32
        %swap3A_394 = arith.index_cast %swap3A : i32 to index
        %swap3A_395 = arith.index_cast %mul3A_393 : i32 to index
        %swap3A_396 = tpu.vector_load %arg12[%swap3A_394, %swap3A_395] {strides = array<i32>} : memref<16x1024xf32, #tpu.memory_space<vmem>>, vector<16xf32>,
        tpu.vector_store %arg12[%swap3A_394, %swap3A_395], %add3A_391 {strides = array<i32>} : memref<16x1024xf32, #tpu.memory_space<vmem>>, vector<16xf32>,
      }
      %scan3A_261 = arith.constant 64 : i32
      %mul3A_262 = arith.constant 16 : i32
      %mul3A_263 = arith.muli %add3A_15, %mul3A_262 : i32
      %add3A_264 = arith.constant 11 : i32
      %add3A_265 = arith.addi %mul3A_263, %add3A_264 : i32
      %get3A_266 = arith.index_cast %add3A_265 : i32 to index
      %get3A_267 = tpu.vector_load %arg8[%get3A_266] {strides = array<i32>} : memref<144xf32, #tpu.memory_space<vmem>>, vector<16xf32>,
      %slice3A_268 = vector.extract_strided_slice %get3A_267 {offsets = [0], sizes = [1], strides = [1]} : vector<16xf32> to vector<1xf32>
      %squeeze3A_269 = vector.extract %slice3A_268[0] : f32 from vector<1xf32>
      %mul3A_270 = arith.constant 16 : i32
      %mul3A_271 = arith.muli %add3A_15, %mul3A_270 : i32
      %add3A_272 = arith.constant 11 : i32
      %add3A_273 = arith.addi %mul3A_271, %add3A_272 : i32
      %get3A_274 = arith.index_cast %add3A_273 : i32 to index
      %get3A_275 = tpu.vector_load %arg9[%get3A_274] {strides = array<i32>} : memref<144xf32, #tpu.memory_space<vmem>>, vector<16xf32>,
      %slice3A_276 = vector.extract_strided_slice %get3A_275 {offsets = [0], sizes = [1], strides = [1]} : vector<16xf32> to vector<1xf32>
      %squeeze3A_277 = vector.extract %slice3A_276[0] : f32 from vector<1xf32>
      %scan3A_278 = arith.constant 0 : i32
      %scan3A_279 = arith.constant 64 : i32
      %scan3A_280 = arith.addi %scan3A_278, %scan3A_279 : i32
      %scan3A_281 = arith.constant 1 : i32
      scf.for %scan3A_370 = %scan3A_278 to %scan3A_280 step %scan3A_281  : i32 {
        %mul3A_371 = arith.constant 1 : i32
        %mul3A_372 = arith.muli %scan3A_370, %mul3A_371 : i32
        %add3A_373 = arith.constant 0 : i32
        %add3A_374 = arith.addi %add3A_373, %mul3A_372 : i32
        %mul3A_375 = arith.constant 16 : i32
        %mul3A_376 = arith.muli %add3A_374, %mul3A_375 : i32
        %get3A_377 = arith.constant 11 : i32
        %get3A_378 = arith.index_cast %get3A_377 : i32 to index
        %get3A_379 = arith.index_cast %mul3A_376 : i32 to index
        %get3A_380 = tpu.vector_load %arg10[%get3A_378, %get3A_379] {strides = array<i32>} : memref<16x1024xf32, #tpu.memory_space<vmem>>, vector<16xf32>,
        %mul3A_381 = vector.broadcast %squeeze3A_269 : f32 to vector<16xf32>
        %mul3A_382 = arith.mulf %get3A_380, %mul3A_381 : vector<16xf32>
        %mul3A_383 = arith.constant 16 : i32
        %mul3A_384 = arith.muli %add3A_374, %mul3A_383 : i32
        %get3A_385 = arith.constant 11 : i32
        %get3A_386 = arith.index_cast %get3A_385 : i32 to index
        %get3A_387 = arith.index_cast %mul3A_384 : i32 to index
        %get3A_388 = tpu.vector_load %arg11[%get3A_386, %get3A_387] {strides = array<i32>} : memref<16x1024xf32, #tpu.memory_space<vmem>>, vector<16xf32>,
        %mul3A_389 = vector.broadcast %squeeze3A_277 : f32 to vector<16xf32>
        %mul3A_390 = arith.mulf %get3A_388, %mul3A_389 : vector<16xf32>
        %add3A_391 = arith.addf %mul3A_382, %mul3A_390 : vector<16xf32>
        %mul3A_392 = arith.constant 16 : i32
        %mul3A_393 = arith.muli %add3A_374, %mul3A_392 : i32
        %swap3A = arith.constant 11 : i32
        %swap3A_394 = arith.index_cast %swap3A : i32 to index
        %swap3A_395 = arith.index_cast %mul3A_393 : i32 to index
        %swap3A_396 = tpu.vector_load %arg12[%swap3A_394, %swap3A_395] {strides = array<i32>} : memref<16x1024xf32, #tpu.memory_space<vmem>>, vector<16xf32>,
        tpu.vector_store %arg12[%swap3A_394, %swap3A_395], %add3A_391 {strides = array<i32>} : memref<16x1024xf32, #tpu.memory_space<vmem>>, vector<16xf32>,
      }
      %scan3A_282 = arith.constant 64 : i32
      %mul3A_283 = arith.constant 16 : i32
      %mul3A_284 = arith.muli %add3A_15, %mul3A_283 : i32
      %add3A_285 = arith.constant 12 : i32
      %add3A_286 = arith.addi %mul3A_284, %add3A_285 : i32
      %get3A_287 = arith.index_cast %add3A_286 : i32 to index
      %get3A_288 = tpu.vector_load %arg8[%get3A_287] {strides = array<i32>} : memref<144xf32, #tpu.memory_space<vmem>>, vector<16xf32>,
      %slice3A_289 = vector.extract_strided_slice %get3A_288 {offsets = [0], sizes = [1], strides = [1]} : vector<16xf32> to vector<1xf32>
      %squeeze3A_290 = vector.extract %slice3A_289[0] : f32 from vector<1xf32>
      %mul3A_291 = arith.constant 16 : i32
      %mul3A_292 = arith.muli %add3A_15, %mul3A_291 : i32
      %add3A_293 = arith.constant 12 : i32
      %add3A_294 = arith.addi %mul3A_292, %add3A_293 : i32
      %get3A_295 = arith.index_cast %add3A_294 : i32 to index
      %get3A_296 = tpu.vector_load %arg9[%get3A_295] {strides = array<i32>} : memref<144xf32, #tpu.memory_space<vmem>>, vector<16xf32>,
      %slice3A_297 = vector.extract_strided_slice %get3A_296 {offsets = [0], sizes = [1], strides = [1]} : vector<16xf32> to vector<1xf32>
      %squeeze3A_298 = vector.extract %slice3A_297[0] : f32 from vector<1xf32>
      %scan3A_299 = arith.constant 0 : i32
      %scan3A_300 = arith.constant 64 : i32
      %scan3A_301 = arith.addi %scan3A_299, %scan3A_300 : i32
      %scan3A_302 = arith.constant 1 : i32
      scf.for %scan3A_370 = %scan3A_299 to %scan3A_301 step %scan3A_302  : i32 {
        %mul3A_371 = arith.constant 1 : i32
        %mul3A_372 = arith.muli %scan3A_370, %mul3A_371 : i32
        %add3A_373 = arith.constant 0 : i32
        %add3A_374 = arith.addi %add3A_373, %mul3A_372 : i32
        %mul3A_375 = arith.constant 16 : i32
        %mul3A_376 = arith.muli %add3A_374, %mul3A_375 : i32
        %get3A_377 = arith.constant 12 : i32
        %get3A_378 = arith.index_cast %get3A_377 : i32 to index
        %get3A_379 = arith.index_cast %mul3A_376 : i32 to index
        %get3A_380 = tpu.vector_load %arg10[%get3A_378, %get3A_379] {strides = array<i32>} : memref<16x1024xf32, #tpu.memory_space<vmem>>, vector<16xf32>,
        %mul3A_381 = vector.broadcast %squeeze3A_290 : f32 to vector<16xf32>
        %mul3A_382 = arith.mulf %get3A_380, %mul3A_381 : vector<16xf32>
        %mul3A_383 = arith.constant 16 : i32
        %mul3A_384 = arith.muli %add3A_374, %mul3A_383 : i32
        %get3A_385 = arith.constant 12 : i32
        %get3A_386 = arith.index_cast %get3A_385 : i32 to index
        %get3A_387 = arith.index_cast %mul3A_384 : i32 to index
        %get3A_388 = tpu.vector_load %arg11[%get3A_386, %get3A_387] {strides = array<i32>} : memref<16x1024xf32, #tpu.memory_space<vmem>>, vector<16xf32>,
        %mul3A_389 = vector.broadcast %squeeze3A_298 : f32 to vector<16xf32>
        %mul3A_390 = arith.mulf %get3A_388, %mul3A_389 : vector<16xf32>
        %add3A_391 = arith.addf %mul3A_382, %mul3A_390 : vector<16xf32>
        %mul3A_392 = arith.constant 16 : i32
        %mul3A_393 = arith.muli %add3A_374, %mul3A_392 : i32
        %swap3A = arith.constant 12 : i32
        %swap3A_394 = arith.index_cast %swap3A : i32 to index
        %swap3A_395 = arith.index_cast %mul3A_393 : i32 to index
        %swap3A_396 = tpu.vector_load %arg12[%swap3A_394, %swap3A_395] {strides = array<i32>} : memref<16x1024xf32, #tpu.memory_space<vmem>>, vector<16xf32>,
        tpu.vector_store %arg12[%swap3A_394, %swap3A_395], %add3A_391 {strides = array<i32>} : memref<16x1024xf32, #tpu.memory_space<vmem>>, vector<16xf32>,
      }
      %scan3A_303 = arith.constant 64 : i32
      %mul3A_304 = arith.constant 16 : i32
      %mul3A_305 = arith.muli %add3A_15, %mul3A_304 : i32
      %add3A_306 = arith.constant 13 : i32
      %add3A_307 = arith.addi %mul3A_305, %add3A_306 : i32
      %get3A_308 = arith.index_cast %add3A_307 : i32 to index
      %get3A_309 = tpu.vector_load %arg8[%get3A_308] {strides = array<i32>} : memref<144xf32, #tpu.memory_space<vmem>>, vector<16xf32>,
      %slice3A_310 = vector.extract_strided_slice %get3A_309 {offsets = [0], sizes = [1], strides = [1]} : vector<16xf32> to vector<1xf32>
      %squeeze3A_311 = vector.extract %slice3A_310[0] : f32 from vector<1xf32>
      %mul3A_312 = arith.constant 16 : i32
      %mul3A_313 = arith.muli %add3A_15, %mul3A_312 : i32
      %add3A_314 = arith.constant 13 : i32
      %add3A_315 = arith.addi %mul3A_313, %add3A_314 : i32
      %get3A_316 = arith.index_cast %add3A_315 : i32 to index
      %get3A_317 = tpu.vector_load %arg9[%get3A_316] {strides = array<i32>} : memref<144xf32, #tpu.memory_space<vmem>>, vector<16xf32>,
      %slice3A_318 = vector.extract_strided_slice %get3A_317 {offsets = [0], sizes = [1], strides = [1]} : vector<16xf32> to vector<1xf32>
      %squeeze3A_319 = vector.extract %slice3A_318[0] : f32 from vector<1xf32>
      %scan3A_320 = arith.constant 0 : i32
      %scan3A_321 = arith.constant 64 : i32
      %scan3A_322 = arith.addi %scan3A_320, %scan3A_321 : i32
      %scan3A_323 = arith.constant 1 : i32
      scf.for %scan3A_370 = %scan3A_320 to %scan3A_322 step %scan3A_323  : i32 {
        %mul3A_371 = arith.constant 1 : i32
        %mul3A_372 = arith.muli %scan3A_370, %mul3A_371 : i32
        %add3A_373 = arith.constant 0 : i32
        %add3A_374 = arith.addi %add3A_373, %mul3A_372 : i32
        %mul3A_375 = arith.constant 16 : i32
        %mul3A_376 = arith.muli %add3A_374, %mul3A_375 : i32
        %get3A_377 = arith.constant 13 : i32
        %get3A_378 = arith.index_cast %get3A_377 : i32 to index
        %get3A_379 = arith.index_cast %mul3A_376 : i32 to index
        %get3A_380 = tpu.vector_load %arg10[%get3A_378, %get3A_379] {strides = array<i32>} : memref<16x1024xf32, #tpu.memory_space<vmem>>, vector<16xf32>,
        %mul3A_381 = vector.broadcast %squeeze3A_311 : f32 to vector<16xf32>
        %mul3A_382 = arith.mulf %get3A_380, %mul3A_381 : vector<16xf32>
        %mul3A_383 = arith.constant 16 : i32
        %mul3A_384 = arith.muli %add3A_374, %mul3A_383 : i32
        %get3A_385 = arith.constant 13 : i32
        %get3A_386 = arith.index_cast %get3A_385 : i32 to index
        %get3A_387 = arith.index_cast %mul3A_384 : i32 to index
        %get3A_388 = tpu.vector_load %arg11[%get3A_386, %get3A_387] {strides = array<i32>} : memref<16x1024xf32, #tpu.memory_space<vmem>>, vector<16xf32>,
        %mul3A_389 = vector.broadcast %squeeze3A_319 : f32 to vector<16xf32>
        %mul3A_390 = arith.mulf %get3A_388, %mul3A_389 : vector<16xf32>
        %add3A_391 = arith.addf %mul3A_382, %mul3A_390 : vector<16xf32>
        %mul3A_392 = arith.constant 16 : i32
        %mul3A_393 = arith.muli %add3A_374, %mul3A_392 : i32
        %swap3A = arith.constant 13 : i32
        %swap3A_394 = arith.index_cast %swap3A : i32 to index
        %swap3A_395 = arith.index_cast %mul3A_393 : i32 to index
        %swap3A_396 = tpu.vector_load %arg12[%swap3A_394, %swap3A_395] {strides = array<i32>} : memref<16x1024xf32, #tpu.memory_space<vmem>>, vector<16xf32>,
        tpu.vector_store %arg12[%swap3A_394, %swap3A_395], %add3A_391 {strides = array<i32>} : memref<16x1024xf32, #tpu.memory_space<vmem>>, vector<16xf32>,
      }
      %scan3A_324 = arith.constant 64 : i32
      %mul3A_325 = arith.constant 16 : i32
      %mul3A_326 = arith.muli %add3A_15, %mul3A_325 : i32
      %add3A_327 = arith.constant 14 : i32
      %add3A_328 = arith.addi %mul3A_326, %add3A_327 : i32
      %get3A_329 = arith.index_cast %add3A_328 : i32 to index
      %get3A_330 = tpu.vector_load %arg8[%get3A_329] {strides = array<i32>} : memref<144xf32, #tpu.memory_space<vmem>>, vector<16xf32>,
      %slice3A_331 = vector.extract_strided_slice %get3A_330 {offsets = [0], sizes = [1], strides = [1]} : vector<16xf32> to vector<1xf32>
      %squeeze3A_332 = vector.extract %slice3A_331[0] : f32 from vector<1xf32>
      %mul3A_333 = arith.constant 16 : i32
      %mul3A_334 = arith.muli %add3A_15, %mul3A_333 : i32
      %add3A_335 = arith.constant 14 : i32
      %add3A_336 = arith.addi %mul3A_334, %add3A_335 : i32
      %get3A_337 = arith.index_cast %add3A_336 : i32 to index
      %get3A_338 = tpu.vector_load %arg9[%get3A_337] {strides = array<i32>} : memref<144xf32, #tpu.memory_space<vmem>>, vector<16xf32>,
      %slice3A_339 = vector.extract_strided_slice %get3A_338 {offsets = [0], sizes = [1], strides = [1]} : vector<16xf32> to vector<1xf32>
      %squeeze3A_340 = vector.extract %slice3A_339[0] : f32 from vector<1xf32>
      %scan3A_341 = arith.constant 0 : i32
      %scan3A_342 = arith.constant 64 : i32
      %scan3A_343 = arith.addi %scan3A_341, %scan3A_342 : i32
      %scan3A_344 = arith.constant 1 : i32
      scf.for %scan3A_370 = %scan3A_341 to %scan3A_343 step %scan3A_344  : i32 {
        %mul3A_371 = arith.constant 1 : i32
        %mul3A_372 = arith.muli %scan3A_370, %mul3A_371 : i32
        %add3A_373 = arith.constant 0 : i32
        %add3A_374 = arith.addi %add3A_373, %mul3A_372 : i32
        %mul3A_375 = arith.constant 16 : i32
        %mul3A_376 = arith.muli %add3A_374, %mul3A_375 : i32
        %get3A_377 = arith.constant 14 : i32
        %get3A_378 = arith.index_cast %get3A_377 : i32 to index
        %get3A_379 = arith.index_cast %mul3A_376 : i32 to index
        %get3A_380 = tpu.vector_load %arg10[%get3A_378, %get3A_379] {strides = array<i32>} : memref<16x1024xf32, #tpu.memory_space<vmem>>, vector<16xf32>,
        %mul3A_381 = vector.broadcast %squeeze3A_332 : f32 to vector<16xf32>
        %mul3A_382 = arith.mulf %get3A_380, %mul3A_381 : vector<16xf32>
        %mul3A_383 = arith.constant 16 : i32
        %mul3A_384 = arith.muli %add3A_374, %mul3A_383 : i32
        %get3A_385 = arith.constant 14 : i32
        %get3A_386 = arith.index_cast %get3A_385 : i32 to index
        %get3A_387 = arith.index_cast %mul3A_384 : i32 to index
        %get3A_388 = tpu.vector_load %arg11[%get3A_386, %get3A_387] {strides = array<i32>} : memref<16x1024xf32, #tpu.memory_space<vmem>>, vector<16xf32>,
        %mul3A_389 = vector.broadcast %squeeze3A_340 : f32 to vector<16xf32>
        %mul3A_390 = arith.mulf %get3A_388, %mul3A_389 : vector<16xf32>
        %add3A_391 = arith.addf %mul3A_382, %mul3A_390 : vector<16xf32>
        %mul3A_392 = arith.constant 16 : i32
        %mul3A_393 = arith.muli %add3A_374, %mul3A_392 : i32
        %swap3A = arith.constant 14 : i32
        %swap3A_394 = arith.index_cast %swap3A : i32 to index
        %swap3A_395 = arith.index_cast %mul3A_393 : i32 to index
        %swap3A_396 = tpu.vector_load %arg12[%swap3A_394, %swap3A_395] {strides = array<i32>} : memref<16x1024xf32, #tpu.memory_space<vmem>>, vector<16xf32>,
        tpu.vector_store %arg12[%swap3A_394, %swap3A_395], %add3A_391 {strides = array<i32>} : memref<16x1024xf32, #tpu.memory_space<vmem>>, vector<16xf32>,
      }
      %scan3A_345 = arith.constant 64 : i32
      %mul3A_346 = arith.constant 16 : i32
      %mul3A_347 = arith.muli %add3A_15, %mul3A_346 : i32
      %add3A_348 = arith.constant 15 : i32
      %add3A_349 = arith.addi %mul3A_347, %add3A_348 : i32
      %get3A_350 = arith.index_cast %add3A_349 : i32 to index
      %get3A_351 = tpu.vector_load %arg8[%get3A_350] {strides = array<i32>} : memref<144xf32, #tpu.memory_space<vmem>>, vector<16xf32>,
      %slice3A_352 = vector.extract_strided_slice %get3A_351 {offsets = [0], sizes = [1], strides = [1]} : vector<16xf32> to vector<1xf32>
      %squeeze3A_353 = vector.extract %slice3A_352[0] : f32 from vector<1xf32>
      %mul3A_354 = arith.constant 16 : i32
      %mul3A_355 = arith.muli %add3A_15, %mul3A_354 : i32
      %add3A_356 = arith.constant 15 : i32
      %add3A_357 = arith.addi %mul3A_355, %add3A_356 : i32
      %get3A_358 = arith.index_cast %add3A_357 : i32 to index
      %get3A_359 = tpu.vector_load %arg9[%get3A_358] {strides = array<i32>} : memref<144xf32, #tpu.memory_space<vmem>>, vector<16xf32>,
      %slice3A_360 = vector.extract_strided_slice %get3A_359 {offsets = [0], sizes = [1], strides = [1]} : vector<16xf32> to vector<1xf32>
      %squeeze3A_361 = vector.extract %slice3A_360[0] : f32 from vector<1xf32>
      %scan3A_362 = arith.constant 0 : i32
      %scan3A_363 = arith.constant 64 : i32
      %scan3A_364 = arith.addi %scan3A_362, %scan3A_363 : i32
      %scan3A_365 = arith.constant 1 : i32
      scf.for %scan3A_370 = %scan3A_362 to %scan3A_364 step %scan3A_365  : i32 {
        %mul3A_371 = arith.constant 1 : i32
        %mul3A_372 = arith.muli %scan3A_370, %mul3A_371 : i32
        %add3A_373 = arith.constant 0 : i32
        %add3A_374 = arith.addi %add3A_373, %mul3A_372 : i32
        %mul3A_375 = arith.constant 16 : i32
        %mul3A_376 = arith.muli %add3A_374, %mul3A_375 : i32
        %get3A_377 = arith.constant 15 : i32
        %get3A_378 = arith.index_cast %get3A_377 : i32 to index
        %get3A_379 = arith.index_cast %mul3A_376 : i32 to index
        %get3A_380 = tpu.vector_load %arg10[%get3A_378, %get3A_379] {strides = array<i32>} : memref<16x1024xf32, #tpu.memory_space<vmem>>, vector<16xf32>,
        %mul3A_381 = vector.broadcast %squeeze3A_353 : f32 to vector<16xf32>
        %mul3A_382 = arith.mulf %get3A_380, %mul3A_381 : vector<16xf32>
        %mul3A_383 = arith.constant 16 : i32
        %mul3A_384 = arith.muli %add3A_374, %mul3A_383 : i32
        %get3A_385 = arith.constant 15 : i32
        %get3A_386 = arith.index_cast %get3A_385 : i32 to index
        %get3A_387 = arith.index_cast %mul3A_384 : i32 to index
        %get3A_388 = tpu.vector_load %arg11[%get3A_386, %get3A_387] {strides = array<i32>} : memref<16x1024xf32, #tpu.memory_space<vmem>>, vector<16xf32>,
        %mul3A_389 = vector.broadcast %squeeze3A_361 : f32 to vector<16xf32>
        %mul3A_390 = arith.mulf %get3A_388, %mul3A_389 : vector<16xf32>
        %add3A_391 = arith.addf %mul3A_382, %mul3A_390 : vector<16xf32>
        %mul3A_392 = arith.constant 16 : i32
        %mul3A_393 = arith.muli %add3A_374, %mul3A_392 : i32
        %swap3A = arith.constant 15 : i32
        %swap3A_394 = arith.index_cast %swap3A : i32 to index
        %swap3A_395 = arith.index_cast %mul3A_393 : i32 to index
        %swap3A_396 = tpu.vector_load %arg12[%swap3A_394, %swap3A_395] {strides = array<i32>} : memref<16x1024xf32, #tpu.memory_space<vmem>>, vector<16xf32>,
        tpu.vector_store %arg12[%swap3A_394, %swap3A_395], %add3A_391 {strides = array<i32>} : memref<16x1024xf32, #tpu.memory_space<vmem>>, vector<16xf32>,
      }
      %scan3A_366 = arith.constant 64 : i32
      %mul3A_367 = arith.constant 16 : i32
      %mul3A_368 = arith.muli %add3A_15, %mul3A_367 : i32
      %add3A_369 = arith.addi %mul3A_2, %mul3A_368 : i32
      "tpu.region"() ({
        %run_scoped3A = tpu.sem_alloc : memref<!tpu.dma_semaphore, #tpu.memory_space<semaphore_mem>>
        %dma_start3A_370 = arith.constant 0 : i32
        %dma_start3A_371 = tpu.memref_slice %arg5[%add3A_369, %dma_start3A_370] : memref<4096x1024xf32, #tpu.memory_space<hbm>> -> memref<16x1024xf32, #tpu.memory_space<hbm>>
        %dma_start3A_372 = arith.constant 0 : i32
        %dma_start3A_373 = tpu.memref_slice %arg5[%add3A_369, %dma_start3A_372] : memref<4096x1024xf32, #tpu.memory_space<hbm>> -> memref<16x1024xf32, #tpu.memory_space<hbm>>
        tpu.enqueue_dma source(%arg12 : memref<16x1024xf32, #tpu.memory_space<vmem>>) target(%dma_start3A_373 : memref<16x1024xf32, #tpu.memory_space<hbm>>) target_semaphore(%run_scoped3A : memref<!tpu.dma_semaphore, #tpu.memory_space<semaphore_mem>>)
        %dma_wait3A_374 = arith.constant 0 : i32
        %dma_wait3A_375 = tpu.memref_slice %arg5[%add3A_369, %dma_wait3A_374] : memref<4096x1024xf32, #tpu.memory_space<hbm>> -> memref<16x1024xf32, #tpu.memory_space<hbm>>
        %dma_wait3A_376 = arith.constant 0 : i32
        %dma_wait3A_377 = tpu.memref_slice %arg5[%add3A_369, %dma_wait3A_376] : memref<4096x1024xf32, #tpu.memory_space<hbm>> -> memref<16x1024xf32, #tpu.memory_space<hbm>>
        tpu.wait_dma2 semaphore(%run_scoped3A : memref<!tpu.dma_semaphore, #tpu.memory_space<semaphore_mem>>) src(%arg12 : memref<16x1024xf32, #tpu.memory_space<vmem>>) dst(%dma_wait3A_377 : memref<16x1024xf32, #tpu.memory_space<hbm>>)
        tpu.yield
      }) : () -> ()
    }
    %scan3A_10 = arith.constant 8 : i32
    return
  }
}

#map = affine_map<(d0, d1) -> (0)>
module attributes {stable_mosaic.version = 14 : i64} {
  func.func @_dispatch_body(%arg0: i32, %arg1: i32, %arg2: memref<8192xi32, #tpu.memory_space<hbm>>, %arg3: memref<8192xi32, #tpu.memory_space<hbm>>, %arg4: memref<10240xi32, #tpu.memory_space<hbm>>, %arg5: memref<48xi32, #tpu.memory_space<hbm>>, %arg6: memref<512xi32, #tpu.memory_space<vmem>>, %arg7: memref<512xi32, #tpu.memory_space<vmem>>, %arg8: memref<512xi32, #tpu.memory_space<vmem>>, %arg9: memref<512xi32, #tpu.memory_space<vmem>>, %arg10: memref<640xi32, #tpu.memory_space<vmem>>, %arg11: memref<16x16xi32, #tpu.memory_space<vmem>>, %arg12: memref<48xi32, #tpu.memory_space<vmem>>, %arg13: memref<16xi32, #tpu.memory_space<vmem>>, %arg14: memref<16xi32, #tpu.memory_space<vmem>>, %arg15: memref<16x16xi32, #tpu.memory_space<vmem_shared>>, %arg16: memref<10240xi32, #tpu.memory_space<vmem_shared>>) attributes {dimension_semantics = [#tpu.dimension_semantics<core_parallel>, #tpu.dimension_semantics<subcore_parallel>], iteration_bounds = array<i64: 2, 16>, scalar_prefetch = 0 : i64, scratch_operands = 11 : i64, tpu.core_type = #tpu.core_type<sc_vector_subcore>, window_params = [{transform_indices = #map}, {transform_indices = #map}, {transform_indices = #map}, {transform_indices = #map}]} {
    %iota3A = tpu.iota {dimensions = array<i32: 0>} : vector<16xi32>
    %eq3A = arith.constant 0 : i32
    %eq3A_0 = arith.cmpi eq, %arg0, %eq3A : i32
    %convert_element_type3A = arith.extui %eq3A_0 : i1 to i32
    %cond3A = arith.constant 0 : i32
    %cond3A_1 = arith.cmpi ne, %convert_element_type3A, %cond3A : i32
    scf.if %cond3A_1 {
      %mul3A = arith.constant 512 : i32
      %mul3A_2 = arith.muli %arg1, %mul3A : i32
      "tpu.region"() ({
        %run_scoped3A = tpu.sem_alloc : memref<!tpu.dma_semaphore, #tpu.memory_space<semaphore_mem>>
        %dma_start3A = tpu.memref_slice %arg2[%mul3A_2] : memref<8192xi32, #tpu.memory_space<hbm>> -> memref<512xi32, #tpu.memory_space<hbm>>
        %dma_start3A_220 = tpu.memref_slice %arg2[%mul3A_2] : memref<8192xi32, #tpu.memory_space<hbm>> -> memref<512xi32, #tpu.memory_space<hbm>>
        tpu.enqueue_dma source(%dma_start3A_220 : memref<512xi32, #tpu.memory_space<hbm>>) target(%arg6 : memref<512xi32, #tpu.memory_space<vmem>>) target_semaphore(%run_scoped3A : memref<!tpu.dma_semaphore, #tpu.memory_space<semaphore_mem>>)
        %dma_wait3A = tpu.memref_slice %arg2[%mul3A_2] : memref<8192xi32, #tpu.memory_space<hbm>> -> memref<512xi32, #tpu.memory_space<hbm>>
        %dma_wait3A_221 = tpu.memref_slice %arg2[%mul3A_2] : memref<8192xi32, #tpu.memory_space<hbm>> -> memref<512xi32, #tpu.memory_space<hbm>>
        tpu.wait_dma2 semaphore(%run_scoped3A : memref<!tpu.dma_semaphore, #tpu.memory_space<semaphore_mem>>) src(%dma_wait3A_221 : memref<512xi32, #tpu.memory_space<hbm>>) dst(%arg6 : memref<512xi32, #tpu.memory_space<vmem>>)
        tpu.yield
      }) : () -> ()
      %broadcast_in_dim3A = arith.constant 0 : i32
      %broadcast_in_dim3A_3 = vector.broadcast %broadcast_in_dim3A : i32 to vector<16xi32>
      %swap3A = arith.constant 0 : index
      %swap3A_4 = tpu.vector_load %arg13[%swap3A] {strides = array<i32>} : memref<16xi32, #tpu.memory_space<vmem>>, vector<16xi32>,
      tpu.vector_store %arg13[%swap3A], %broadcast_in_dim3A_3 {strides = array<i32>} : memref<16xi32, #tpu.memory_space<vmem>>, vector<16xi32>,
      %scan3A = arith.constant 0 : i32
      %scan3A_5 = arith.constant 32 : i32
      %scan3A_6 = arith.addi %scan3A, %scan3A_5 : i32
      %scan3A_7 = arith.constant 1 : i32
      scf.for %scan3A_220 = %scan3A to %scan3A_6 step %scan3A_7  : i32 {
        %mul3A_221 = arith.constant 1 : i32
        %mul3A_222 = arith.muli %scan3A_220, %mul3A_221 : i32
        %add3A_223 = arith.constant 0 : i32
        %add3A_224 = arith.addi %add3A_223, %mul3A_222 : i32
        %mul3A_225 = arith.constant 16 : i32
        %mul3A_226 = arith.muli %add3A_224, %mul3A_225 : i32
        %get3A_227 = arith.index_cast %mul3A_226 : i32 to index
        %get3A_228 = tpu.vector_load %arg6[%get3A_227] {strides = array<i32>} : memref<512xi32, #tpu.memory_space<vmem>>, vector<16xi32>,
        %gather3A = tpu.vector_load_idx %arg13[%get3A_228] : memref<16xi32, #tpu.memory_space<vmem>>[vector<16xi32>], vector<16xi32>,
        %broadcast_in_dim3A_229 = arith.constant 0 : i32
        %broadcast_in_dim3A_230 = vector.broadcast %broadcast_in_dim3A_229 : i32 to vector<16xi32>
        %broadcast_in_dim3A_231 = arith.constant 0 : i32
        %broadcast_in_dim3A_232 = vector.broadcast %broadcast_in_dim3A_231 : i32 to vector<16xi32>
        %eq3A_233 = arith.constant 0 : i32
        %eq3A_234 = vector.broadcast %eq3A_233 : i32 to vector<16xi32>
        %eq3A_235 = arith.cmpi eq, %get3A_228, %eq3A_234 : vector<16xi32>
        %convert_element_type3A_236 = arith.extui %eq3A_235 : vector<16xi1> to vector<16xi32>
        %broadcast_in_dim3A_237 = arith.constant true
        %broadcast_in_dim3A_238 = vector.broadcast %broadcast_in_dim3A_237 : i1 to vector<16xi1>
        %masked_cumsum3A_239 = tpu.scan <sum>, %convert_element_type3A_236 masked %broadcast_in_dim3A_238 : vector<16xi32>, vector<16xi1> -> vector<16xi32>
        %sub3A_240 = arith.constant 1 : i32
        %sub3A_241 = vector.broadcast %sub3A_240 : i32 to vector<16xi32>
        %sub3A_242 = arith.subi %masked_cumsum3A_239, %sub3A_241 : vector<16xi32>
        %select_n3A = arith.select %eq3A_235, %sub3A_242, %broadcast_in_dim3A_230 : vector<16xi1>, vector<16xi32>
        %reduce_max3A = arith.constant true
        %reduce_max3A_243 = vector.broadcast %reduce_max3A : i1 to vector<16xi1>
        %reduce_max3A_244 = arith.constant -2147483648 : i32
        %reduce_max3A_245 = vector.broadcast %reduce_max3A_244 : i32 to vector<16xi32>
        %reduce_max3A_246 = arith.xori %masked_cumsum3A_239, %reduce_max3A_245 : vector<16xi32>
        %reduce_max3A_247 = tpu.scan <max>, %reduce_max3A_246 masked %reduce_max3A_243 : vector<16xi32>, vector<16xi1> -> vector<16xi32>
        %reduce_max3A_248 = arith.xori %reduce_max3A_247, %reduce_max3A_245 : vector<16xi32>
        %reduce_max3A_249 = vector.extract %reduce_max3A_248[15] : i32 from vector<16xi32>
        %eq3A_250 = arith.constant 0 : i32
        %eq3A_251 = vector.broadcast %eq3A_250 : i32 to vector<16xi32>
        %eq3A_252 = arith.cmpi eq, %iota3A, %eq3A_251 : vector<16xi32>
        %jit3A = arith.constant 1 : i32
        %jit3A_253 = arith.constant 0 : i32
        %broadcast_in_dim3A_254 = vector.broadcast %jit3A : i32 to vector<16xi32>
        %broadcast_in_dim3A_255 = vector.broadcast %jit3A_253 : i32 to vector<16xi32>
        %select_n3A_256 = arith.select %eq3A_252, %broadcast_in_dim3A_254, %broadcast_in_dim3A_255 : vector<16xi1>, vector<16xi32>
        %mul3A_257 = vector.broadcast %reduce_max3A_249 : i32 to vector<16xi32>
        %mul3A_258 = arith.muli %select_n3A_256, %mul3A_257 : vector<16xi32>
        %add3A_259 = arith.addi %broadcast_in_dim3A_232, %mul3A_258 : vector<16xi32>
        %eq3A_260 = arith.constant 1 : i32
        %eq3A_261 = vector.broadcast %eq3A_260 : i32 to vector<16xi32>
        %eq3A_262 = arith.cmpi eq, %get3A_228, %eq3A_261 : vector<16xi32>
        %convert_element_type3A_263 = arith.extui %eq3A_262 : vector<16xi1> to vector<16xi32>
        %broadcast_in_dim3A_264 = arith.constant true
        %broadcast_in_dim3A_265 = vector.broadcast %broadcast_in_dim3A_264 : i1 to vector<16xi1>
        %masked_cumsum3A_266 = tpu.scan <sum>, %convert_element_type3A_263 masked %broadcast_in_dim3A_265 : vector<16xi32>, vector<16xi1> -> vector<16xi32>
        %sub3A_267 = arith.constant 1 : i32
        %sub3A_268 = vector.broadcast %sub3A_267 : i32 to vector<16xi32>
        %sub3A_269 = arith.subi %masked_cumsum3A_266, %sub3A_268 : vector<16xi32>
        %select_n3A_270 = arith.select %eq3A_262, %sub3A_269, %select_n3A : vector<16xi1>, vector<16xi32>
        %reduce_max3A_271 = arith.constant true
        %reduce_max3A_272 = vector.broadcast %reduce_max3A_271 : i1 to vector<16xi1>
        %reduce_max3A_273 = arith.constant -2147483648 : i32
        %reduce_max3A_274 = vector.broadcast %reduce_max3A_273 : i32 to vector<16xi32>
        %reduce_max3A_275 = arith.xori %masked_cumsum3A_266, %reduce_max3A_274 : vector<16xi32>
        %reduce_max3A_276 = tpu.scan <max>, %reduce_max3A_275 masked %reduce_max3A_272 : vector<16xi32>, vector<16xi1> -> vector<16xi32>
        %reduce_max3A_277 = arith.xori %reduce_max3A_276, %reduce_max3A_274 : vector<16xi32>
        %reduce_max3A_278 = vector.extract %reduce_max3A_277[15] : i32 from vector<16xi32>
        %eq3A_279 = arith.constant 1 : i32
        %eq3A_280 = vector.broadcast %eq3A_279 : i32 to vector<16xi32>
        %eq3A_281 = arith.cmpi eq, %iota3A, %eq3A_280 : vector<16xi32>
        %jit3A_282 = arith.constant 1 : i32
        %jit3A_283 = arith.constant 0 : i32
        %broadcast_in_dim3A_284 = vector.broadcast %jit3A_282 : i32 to vector<16xi32>
        %broadcast_in_dim3A_285 = vector.broadcast %jit3A_283 : i32 to vector<16xi32>
        %select_n3A_286 = arith.select %eq3A_281, %broadcast_in_dim3A_284, %broadcast_in_dim3A_285 : vector<16xi1>, vector<16xi32>
        %mul3A_287 = vector.broadcast %reduce_max3A_278 : i32 to vector<16xi32>
        %mul3A_288 = arith.muli %select_n3A_286, %mul3A_287 : vector<16xi32>
        %add3A_289 = arith.addi %add3A_259, %mul3A_288 : vector<16xi32>
        %eq3A_290 = arith.constant 2 : i32
        %eq3A_291 = vector.broadcast %eq3A_290 : i32 to vector<16xi32>
        %eq3A_292 = arith.cmpi eq, %get3A_228, %eq3A_291 : vector<16xi32>
        %convert_element_type3A_293 = arith.extui %eq3A_292 : vector<16xi1> to vector<16xi32>
        %broadcast_in_dim3A_294 = arith.constant true
        %broadcast_in_dim3A_295 = vector.broadcast %broadcast_in_dim3A_294 : i1 to vector<16xi1>
        %masked_cumsum3A_296 = tpu.scan <sum>, %convert_element_type3A_293 masked %broadcast_in_dim3A_295 : vector<16xi32>, vector<16xi1> -> vector<16xi32>
        %sub3A_297 = arith.constant 1 : i32
        %sub3A_298 = vector.broadcast %sub3A_297 : i32 to vector<16xi32>
        %sub3A_299 = arith.subi %masked_cumsum3A_296, %sub3A_298 : vector<16xi32>
        %select_n3A_300 = arith.select %eq3A_292, %sub3A_299, %select_n3A_270 : vector<16xi1>, vector<16xi32>
        %reduce_max3A_301 = arith.constant true
        %reduce_max3A_302 = vector.broadcast %reduce_max3A_301 : i1 to vector<16xi1>
        %reduce_max3A_303 = arith.constant -2147483648 : i32
        %reduce_max3A_304 = vector.broadcast %reduce_max3A_303 : i32 to vector<16xi32>
        %reduce_max3A_305 = arith.xori %masked_cumsum3A_296, %reduce_max3A_304 : vector<16xi32>
        %reduce_max3A_306 = tpu.scan <max>, %reduce_max3A_305 masked %reduce_max3A_302 : vector<16xi32>, vector<16xi1> -> vector<16xi32>
        %reduce_max3A_307 = arith.xori %reduce_max3A_306, %reduce_max3A_304 : vector<16xi32>
        %reduce_max3A_308 = vector.extract %reduce_max3A_307[15] : i32 from vector<16xi32>
        %eq3A_309 = arith.constant 2 : i32
        %eq3A_310 = vector.broadcast %eq3A_309 : i32 to vector<16xi32>
        %eq3A_311 = arith.cmpi eq, %iota3A, %eq3A_310 : vector<16xi32>
        %jit3A_312 = arith.constant 1 : i32
        %jit3A_313 = arith.constant 0 : i32
        %broadcast_in_dim3A_314 = vector.broadcast %jit3A_312 : i32 to vector<16xi32>
        %broadcast_in_dim3A_315 = vector.broadcast %jit3A_313 : i32 to vector<16xi32>
        %select_n3A_316 = arith.select %eq3A_311, %broadcast_in_dim3A_314, %broadcast_in_dim3A_315 : vector<16xi1>, vector<16xi32>
        %mul3A_317 = vector.broadcast %reduce_max3A_308 : i32 to vector<16xi32>
        %mul3A_318 = arith.muli %select_n3A_316, %mul3A_317 : vector<16xi32>
        %add3A_319 = arith.addi %add3A_289, %mul3A_318 : vector<16xi32>
        %eq3A_320 = arith.constant 3 : i32
        %eq3A_321 = vector.broadcast %eq3A_320 : i32 to vector<16xi32>
        %eq3A_322 = arith.cmpi eq, %get3A_228, %eq3A_321 : vector<16xi32>
        %convert_element_type3A_323 = arith.extui %eq3A_322 : vector<16xi1> to vector<16xi32>
        %broadcast_in_dim3A_324 = arith.constant true
        %broadcast_in_dim3A_325 = vector.broadcast %broadcast_in_dim3A_324 : i1 to vector<16xi1>
        %masked_cumsum3A_326 = tpu.scan <sum>, %convert_element_type3A_323 masked %broadcast_in_dim3A_325 : vector<16xi32>, vector<16xi1> -> vector<16xi32>
        %sub3A_327 = arith.constant 1 : i32
        %sub3A_328 = vector.broadcast %sub3A_327 : i32 to vector<16xi32>
        %sub3A_329 = arith.subi %masked_cumsum3A_326, %sub3A_328 : vector<16xi32>
        %select_n3A_330 = arith.select %eq3A_322, %sub3A_329, %select_n3A_300 : vector<16xi1>, vector<16xi32>
        %reduce_max3A_331 = arith.constant true
        %reduce_max3A_332 = vector.broadcast %reduce_max3A_331 : i1 to vector<16xi1>
        %reduce_max3A_333 = arith.constant -2147483648 : i32
        %reduce_max3A_334 = vector.broadcast %reduce_max3A_333 : i32 to vector<16xi32>
        %reduce_max3A_335 = arith.xori %masked_cumsum3A_326, %reduce_max3A_334 : vector<16xi32>
        %reduce_max3A_336 = tpu.scan <max>, %reduce_max3A_335 masked %reduce_max3A_332 : vector<16xi32>, vector<16xi1> -> vector<16xi32>
        %reduce_max3A_337 = arith.xori %reduce_max3A_336, %reduce_max3A_334 : vector<16xi32>
        %reduce_max3A_338 = vector.extract %reduce_max3A_337[15] : i32 from vector<16xi32>
        %eq3A_339 = arith.constant 3 : i32
        %eq3A_340 = vector.broadcast %eq3A_339 : i32 to vector<16xi32>
        %eq3A_341 = arith.cmpi eq, %iota3A, %eq3A_340 : vector<16xi32>
        %jit3A_342 = arith.constant 1 : i32
        %jit3A_343 = arith.constant 0 : i32
        %broadcast_in_dim3A_344 = vector.broadcast %jit3A_342 : i32 to vector<16xi32>
        %broadcast_in_dim3A_345 = vector.broadcast %jit3A_343 : i32 to vector<16xi32>
        %select_n3A_346 = arith.select %eq3A_341, %broadcast_in_dim3A_344, %broadcast_in_dim3A_345 : vector<16xi1>, vector<16xi32>
        %mul3A_347 = vector.broadcast %reduce_max3A_338 : i32 to vector<16xi32>
        %mul3A_348 = arith.muli %select_n3A_346, %mul3A_347 : vector<16xi32>
        %add3A_349 = arith.addi %add3A_319, %mul3A_348 : vector<16xi32>
        %eq3A_350 = arith.constant 4 : i32
        %eq3A_351 = vector.broadcast %eq3A_350 : i32 to vector<16xi32>
        %eq3A_352 = arith.cmpi eq, %get3A_228, %eq3A_351 : vector<16xi32>
        %convert_element_type3A_353 = arith.extui %eq3A_352 : vector<16xi1> to vector<16xi32>
        %broadcast_in_dim3A_354 = arith.constant true
        %broadcast_in_dim3A_355 = vector.broadcast %broadcast_in_dim3A_354 : i1 to vector<16xi1>
        %masked_cumsum3A_356 = tpu.scan <sum>, %convert_element_type3A_353 masked %broadcast_in_dim3A_355 : vector<16xi32>, vector<16xi1> -> vector<16xi32>
        %sub3A_357 = arith.constant 1 : i32
        %sub3A_358 = vector.broadcast %sub3A_357 : i32 to vector<16xi32>
        %sub3A_359 = arith.subi %masked_cumsum3A_356, %sub3A_358 : vector<16xi32>
        %select_n3A_360 = arith.select %eq3A_352, %sub3A_359, %select_n3A_330 : vector<16xi1>, vector<16xi32>
        %reduce_max3A_361 = arith.constant true
        %reduce_max3A_362 = vector.broadcast %reduce_max3A_361 : i1 to vector<16xi1>
        %reduce_max3A_363 = arith.constant -2147483648 : i32
        %reduce_max3A_364 = vector.broadcast %reduce_max3A_363 : i32 to vector<16xi32>
        %reduce_max3A_365 = arith.xori %masked_cumsum3A_356, %reduce_max3A_364 : vector<16xi32>
        %reduce_max3A_366 = tpu.scan <max>, %reduce_max3A_365 masked %reduce_max3A_362 : vector<16xi32>, vector<16xi1> -> vector<16xi32>
        %reduce_max3A_367 = arith.xori %reduce_max3A_366, %reduce_max3A_364 : vector<16xi32>
        %reduce_max3A_368 = vector.extract %reduce_max3A_367[15] : i32 from vector<16xi32>
        %eq3A_369 = arith.constant 4 : i32
        %eq3A_370 = vector.broadcast %eq3A_369 : i32 to vector<16xi32>
        %eq3A_371 = arith.cmpi eq, %iota3A, %eq3A_370 : vector<16xi32>
        %jit3A_372 = arith.constant 1 : i32
        %jit3A_373 = arith.constant 0 : i32
        %broadcast_in_dim3A_374 = vector.broadcast %jit3A_372 : i32 to vector<16xi32>
        %broadcast_in_dim3A_375 = vector.broadcast %jit3A_373 : i32 to vector<16xi32>
        %select_n3A_376 = arith.select %eq3A_371, %broadcast_in_dim3A_374, %broadcast_in_dim3A_375 : vector<16xi1>, vector<16xi32>
        %mul3A_377 = vector.broadcast %reduce_max3A_368 : i32 to vector<16xi32>
        %mul3A_378 = arith.muli %select_n3A_376, %mul3A_377 : vector<16xi32>
        %add3A_379 = arith.addi %add3A_349, %mul3A_378 : vector<16xi32>
        %eq3A_380 = arith.constant 5 : i32
        %eq3A_381 = vector.broadcast %eq3A_380 : i32 to vector<16xi32>
        %eq3A_382 = arith.cmpi eq, %get3A_228, %eq3A_381 : vector<16xi32>
        %convert_element_type3A_383 = arith.extui %eq3A_382 : vector<16xi1> to vector<16xi32>
        %broadcast_in_dim3A_384 = arith.constant true
        %broadcast_in_dim3A_385 = vector.broadcast %broadcast_in_dim3A_384 : i1 to vector<16xi1>
        %masked_cumsum3A_386 = tpu.scan <sum>, %convert_element_type3A_383 masked %broadcast_in_dim3A_385 : vector<16xi32>, vector<16xi1> -> vector<16xi32>
        %sub3A_387 = arith.constant 1 : i32
        %sub3A_388 = vector.broadcast %sub3A_387 : i32 to vector<16xi32>
        %sub3A_389 = arith.subi %masked_cumsum3A_386, %sub3A_388 : vector<16xi32>
        %select_n3A_390 = arith.select %eq3A_382, %sub3A_389, %select_n3A_360 : vector<16xi1>, vector<16xi32>
        %reduce_max3A_391 = arith.constant true
        %reduce_max3A_392 = vector.broadcast %reduce_max3A_391 : i1 to vector<16xi1>
        %reduce_max3A_393 = arith.constant -2147483648 : i32
        %reduce_max3A_394 = vector.broadcast %reduce_max3A_393 : i32 to vector<16xi32>
        %reduce_max3A_395 = arith.xori %masked_cumsum3A_386, %reduce_max3A_394 : vector<16xi32>
        %reduce_max3A_396 = tpu.scan <max>, %reduce_max3A_395 masked %reduce_max3A_392 : vector<16xi32>, vector<16xi1> -> vector<16xi32>
        %reduce_max3A_397 = arith.xori %reduce_max3A_396, %reduce_max3A_394 : vector<16xi32>
        %reduce_max3A_398 = vector.extract %reduce_max3A_397[15] : i32 from vector<16xi32>
        %eq3A_399 = arith.constant 5 : i32
        %eq3A_400 = vector.broadcast %eq3A_399 : i32 to vector<16xi32>
        %eq3A_401 = arith.cmpi eq, %iota3A, %eq3A_400 : vector<16xi32>
        %jit3A_402 = arith.constant 1 : i32
        %jit3A_403 = arith.constant 0 : i32
        %broadcast_in_dim3A_404 = vector.broadcast %jit3A_402 : i32 to vector<16xi32>
        %broadcast_in_dim3A_405 = vector.broadcast %jit3A_403 : i32 to vector<16xi32>
        %select_n3A_406 = arith.select %eq3A_401, %broadcast_in_dim3A_404, %broadcast_in_dim3A_405 : vector<16xi1>, vector<16xi32>
        %mul3A_407 = vector.broadcast %reduce_max3A_398 : i32 to vector<16xi32>
        %mul3A_408 = arith.muli %select_n3A_406, %mul3A_407 : vector<16xi32>
        %add3A_409 = arith.addi %add3A_379, %mul3A_408 : vector<16xi32>
        %eq3A_410 = arith.constant 6 : i32
        %eq3A_411 = vector.broadcast %eq3A_410 : i32 to vector<16xi32>
        %eq3A_412 = arith.cmpi eq, %get3A_228, %eq3A_411 : vector<16xi32>
        %convert_element_type3A_413 = arith.extui %eq3A_412 : vector<16xi1> to vector<16xi32>
        %broadcast_in_dim3A_414 = arith.constant true
        %broadcast_in_dim3A_415 = vector.broadcast %broadcast_in_dim3A_414 : i1 to vector<16xi1>
        %masked_cumsum3A_416 = tpu.scan <sum>, %convert_element_type3A_413 masked %broadcast_in_dim3A_415 : vector<16xi32>, vector<16xi1> -> vector<16xi32>
        %sub3A_417 = arith.constant 1 : i32
        %sub3A_418 = vector.broadcast %sub3A_417 : i32 to vector<16xi32>
        %sub3A_419 = arith.subi %masked_cumsum3A_416, %sub3A_418 : vector<16xi32>
        %select_n3A_420 = arith.select %eq3A_412, %sub3A_419, %select_n3A_390 : vector<16xi1>, vector<16xi32>
        %reduce_max3A_421 = arith.constant true
        %reduce_max3A_422 = vector.broadcast %reduce_max3A_421 : i1 to vector<16xi1>
        %reduce_max3A_423 = arith.constant -2147483648 : i32
        %reduce_max3A_424 = vector.broadcast %reduce_max3A_423 : i32 to vector<16xi32>
        %reduce_max3A_425 = arith.xori %masked_cumsum3A_416, %reduce_max3A_424 : vector<16xi32>
        %reduce_max3A_426 = tpu.scan <max>, %reduce_max3A_425 masked %reduce_max3A_422 : vector<16xi32>, vector<16xi1> -> vector<16xi32>
        %reduce_max3A_427 = arith.xori %reduce_max3A_426, %reduce_max3A_424 : vector<16xi32>
        %reduce_max3A_428 = vector.extract %reduce_max3A_427[15] : i32 from vector<16xi32>
        %eq3A_429 = arith.constant 6 : i32
        %eq3A_430 = vector.broadcast %eq3A_429 : i32 to vector<16xi32>
        %eq3A_431 = arith.cmpi eq, %iota3A, %eq3A_430 : vector<16xi32>
        %jit3A_432 = arith.constant 1 : i32
        %jit3A_433 = arith.constant 0 : i32
        %broadcast_in_dim3A_434 = vector.broadcast %jit3A_432 : i32 to vector<16xi32>
        %broadcast_in_dim3A_435 = vector.broadcast %jit3A_433 : i32 to vector<16xi32>
        %select_n3A_436 = arith.select %eq3A_431, %broadcast_in_dim3A_434, %broadcast_in_dim3A_435 : vector<16xi1>, vector<16xi32>
        %mul3A_437 = vector.broadcast %reduce_max3A_428 : i32 to vector<16xi32>
        %mul3A_438 = arith.muli %select_n3A_436, %mul3A_437 : vector<16xi32>
        %add3A_439 = arith.addi %add3A_409, %mul3A_438 : vector<16xi32>
        %eq3A_440 = arith.constant 7 : i32
        %eq3A_441 = vector.broadcast %eq3A_440 : i32 to vector<16xi32>
        %eq3A_442 = arith.cmpi eq, %get3A_228, %eq3A_441 : vector<16xi32>
        %convert_element_type3A_443 = arith.extui %eq3A_442 : vector<16xi1> to vector<16xi32>
        %broadcast_in_dim3A_444 = arith.constant true
        %broadcast_in_dim3A_445 = vector.broadcast %broadcast_in_dim3A_444 : i1 to vector<16xi1>
        %masked_cumsum3A_446 = tpu.scan <sum>, %convert_element_type3A_443 masked %broadcast_in_dim3A_445 : vector<16xi32>, vector<16xi1> -> vector<16xi32>
        %sub3A_447 = arith.constant 1 : i32
        %sub3A_448 = vector.broadcast %sub3A_447 : i32 to vector<16xi32>
        %sub3A_449 = arith.subi %masked_cumsum3A_446, %sub3A_448 : vector<16xi32>
        %select_n3A_450 = arith.select %eq3A_442, %sub3A_449, %select_n3A_420 : vector<16xi1>, vector<16xi32>
        %reduce_max3A_451 = arith.constant true
        %reduce_max3A_452 = vector.broadcast %reduce_max3A_451 : i1 to vector<16xi1>
        %reduce_max3A_453 = arith.constant -2147483648 : i32
        %reduce_max3A_454 = vector.broadcast %reduce_max3A_453 : i32 to vector<16xi32>
        %reduce_max3A_455 = arith.xori %masked_cumsum3A_446, %reduce_max3A_454 : vector<16xi32>
        %reduce_max3A_456 = tpu.scan <max>, %reduce_max3A_455 masked %reduce_max3A_452 : vector<16xi32>, vector<16xi1> -> vector<16xi32>
        %reduce_max3A_457 = arith.xori %reduce_max3A_456, %reduce_max3A_454 : vector<16xi32>
        %reduce_max3A_458 = vector.extract %reduce_max3A_457[15] : i32 from vector<16xi32>
        %eq3A_459 = arith.constant 7 : i32
        %eq3A_460 = vector.broadcast %eq3A_459 : i32 to vector<16xi32>
        %eq3A_461 = arith.cmpi eq, %iota3A, %eq3A_460 : vector<16xi32>
        %jit3A_462 = arith.constant 1 : i32
        %jit3A_463 = arith.constant 0 : i32
        %broadcast_in_dim3A_464 = vector.broadcast %jit3A_462 : i32 to vector<16xi32>
        %broadcast_in_dim3A_465 = vector.broadcast %jit3A_463 : i32 to vector<16xi32>
        %select_n3A_466 = arith.select %eq3A_461, %broadcast_in_dim3A_464, %broadcast_in_dim3A_465 : vector<16xi1>, vector<16xi32>
        %mul3A_467 = vector.broadcast %reduce_max3A_458 : i32 to vector<16xi32>
        %mul3A_468 = arith.muli %select_n3A_466, %mul3A_467 : vector<16xi32>
        %add3A_469 = arith.addi %add3A_439, %mul3A_468 : vector<16xi32>
        %add3A_470 = arith.addi %gather3A, %select_n3A_450 : vector<16xi32>
        %mul3A_471 = arith.constant 16 : i32
        %mul3A_472 = arith.muli %add3A_224, %mul3A_471 : i32
        %swap3A_473 = arith.index_cast %mul3A_472 : i32 to index
        %swap3A_474 = tpu.vector_load %arg7[%swap3A_473] {strides = array<i32>} : memref<512xi32, #tpu.memory_space<vmem>>, vector<16xi32>,
        tpu.vector_store %arg7[%swap3A_473], %add3A_470 {strides = array<i32>} : memref<512xi32, #tpu.memory_space<vmem>>, vector<16xi32>,
        %get3A_475 = arith.constant 0 : index
        %get3A_476 = tpu.vector_load %arg13[%get3A_475] {strides = array<i32>} : memref<16xi32, #tpu.memory_space<vmem>>, vector<16xi32>,
        %add3A_477 = arith.addi %get3A_476, %add3A_469 : vector<16xi32>
        %swap3A_478 = arith.constant 0 : index
        %swap3A_479 = tpu.vector_load %arg13[%swap3A_478] {strides = array<i32>} : memref<16xi32, #tpu.memory_space<vmem>>, vector<16xi32>,
        tpu.vector_store %arg13[%swap3A_478], %add3A_477 {strides = array<i32>} : memref<16xi32, #tpu.memory_space<vmem>>, vector<16xi32>,
      }
      %scan3A_8 = arith.constant 32 : i32
      "tpu.region"() ({
        %run_scoped3A = tpu.sem_alloc : memref<!tpu.dma_semaphore, #tpu.memory_space<semaphore_mem>>
        %dma_start3A = arith.constant 0 : i32
        %dma_start3A_220 = tpu.memref_slice %arg15[%arg1, %dma_start3A] : memref<16x16xi32, #tpu.memory_space<vmem_shared>> -> memref<1x16xi32, #tpu.memory_space<vmem_shared>>
        %dma_start3A_221 = tpu.memref_squeeze %dma_start3A_220 : memref<1x16xi32, #tpu.memory_space<vmem_shared>> -> memref<16xi32, #tpu.memory_space<vmem_shared>>
        %dma_start3A_222 = arith.constant 0 : i32
        %dma_start3A_223 = tpu.memref_slice %arg15[%arg1, %dma_start3A_222] : memref<16x16xi32, #tpu.memory_space<vmem_shared>> -> memref<1x16xi32, #tpu.memory_space<vmem_shared>>
        %dma_start3A_224 = tpu.memref_squeeze %dma_start3A_223 : memref<1x16xi32, #tpu.memory_space<vmem_shared>> -> memref<16xi32, #tpu.memory_space<vmem_shared>>
        tpu.enqueue_dma source(%arg13 : memref<16xi32, #tpu.memory_space<vmem>>) target(%dma_start3A_224 : memref<16xi32, #tpu.memory_space<vmem_shared>>) target_semaphore(%run_scoped3A : memref<!tpu.dma_semaphore, #tpu.memory_space<semaphore_mem>>)
        %dma_wait3A = arith.constant 0 : i32
        %dma_wait3A_225 = tpu.memref_slice %arg15[%arg1, %dma_wait3A] : memref<16x16xi32, #tpu.memory_space<vmem_shared>> -> memref<1x16xi32, #tpu.memory_space<vmem_shared>>
        %dma_wait3A_226 = tpu.memref_squeeze %dma_wait3A_225 : memref<1x16xi32, #tpu.memory_space<vmem_shared>> -> memref<16xi32, #tpu.memory_space<vmem_shared>>
        %dma_wait3A_227 = arith.constant 0 : i32
        %dma_wait3A_228 = tpu.memref_slice %arg15[%arg1, %dma_wait3A_227] : memref<16x16xi32, #tpu.memory_space<vmem_shared>> -> memref<1x16xi32, #tpu.memory_space<vmem_shared>>
        %dma_wait3A_229 = tpu.memref_squeeze %dma_wait3A_228 : memref<1x16xi32, #tpu.memory_space<vmem_shared>> -> memref<16xi32, #tpu.memory_space<vmem_shared>>
        tpu.wait_dma2 semaphore(%run_scoped3A : memref<!tpu.dma_semaphore, #tpu.memory_space<semaphore_mem>>) src(%arg13 : memref<16xi32, #tpu.memory_space<vmem>>) dst(%dma_wait3A_229 : memref<16xi32, #tpu.memory_space<vmem_shared>>)
        tpu.yield
      }) : () -> ()
      %barrier3A = arith.constant 0 : index
      tpu.barrier barrier_id(%barrier3A)
      "tpu.region"() ({
        %run_scoped3A = tpu.sem_alloc : memref<!tpu.dma_semaphore, #tpu.memory_space<semaphore_mem>>
        tpu.enqueue_dma source(%arg15 : memref<16x16xi32, #tpu.memory_space<vmem_shared>>) target(%arg11 : memref<16x16xi32, #tpu.memory_space<vmem>>) target_semaphore(%run_scoped3A : memref<!tpu.dma_semaphore, #tpu.memory_space<semaphore_mem>>)
        tpu.wait_dma2 semaphore(%run_scoped3A : memref<!tpu.dma_semaphore, #tpu.memory_space<semaphore_mem>>) src(%arg15 : memref<16x16xi32, #tpu.memory_space<vmem_shared>>) dst(%arg11 : memref<16x16xi32, #tpu.memory_space<vmem>>)
        tpu.yield
      }) : () -> ()
      %broadcast_in_dim3A_9 = arith.constant 0 : i32
      %broadcast_in_dim3A_10 = vector.broadcast %broadcast_in_dim3A_9 : i32 to vector<16xi32>
      %broadcast_in_dim3A_11 = arith.constant 0 : i32
      %broadcast_in_dim3A_12 = vector.broadcast %broadcast_in_dim3A_11 : i32 to vector<16xi32>
      %get3A = arith.constant 0 : i32
      %get3A_13 = arith.index_cast %get3A : i32 to index
      %get3A_14 = arith.constant 0 : index
      %get3A_15 = tpu.vector_load %arg11[%get3A_13, %get3A_14] {strides = array<i32>} : memref<16x16xi32, #tpu.memory_space<vmem>>, vector<16xi32>,
      %add3A = arith.addi %broadcast_in_dim3A_10, %get3A_15 : vector<16xi32>
      %gt3A = arith.constant 0 : i32
      %gt3A_16 = arith.cmpi sgt, %arg1, %gt3A : i32
      %convert_element_type3A_17 = arith.extui %gt3A_16 : i1 to i32
      %mul3A_18 = vector.broadcast %convert_element_type3A_17 : i32 to vector<16xi32>
      %mul3A_19 = arith.muli %get3A_15, %mul3A_18 : vector<16xi32>
      %add3A_20 = arith.addi %broadcast_in_dim3A_12, %mul3A_19 : vector<16xi32>
      %get3A_21 = arith.constant 1 : i32
      %get3A_22 = arith.index_cast %get3A_21 : i32 to index
      %get3A_23 = arith.constant 0 : index
      %get3A_24 = tpu.vector_load %arg11[%get3A_22, %get3A_23] {strides = array<i32>} : memref<16x16xi32, #tpu.memory_space<vmem>>, vector<16xi32>,
      %add3A_25 = arith.addi %add3A, %get3A_24 : vector<16xi32>
      %gt3A_26 = arith.constant 1 : i32
      %gt3A_27 = arith.cmpi sgt, %arg1, %gt3A_26 : i32
      %convert_element_type3A_28 = arith.extui %gt3A_27 : i1 to i32
      %mul3A_29 = vector.broadcast %convert_element_type3A_28 : i32 to vector<16xi32>
      %mul3A_30 = arith.muli %get3A_24, %mul3A_29 : vector<16xi32>
      %add3A_31 = arith.addi %add3A_20, %mul3A_30 : vector<16xi32>
      %get3A_32 = arith.constant 2 : i32
      %get3A_33 = arith.index_cast %get3A_32 : i32 to index
      %get3A_34 = arith.constant 0 : index
      %get3A_35 = tpu.vector_load %arg11[%get3A_33, %get3A_34] {strides = array<i32>} : memref<16x16xi32, #tpu.memory_space<vmem>>, vector<16xi32>,
      %add3A_36 = arith.addi %add3A_25, %get3A_35 : vector<16xi32>
      %gt3A_37 = arith.constant 2 : i32
      %gt3A_38 = arith.cmpi sgt, %arg1, %gt3A_37 : i32
      %convert_element_type3A_39 = arith.extui %gt3A_38 : i1 to i32
      %mul3A_40 = vector.broadcast %convert_element_type3A_39 : i32 to vector<16xi32>
      %mul3A_41 = arith.muli %get3A_35, %mul3A_40 : vector<16xi32>
      %add3A_42 = arith.addi %add3A_31, %mul3A_41 : vector<16xi32>
      %get3A_43 = arith.constant 3 : i32
      %get3A_44 = arith.index_cast %get3A_43 : i32 to index
      %get3A_45 = arith.constant 0 : index
      %get3A_46 = tpu.vector_load %arg11[%get3A_44, %get3A_45] {strides = array<i32>} : memref<16x16xi32, #tpu.memory_space<vmem>>, vector<16xi32>,
      %add3A_47 = arith.addi %add3A_36, %get3A_46 : vector<16xi32>
      %gt3A_48 = arith.constant 3 : i32
      %gt3A_49 = arith.cmpi sgt, %arg1, %gt3A_48 : i32
      %convert_element_type3A_50 = arith.extui %gt3A_49 : i1 to i32
      %mul3A_51 = vector.broadcast %convert_element_type3A_50 : i32 to vector<16xi32>
      %mul3A_52 = arith.muli %get3A_46, %mul3A_51 : vector<16xi32>
      %add3A_53 = arith.addi %add3A_42, %mul3A_52 : vector<16xi32>
      %get3A_54 = arith.constant 4 : i32
      %get3A_55 = arith.index_cast %get3A_54 : i32 to index
      %get3A_56 = arith.constant 0 : index
      %get3A_57 = tpu.vector_load %arg11[%get3A_55, %get3A_56] {strides = array<i32>} : memref<16x16xi32, #tpu.memory_space<vmem>>, vector<16xi32>,
      %add3A_58 = arith.addi %add3A_47, %get3A_57 : vector<16xi32>
      %gt3A_59 = arith.constant 4 : i32
      %gt3A_60 = arith.cmpi sgt, %arg1, %gt3A_59 : i32
      %convert_element_type3A_61 = arith.extui %gt3A_60 : i1 to i32
      %mul3A_62 = vector.broadcast %convert_element_type3A_61 : i32 to vector<16xi32>
      %mul3A_63 = arith.muli %get3A_57, %mul3A_62 : vector<16xi32>
      %add3A_64 = arith.addi %add3A_53, %mul3A_63 : vector<16xi32>
      %get3A_65 = arith.constant 5 : i32
      %get3A_66 = arith.index_cast %get3A_65 : i32 to index
      %get3A_67 = arith.constant 0 : index
      %get3A_68 = tpu.vector_load %arg11[%get3A_66, %get3A_67] {strides = array<i32>} : memref<16x16xi32, #tpu.memory_space<vmem>>, vector<16xi32>,
      %add3A_69 = arith.addi %add3A_58, %get3A_68 : vector<16xi32>
      %gt3A_70 = arith.constant 5 : i32
      %gt3A_71 = arith.cmpi sgt, %arg1, %gt3A_70 : i32
      %convert_element_type3A_72 = arith.extui %gt3A_71 : i1 to i32
      %mul3A_73 = vector.broadcast %convert_element_type3A_72 : i32 to vector<16xi32>
      %mul3A_74 = arith.muli %get3A_68, %mul3A_73 : vector<16xi32>
      %add3A_75 = arith.addi %add3A_64, %mul3A_74 : vector<16xi32>
      %get3A_76 = arith.constant 6 : i32
      %get3A_77 = arith.index_cast %get3A_76 : i32 to index
      %get3A_78 = arith.constant 0 : index
      %get3A_79 = tpu.vector_load %arg11[%get3A_77, %get3A_78] {strides = array<i32>} : memref<16x16xi32, #tpu.memory_space<vmem>>, vector<16xi32>,
      %add3A_80 = arith.addi %add3A_69, %get3A_79 : vector<16xi32>
      %gt3A_81 = arith.constant 6 : i32
      %gt3A_82 = arith.cmpi sgt, %arg1, %gt3A_81 : i32
      %convert_element_type3A_83 = arith.extui %gt3A_82 : i1 to i32
      %mul3A_84 = vector.broadcast %convert_element_type3A_83 : i32 to vector<16xi32>
      %mul3A_85 = arith.muli %get3A_79, %mul3A_84 : vector<16xi32>
      %add3A_86 = arith.addi %add3A_75, %mul3A_85 : vector<16xi32>
      %get3A_87 = arith.constant 7 : i32
      %get3A_88 = arith.index_cast %get3A_87 : i32 to index
      %get3A_89 = arith.constant 0 : index
      %get3A_90 = tpu.vector_load %arg11[%get3A_88, %get3A_89] {strides = array<i32>} : memref<16x16xi32, #tpu.memory_space<vmem>>, vector<16xi32>,
      %add3A_91 = arith.addi %add3A_80, %get3A_90 : vector<16xi32>
      %gt3A_92 = arith.constant 7 : i32
      %gt3A_93 = arith.cmpi sgt, %arg1, %gt3A_92 : i32
      %convert_element_type3A_94 = arith.extui %gt3A_93 : i1 to i32
      %mul3A_95 = vector.broadcast %convert_element_type3A_94 : i32 to vector<16xi32>
      %mul3A_96 = arith.muli %get3A_90, %mul3A_95 : vector<16xi32>
      %add3A_97 = arith.addi %add3A_86, %mul3A_96 : vector<16xi32>
      %get3A_98 = arith.constant 8 : i32
      %get3A_99 = arith.index_cast %get3A_98 : i32 to index
      %get3A_100 = arith.constant 0 : index
      %get3A_101 = tpu.vector_load %arg11[%get3A_99, %get3A_100] {strides = array<i32>} : memref<16x16xi32, #tpu.memory_space<vmem>>, vector<16xi32>,
      %add3A_102 = arith.addi %add3A_91, %get3A_101 : vector<16xi32>
      %gt3A_103 = arith.constant 8 : i32
      %gt3A_104 = arith.cmpi sgt, %arg1, %gt3A_103 : i32
      %convert_element_type3A_105 = arith.extui %gt3A_104 : i1 to i32
      %mul3A_106 = vector.broadcast %convert_element_type3A_105 : i32 to vector<16xi32>
      %mul3A_107 = arith.muli %get3A_101, %mul3A_106 : vector<16xi32>
      %add3A_108 = arith.addi %add3A_97, %mul3A_107 : vector<16xi32>
      %get3A_109 = arith.constant 9 : i32
      %get3A_110 = arith.index_cast %get3A_109 : i32 to index
      %get3A_111 = arith.constant 0 : index
      %get3A_112 = tpu.vector_load %arg11[%get3A_110, %get3A_111] {strides = array<i32>} : memref<16x16xi32, #tpu.memory_space<vmem>>, vector<16xi32>,
      %add3A_113 = arith.addi %add3A_102, %get3A_112 : vector<16xi32>
      %gt3A_114 = arith.constant 9 : i32
      %gt3A_115 = arith.cmpi sgt, %arg1, %gt3A_114 : i32
      %convert_element_type3A_116 = arith.extui %gt3A_115 : i1 to i32
      %mul3A_117 = vector.broadcast %convert_element_type3A_116 : i32 to vector<16xi32>
      %mul3A_118 = arith.muli %get3A_112, %mul3A_117 : vector<16xi32>
      %add3A_119 = arith.addi %add3A_108, %mul3A_118 : vector<16xi32>
      %get3A_120 = arith.constant 10 : i32
      %get3A_121 = arith.index_cast %get3A_120 : i32 to index
      %get3A_122 = arith.constant 0 : index
      %get3A_123 = tpu.vector_load %arg11[%get3A_121, %get3A_122] {strides = array<i32>} : memref<16x16xi32, #tpu.memory_space<vmem>>, vector<16xi32>,
      %add3A_124 = arith.addi %add3A_113, %get3A_123 : vector<16xi32>
      %gt3A_125 = arith.constant 10 : i32
      %gt3A_126 = arith.cmpi sgt, %arg1, %gt3A_125 : i32
      %convert_element_type3A_127 = arith.extui %gt3A_126 : i1 to i32
      %mul3A_128 = vector.broadcast %convert_element_type3A_127 : i32 to vector<16xi32>
      %mul3A_129 = arith.muli %get3A_123, %mul3A_128 : vector<16xi32>
      %add3A_130 = arith.addi %add3A_119, %mul3A_129 : vector<16xi32>
      %get3A_131 = arith.constant 11 : i32
      %get3A_132 = arith.index_cast %get3A_131 : i32 to index
      %get3A_133 = arith.constant 0 : index
      %get3A_134 = tpu.vector_load %arg11[%get3A_132, %get3A_133] {strides = array<i32>} : memref<16x16xi32, #tpu.memory_space<vmem>>, vector<16xi32>,
      %add3A_135 = arith.addi %add3A_124, %get3A_134 : vector<16xi32>
      %gt3A_136 = arith.constant 11 : i32
      %gt3A_137 = arith.cmpi sgt, %arg1, %gt3A_136 : i32
      %convert_element_type3A_138 = arith.extui %gt3A_137 : i1 to i32
      %mul3A_139 = vector.broadcast %convert_element_type3A_138 : i32 to vector<16xi32>
      %mul3A_140 = arith.muli %get3A_134, %mul3A_139 : vector<16xi32>
      %add3A_141 = arith.addi %add3A_130, %mul3A_140 : vector<16xi32>
      %get3A_142 = arith.constant 12 : i32
      %get3A_143 = arith.index_cast %get3A_142 : i32 to index
      %get3A_144 = arith.constant 0 : index
      %get3A_145 = tpu.vector_load %arg11[%get3A_143, %get3A_144] {strides = array<i32>} : memref<16x16xi32, #tpu.memory_space<vmem>>, vector<16xi32>,
      %add3A_146 = arith.addi %add3A_135, %get3A_145 : vector<16xi32>
      %gt3A_147 = arith.constant 12 : i32
      %gt3A_148 = arith.cmpi sgt, %arg1, %gt3A_147 : i32
      %convert_element_type3A_149 = arith.extui %gt3A_148 : i1 to i32
      %mul3A_150 = vector.broadcast %convert_element_type3A_149 : i32 to vector<16xi32>
      %mul3A_151 = arith.muli %get3A_145, %mul3A_150 : vector<16xi32>
      %add3A_152 = arith.addi %add3A_141, %mul3A_151 : vector<16xi32>
      %get3A_153 = arith.constant 13 : i32
      %get3A_154 = arith.index_cast %get3A_153 : i32 to index
      %get3A_155 = arith.constant 0 : index
      %get3A_156 = tpu.vector_load %arg11[%get3A_154, %get3A_155] {strides = array<i32>} : memref<16x16xi32, #tpu.memory_space<vmem>>, vector<16xi32>,
      %add3A_157 = arith.addi %add3A_146, %get3A_156 : vector<16xi32>
      %gt3A_158 = arith.constant 13 : i32
      %gt3A_159 = arith.cmpi sgt, %arg1, %gt3A_158 : i32
      %convert_element_type3A_160 = arith.extui %gt3A_159 : i1 to i32
      %mul3A_161 = vector.broadcast %convert_element_type3A_160 : i32 to vector<16xi32>
      %mul3A_162 = arith.muli %get3A_156, %mul3A_161 : vector<16xi32>
      %add3A_163 = arith.addi %add3A_152, %mul3A_162 : vector<16xi32>
      %get3A_164 = arith.constant 14 : i32
      %get3A_165 = arith.index_cast %get3A_164 : i32 to index
      %get3A_166 = arith.constant 0 : index
      %get3A_167 = tpu.vector_load %arg11[%get3A_165, %get3A_166] {strides = array<i32>} : memref<16x16xi32, #tpu.memory_space<vmem>>, vector<16xi32>,
      %add3A_168 = arith.addi %add3A_157, %get3A_167 : vector<16xi32>
      %gt3A_169 = arith.constant 14 : i32
      %gt3A_170 = arith.cmpi sgt, %arg1, %gt3A_169 : i32
      %convert_element_type3A_171 = arith.extui %gt3A_170 : i1 to i32
      %mul3A_172 = vector.broadcast %convert_element_type3A_171 : i32 to vector<16xi32>
      %mul3A_173 = arith.muli %get3A_167, %mul3A_172 : vector<16xi32>
      %add3A_174 = arith.addi %add3A_163, %mul3A_173 : vector<16xi32>
      %get3A_175 = arith.constant 15 : i32
      %get3A_176 = arith.index_cast %get3A_175 : i32 to index
      %get3A_177 = arith.constant 0 : index
      %get3A_178 = tpu.vector_load %arg11[%get3A_176, %get3A_177] {strides = array<i32>} : memref<16x16xi32, #tpu.memory_space<vmem>>, vector<16xi32>,
      %add3A_179 = arith.addi %add3A_168, %get3A_178 : vector<16xi32>
      %gt3A_180 = arith.constant 15 : i32
      %gt3A_181 = arith.cmpi sgt, %arg1, %gt3A_180 : i32
      %convert_element_type3A_182 = arith.extui %gt3A_181 : i1 to i32
      %mul3A_183 = vector.broadcast %convert_element_type3A_182 : i32 to vector<16xi32>
      %mul3A_184 = arith.muli %get3A_178, %mul3A_183 : vector<16xi32>
      %add3A_185 = arith.addi %add3A_174, %mul3A_184 : vector<16xi32>
      %add3A_186 = arith.constant 255 : i32
      %add3A_187 = vector.broadcast %add3A_186 : i32 to vector<16xi32>
      %add3A_188 = arith.addi %add3A_179, %add3A_187 : vector<16xi32>
      %and3A = arith.constant -256 : i32
      %and3A_189 = vector.broadcast %and3A : i32 to vector<16xi32>
      %and3A_190 = arith.andi %add3A_188, %and3A_189 : vector<16xi32>
      %broadcast_in_dim3A_191 = arith.constant true
      %broadcast_in_dim3A_192 = vector.broadcast %broadcast_in_dim3A_191 : i1 to vector<16xi1>
      %masked_cumsum3A = tpu.scan <sum>, %and3A_190 masked %broadcast_in_dim3A_192 : vector<16xi32>, vector<16xi1> -> vector<16xi32>
      %sub3A = arith.subi %masked_cumsum3A, %and3A_190 : vector<16xi32>
      %add3A_193 = arith.addi %sub3A, %add3A_185 : vector<16xi32>
      %swap3A_194 = arith.constant 0 : index
      %swap3A_195 = tpu.vector_load %arg14[%swap3A_194] {strides = array<i32>} : memref<16xi32, #tpu.memory_space<vmem>>, vector<16xi32>,
      tpu.vector_store %arg14[%swap3A_194], %add3A_193 {strides = array<i32>} : memref<16xi32, #tpu.memory_space<vmem>>, vector<16xi32>,
      %scan3A_196 = arith.constant 0 : i32
      %scan3A_197 = arith.constant 32 : i32
      %scan3A_198 = arith.addi %scan3A_196, %scan3A_197 : i32
      %scan3A_199 = arith.constant 1 : i32
      scf.for %scan3A_220 = %scan3A_196 to %scan3A_198 step %scan3A_199  : i32 {
        %mul3A_221 = arith.constant 1 : i32
        %mul3A_222 = arith.muli %scan3A_220, %mul3A_221 : i32
        %add3A_223 = arith.constant 0 : i32
        %add3A_224 = arith.addi %add3A_223, %mul3A_222 : i32
        %mul3A_225 = arith.constant 16 : i32
        %mul3A_226 = arith.muli %add3A_224, %mul3A_225 : i32
        %get3A_227 = arith.index_cast %mul3A_226 : i32 to index
        %get3A_228 = tpu.vector_load %arg6[%get3A_227] {strides = array<i32>} : memref<512xi32, #tpu.memory_space<vmem>>, vector<16xi32>,
        %mul3A_229 = arith.constant 16 : i32
        %mul3A_230 = arith.muli %add3A_224, %mul3A_229 : i32
        %get3A_231 = arith.index_cast %mul3A_230 : i32 to index
        %get3A_232 = tpu.vector_load %arg7[%get3A_231] {strides = array<i32>} : memref<512xi32, #tpu.memory_space<vmem>>, vector<16xi32>,
        %gather3A = tpu.vector_load_idx %arg14[%get3A_228] : memref<16xi32, #tpu.memory_space<vmem>>[vector<16xi32>], vector<16xi32>,
        %add3A_233 = arith.addi %gather3A, %get3A_232 : vector<16xi32>
        %mul3A_234 = arith.constant 16 : i32
        %mul3A_235 = arith.muli %add3A_224, %mul3A_234 : i32
        %swap3A_236 = arith.index_cast %mul3A_235 : i32 to index
        %swap3A_237 = tpu.vector_load %arg8[%swap3A_236] {strides = array<i32>} : memref<512xi32, #tpu.memory_space<vmem>>, vector<16xi32>,
        tpu.vector_store %arg8[%swap3A_236], %add3A_233 {strides = array<i32>} : memref<512xi32, #tpu.memory_space<vmem>>, vector<16xi32>,
        %mul3A_238 = arith.constant 16 : i32
        %mul3A_239 = arith.muli %add3A_224, %mul3A_238 : i32
        %add3A_240 = arith.addi %mul3A_2, %mul3A_239 : i32
        %add3A_241 = vector.broadcast %add3A_240 : i32 to vector<16xi32>
        %add3A_242 = arith.addi %add3A_241, %iota3A : vector<16xi32>
        %and3A_243 = arith.constant 4095 : i32
        %and3A_244 = vector.broadcast %and3A_243 : i32 to vector<16xi32>
        %and3A_245 = arith.andi %add3A_242, %and3A_244 : vector<16xi32>
        %mul3A_246 = arith.constant 16 : i32
        %mul3A_247 = arith.muli %add3A_224, %mul3A_246 : i32
        %swap3A_248 = arith.index_cast %mul3A_247 : i32 to index
        %swap3A_249 = tpu.vector_load %arg9[%swap3A_248] {strides = array<i32>} : memref<512xi32, #tpu.memory_space<vmem>>, vector<16xi32>,
        tpu.vector_store %arg9[%swap3A_248], %and3A_245 {strides = array<i32>} : memref<512xi32, #tpu.memory_space<vmem>>, vector<16xi32>,
      }
      %scan3A_200 = arith.constant 32 : i32
      "tpu.region"() ({
        %run_scoped3A = tpu.sem_alloc : memref<!tpu.dma_semaphore, #tpu.memory_space<semaphore_mem>>
        %dma_start3A = tpu.memref_slice %arg3[%mul3A_2] : memref<8192xi32, #tpu.memory_space<hbm>> -> memref<512xi32, #tpu.memory_space<hbm>>
        %dma_start3A_220 = tpu.memref_slice %arg3[%mul3A_2] : memref<8192xi32, #tpu.memory_space<hbm>> -> memref<512xi32, #tpu.memory_space<hbm>>
        tpu.enqueue_dma source(%arg8 : memref<512xi32, #tpu.memory_space<vmem>>) target(%dma_start3A_220 : memref<512xi32, #tpu.memory_space<hbm>>) target_semaphore(%run_scoped3A : memref<!tpu.dma_semaphore, #tpu.memory_space<semaphore_mem>>)
        %dma_wait3A = tpu.memref_slice %arg3[%mul3A_2] : memref<8192xi32, #tpu.memory_space<hbm>> -> memref<512xi32, #tpu.memory_space<hbm>>
        %dma_wait3A_221 = tpu.memref_slice %arg3[%mul3A_2] : memref<8192xi32, #tpu.memory_space<hbm>> -> memref<512xi32, #tpu.memory_space<hbm>>
        tpu.wait_dma2 semaphore(%run_scoped3A : memref<!tpu.dma_semaphore, #tpu.memory_space<semaphore_mem>>) src(%arg8 : memref<512xi32, #tpu.memory_space<vmem>>) dst(%dma_wait3A_221 : memref<512xi32, #tpu.memory_space<hbm>>)
        tpu.yield
      }) : () -> ()
      %mul3A_201 = arith.constant 640 : i32
      %mul3A_202 = arith.muli %arg1, %mul3A_201 : i32
      %scan3A_203 = arith.constant 0 : i32
      %scan3A_204 = arith.constant 40 : i32
      %scan3A_205 = arith.addi %scan3A_203, %scan3A_204 : i32
      %scan3A_206 = arith.constant 1 : i32
      scf.for %scan3A_220 = %scan3A_203 to %scan3A_205 step %scan3A_206  : i32 {
        %mul3A_221 = arith.constant 1 : i32
        %mul3A_222 = arith.muli %scan3A_220, %mul3A_221 : i32
        %add3A_223 = arith.constant 0 : i32
        %add3A_224 = arith.addi %add3A_223, %mul3A_222 : i32
        %mul3A_225 = arith.constant 16 : i32
        %mul3A_226 = arith.muli %add3A_224, %mul3A_225 : i32
        %add3A_227 = arith.addi %mul3A_202, %mul3A_226 : i32
        %add3A_228 = vector.broadcast %add3A_227 : i32 to vector<16xi32>
        %add3A_229 = arith.addi %add3A_228, %iota3A : vector<16xi32>
        %and3A_230 = arith.constant 4095 : i32
        %and3A_231 = vector.broadcast %and3A_230 : i32 to vector<16xi32>
        %and3A_232 = arith.andi %add3A_229, %and3A_231 : vector<16xi32>
        %mul3A_233 = arith.constant 16 : i32
        %mul3A_234 = arith.muli %add3A_224, %mul3A_233 : i32
        %swap3A_235 = arith.index_cast %mul3A_234 : i32 to index
        %swap3A_236 = tpu.vector_load %arg10[%swap3A_235] {strides = array<i32>} : memref<640xi32, #tpu.memory_space<vmem>>, vector<16xi32>,
        tpu.vector_store %arg10[%swap3A_235], %and3A_232 {strides = array<i32>} : memref<640xi32, #tpu.memory_space<vmem>>, vector<16xi32>,
      }
      %scan3A_207 = arith.constant 40 : i32
      "tpu.region"() ({
        %run_scoped3A = tpu.sem_alloc : memref<!tpu.dma_semaphore, #tpu.memory_space<semaphore_mem>>
        %dma_start3A = tpu.memref_slice %arg16[%mul3A_202] : memref<10240xi32, #tpu.memory_space<vmem_shared>> -> memref<640xi32, #tpu.memory_space<vmem_shared>>
        %dma_start3A_220 = tpu.memref_slice %arg16[%mul3A_202] : memref<10240xi32, #tpu.memory_space<vmem_shared>> -> memref<640xi32, #tpu.memory_space<vmem_shared>>
        tpu.enqueue_dma source(%arg10 : memref<640xi32, #tpu.memory_space<vmem>>) target(%dma_start3A_220 : memref<640xi32, #tpu.memory_space<vmem_shared>>) target_semaphore(%run_scoped3A : memref<!tpu.dma_semaphore, #tpu.memory_space<semaphore_mem>>)
        %dma_wait3A = tpu.memref_slice %arg16[%mul3A_202] : memref<10240xi32, #tpu.memory_space<vmem_shared>> -> memref<640xi32, #tpu.memory_space<vmem_shared>>
        %dma_wait3A_221 = tpu.memref_slice %arg16[%mul3A_202] : memref<10240xi32, #tpu.memory_space<vmem_shared>> -> memref<640xi32, #tpu.memory_space<vmem_shared>>
        tpu.wait_dma2 semaphore(%run_scoped3A : memref<!tpu.dma_semaphore, #tpu.memory_space<semaphore_mem>>) src(%arg10 : memref<640xi32, #tpu.memory_space<vmem>>) dst(%dma_wait3A_221 : memref<640xi32, #tpu.memory_space<vmem_shared>>)
        tpu.yield
      }) : () -> ()
      %barrier3A_208 = arith.constant 0 : index
      tpu.barrier barrier_id(%barrier3A_208)
      %scan3A_209 = arith.constant 0 : i32
      %scan3A_210 = arith.constant 32 : i32
      %scan3A_211 = arith.addi %scan3A_209, %scan3A_210 : i32
      %scan3A_212 = arith.constant 1 : i32
      scf.for %scan3A_220 = %scan3A_209 to %scan3A_211 step %scan3A_212  : i32 {
        %mul3A_221 = arith.constant 1 : i32
        %mul3A_222 = arith.muli %scan3A_220, %mul3A_221 : i32
        %add3A_223 = arith.constant 0 : i32
        %add3A_224 = arith.addi %add3A_223, %mul3A_222 : i32
        %mul3A_225 = arith.constant 16 : i32
        %mul3A_226 = arith.muli %add3A_224, %mul3A_225 : i32
        %get3A_227 = arith.index_cast %mul3A_226 : i32 to index
        %get3A_228 = tpu.vector_load %arg8[%get3A_227] {strides = array<i32>} : memref<512xi32, #tpu.memory_space<vmem>>, vector<16xi32>,
        %mul3A_229 = arith.constant 16 : i32
        %mul3A_230 = arith.muli %add3A_224, %mul3A_229 : i32
        "tpu.region"() ({
          %run_scoped3A = tpu.sem_alloc : memref<!tpu.dma_semaphore, #tpu.memory_space<semaphore_mem>>
          %dma_start3A = tpu.memref_slice %arg9[%mul3A_230] : memref<512xi32, #tpu.memory_space<vmem>> -> memref<16xi32, #tpu.memory_space<vmem>>
          %dma_start3A_231 = arith.constant 0 : i32
          %dma_start3A_232 = tpu.memref_slice %arg16[%dma_start3A_231] : memref<10240xi32, #tpu.memory_space<vmem_shared>> -> memref<10240xi32, #tpu.memory_space<vmem_shared>>
          tpu.enqueue_indirect_dma source(%dma_start3A : memref<16xi32, #tpu.memory_space<vmem>>) target(%dma_start3A_232 : memref<10240xi32, #tpu.memory_space<vmem_shared>>) offsets(%get3A_228 : vector<16xi32>) semaphore(%run_scoped3A : memref<!tpu.dma_semaphore, #tpu.memory_space<semaphore_mem>>)
          %dma_wait3A = tpu.memref_slice %arg9[%mul3A_230] : memref<512xi32, #tpu.memory_space<vmem>> -> memref<16xi32, #tpu.memory_space<vmem>>
          %dma_wait3A_233 = arith.constant 0 : i32
          %dma_wait3A_234 = tpu.memref_slice %arg16[%dma_wait3A_233] : memref<10240xi32, #tpu.memory_space<vmem_shared>> -> memref<10240xi32, #tpu.memory_space<vmem_shared>>
          tpu.wait_indirect_dma semaphore(%run_scoped3A : memref<!tpu.dma_semaphore, #tpu.memory_space<semaphore_mem>>) src(%dma_wait3A : memref<16xi32, #tpu.memory_space<vmem>>) dst(%dma_wait3A_234 : memref<10240xi32, #tpu.memory_space<vmem_shared>>)
          tpu.yield
        }) : () -> ()
      }
      %scan3A_213 = arith.constant 32 : i32
      %barrier3A_214 = arith.constant 0 : index
      tpu.barrier barrier_id(%barrier3A_214)
      "tpu.region"() ({
        %run_scoped3A = tpu.sem_alloc : memref<!tpu.dma_semaphore, #tpu.memory_space<semaphore_mem>>
        %dma_start3A = tpu.memref_slice %arg4[%mul3A_202] : memref<10240xi32, #tpu.memory_space<hbm>> -> memref<640xi32, #tpu.memory_space<hbm>>
        %dma_start3A_220 = tpu.memref_slice %arg16[%mul3A_202] : memref<10240xi32, #tpu.memory_space<vmem_shared>> -> memref<640xi32, #tpu.memory_space<vmem_shared>>
        tpu.enqueue_dma source(%dma_start3A_220 : memref<640xi32, #tpu.memory_space<vmem_shared>>) target(%dma_start3A : memref<640xi32, #tpu.memory_space<hbm>>) target_semaphore(%run_scoped3A : memref<!tpu.dma_semaphore, #tpu.memory_space<semaphore_mem>>)
        %dma_wait3A = tpu.memref_slice %arg4[%mul3A_202] : memref<10240xi32, #tpu.memory_space<hbm>> -> memref<640xi32, #tpu.memory_space<hbm>>
        %dma_wait3A_221 = tpu.memref_slice %arg16[%mul3A_202] : memref<10240xi32, #tpu.memory_space<vmem_shared>> -> memref<640xi32, #tpu.memory_space<vmem_shared>>
        tpu.wait_dma2 semaphore(%run_scoped3A : memref<!tpu.dma_semaphore, #tpu.memory_space<semaphore_mem>>) src(%dma_wait3A_221 : memref<640xi32, #tpu.memory_space<vmem_shared>>) dst(%dma_wait3A : memref<640xi32, #tpu.memory_space<hbm>>)
        tpu.yield
      }) : () -> ()
      %eq3A_215 = arith.constant 0 : i32
      %eq3A_216 = arith.cmpi eq, %arg1, %eq3A_215 : i32
      %convert_element_type3A_217 = arith.extui %eq3A_216 : i1 to i32
      %cond3A_218 = arith.constant 0 : i32
      %cond3A_219 = arith.cmpi ne, %convert_element_type3A_217, %cond3A_218 : i32
      scf.if %cond3A_219 {
        %add3A_220 = arith.constant 0 : i32
        %add3A_221 = vector.broadcast %add3A_220 : i32 to vector<16xi32>
        %add3A_222 = arith.addi %add3A_221, %iota3A : vector<16xi32>
        %mul3A_223 = arith.constant 256 : i32
        %mul3A_224 = vector.broadcast %mul3A_223 : i32 to vector<16xi32>
        %mul3A_225 = arith.muli %add3A_222, %mul3A_224 : vector<16xi32>
        %broadcast_in_dim3A_226 = arith.constant 0 : i32
        %broadcast_in_dim3A_227 = vector.broadcast %broadcast_in_dim3A_226 : i32 to vector<16xi32>
        %eq3A_228 = arith.constant 0 : i32
        %eq3A_229 = vector.broadcast %eq3A_228 : i32 to vector<16xi32>
        %eq3A_230 = arith.cmpi eq, %iota3A, %eq3A_229 : vector<16xi32>
        %jit3A = arith.constant 0 : i32
        %broadcast_in_dim3A_231 = vector.broadcast %jit3A : i32 to vector<16xi32>
        %select_n3A = arith.select %eq3A_230, %masked_cumsum3A, %broadcast_in_dim3A_231 : vector<16xi1>, vector<16xi32>
        %reduce_max3A = arith.constant true
        %reduce_max3A_232 = vector.broadcast %reduce_max3A : i1 to vector<16xi1>
        %reduce_max3A_233 = arith.constant -2147483648 : i32
        %reduce_max3A_234 = vector.broadcast %reduce_max3A_233 : i32 to vector<16xi32>
        %reduce_max3A_235 = arith.xori %select_n3A, %reduce_max3A_234 : vector<16xi32>
        %reduce_max3A_236 = tpu.scan <max>, %reduce_max3A_235 masked %reduce_max3A_232 : vector<16xi32>, vector<16xi1> -> vector<16xi32>
        %reduce_max3A_237 = arith.xori %reduce_max3A_236, %reduce_max3A_234 : vector<16xi32>
        %reduce_max3A_238 = vector.extract %reduce_max3A_237[15] : i32 from vector<16xi32>
        %le3A = vector.broadcast %reduce_max3A_238 : i32 to vector<16xi32>
        %le3A_239 = arith.cmpi sle, %le3A, %mul3A_225 : vector<16xi32>
        %convert_element_type3A_240 = arith.extui %le3A_239 : vector<16xi1> to vector<16xi32>
        %add3A_241 = arith.addi %broadcast_in_dim3A_227, %convert_element_type3A_240 : vector<16xi32>
        %eq3A_242 = arith.constant 1 : i32
        %eq3A_243 = vector.broadcast %eq3A_242 : i32 to vector<16xi32>
        %eq3A_244 = arith.cmpi eq, %iota3A, %eq3A_243 : vector<16xi32>
        %jit3A_245 = arith.constant 0 : i32
        %broadcast_in_dim3A_246 = vector.broadcast %jit3A_245 : i32 to vector<16xi32>
        %select_n3A_247 = arith.select %eq3A_244, %masked_cumsum3A, %broadcast_in_dim3A_246 : vector<16xi1>, vector<16xi32>
        %reduce_max3A_248 = arith.constant true
        %reduce_max3A_249 = vector.broadcast %reduce_max3A_248 : i1 to vector<16xi1>
        %reduce_max3A_250 = arith.constant -2147483648 : i32
        %reduce_max3A_251 = vector.broadcast %reduce_max3A_250 : i32 to vector<16xi32>
        %reduce_max3A_252 = arith.xori %select_n3A_247, %reduce_max3A_251 : vector<16xi32>
        %reduce_max3A_253 = tpu.scan <max>, %reduce_max3A_252 masked %reduce_max3A_249 : vector<16xi32>, vector<16xi1> -> vector<16xi32>
        %reduce_max3A_254 = arith.xori %reduce_max3A_253, %reduce_max3A_251 : vector<16xi32>
        %reduce_max3A_255 = vector.extract %reduce_max3A_254[15] : i32 from vector<16xi32>
        %le3A_256 = vector.broadcast %reduce_max3A_255 : i32 to vector<16xi32>
        %le3A_257 = arith.cmpi sle, %le3A_256, %mul3A_225 : vector<16xi32>
        %convert_element_type3A_258 = arith.extui %le3A_257 : vector<16xi1> to vector<16xi32>
        %add3A_259 = arith.addi %add3A_241, %convert_element_type3A_258 : vector<16xi32>
        %eq3A_260 = arith.constant 2 : i32
        %eq3A_261 = vector.broadcast %eq3A_260 : i32 to vector<16xi32>
        %eq3A_262 = arith.cmpi eq, %iota3A, %eq3A_261 : vector<16xi32>
        %jit3A_263 = arith.constant 0 : i32
        %broadcast_in_dim3A_264 = vector.broadcast %jit3A_263 : i32 to vector<16xi32>
        %select_n3A_265 = arith.select %eq3A_262, %masked_cumsum3A, %broadcast_in_dim3A_264 : vector<16xi1>, vector<16xi32>
        %reduce_max3A_266 = arith.constant true
        %reduce_max3A_267 = vector.broadcast %reduce_max3A_266 : i1 to vector<16xi1>
        %reduce_max3A_268 = arith.constant -2147483648 : i32
        %reduce_max3A_269 = vector.broadcast %reduce_max3A_268 : i32 to vector<16xi32>
        %reduce_max3A_270 = arith.xori %select_n3A_265, %reduce_max3A_269 : vector<16xi32>
        %reduce_max3A_271 = tpu.scan <max>, %reduce_max3A_270 masked %reduce_max3A_267 : vector<16xi32>, vector<16xi1> -> vector<16xi32>
        %reduce_max3A_272 = arith.xori %reduce_max3A_271, %reduce_max3A_269 : vector<16xi32>
        %reduce_max3A_273 = vector.extract %reduce_max3A_272[15] : i32 from vector<16xi32>
        %le3A_274 = vector.broadcast %reduce_max3A_273 : i32 to vector<16xi32>
        %le3A_275 = arith.cmpi sle, %le3A_274, %mul3A_225 : vector<16xi32>
        %convert_element_type3A_276 = arith.extui %le3A_275 : vector<16xi1> to vector<16xi32>
        %add3A_277 = arith.addi %add3A_259, %convert_element_type3A_276 : vector<16xi32>
        %eq3A_278 = arith.constant 3 : i32
        %eq3A_279 = vector.broadcast %eq3A_278 : i32 to vector<16xi32>
        %eq3A_280 = arith.cmpi eq, %iota3A, %eq3A_279 : vector<16xi32>
        %jit3A_281 = arith.constant 0 : i32
        %broadcast_in_dim3A_282 = vector.broadcast %jit3A_281 : i32 to vector<16xi32>
        %select_n3A_283 = arith.select %eq3A_280, %masked_cumsum3A, %broadcast_in_dim3A_282 : vector<16xi1>, vector<16xi32>
        %reduce_max3A_284 = arith.constant true
        %reduce_max3A_285 = vector.broadcast %reduce_max3A_284 : i1 to vector<16xi1>
        %reduce_max3A_286 = arith.constant -2147483648 : i32
        %reduce_max3A_287 = vector.broadcast %reduce_max3A_286 : i32 to vector<16xi32>
        %reduce_max3A_288 = arith.xori %select_n3A_283, %reduce_max3A_287 : vector<16xi32>
        %reduce_max3A_289 = tpu.scan <max>, %reduce_max3A_288 masked %reduce_max3A_285 : vector<16xi32>, vector<16xi1> -> vector<16xi32>
        %reduce_max3A_290 = arith.xori %reduce_max3A_289, %reduce_max3A_287 : vector<16xi32>
        %reduce_max3A_291 = vector.extract %reduce_max3A_290[15] : i32 from vector<16xi32>
        %le3A_292 = vector.broadcast %reduce_max3A_291 : i32 to vector<16xi32>
        %le3A_293 = arith.cmpi sle, %le3A_292, %mul3A_225 : vector<16xi32>
        %convert_element_type3A_294 = arith.extui %le3A_293 : vector<16xi1> to vector<16xi32>
        %add3A_295 = arith.addi %add3A_277, %convert_element_type3A_294 : vector<16xi32>
        %eq3A_296 = arith.constant 4 : i32
        %eq3A_297 = vector.broadcast %eq3A_296 : i32 to vector<16xi32>
        %eq3A_298 = arith.cmpi eq, %iota3A, %eq3A_297 : vector<16xi32>
        %jit3A_299 = arith.constant 0 : i32
        %broadcast_in_dim3A_300 = vector.broadcast %jit3A_299 : i32 to vector<16xi32>
        %select_n3A_301 = arith.select %eq3A_298, %masked_cumsum3A, %broadcast_in_dim3A_300 : vector<16xi1>, vector<16xi32>
        %reduce_max3A_302 = arith.constant true
        %reduce_max3A_303 = vector.broadcast %reduce_max3A_302 : i1 to vector<16xi1>
        %reduce_max3A_304 = arith.constant -2147483648 : i32
        %reduce_max3A_305 = vector.broadcast %reduce_max3A_304 : i32 to vector<16xi32>
        %reduce_max3A_306 = arith.xori %select_n3A_301, %reduce_max3A_305 : vector<16xi32>
        %reduce_max3A_307 = tpu.scan <max>, %reduce_max3A_306 masked %reduce_max3A_303 : vector<16xi32>, vector<16xi1> -> vector<16xi32>
        %reduce_max3A_308 = arith.xori %reduce_max3A_307, %reduce_max3A_305 : vector<16xi32>
        %reduce_max3A_309 = vector.extract %reduce_max3A_308[15] : i32 from vector<16xi32>
        %le3A_310 = vector.broadcast %reduce_max3A_309 : i32 to vector<16xi32>
        %le3A_311 = arith.cmpi sle, %le3A_310, %mul3A_225 : vector<16xi32>
        %convert_element_type3A_312 = arith.extui %le3A_311 : vector<16xi1> to vector<16xi32>
        %add3A_313 = arith.addi %add3A_295, %convert_element_type3A_312 : vector<16xi32>
        %eq3A_314 = arith.constant 5 : i32
        %eq3A_315 = vector.broadcast %eq3A_314 : i32 to vector<16xi32>
        %eq3A_316 = arith.cmpi eq, %iota3A, %eq3A_315 : vector<16xi32>
        %jit3A_317 = arith.constant 0 : i32
        %broadcast_in_dim3A_318 = vector.broadcast %jit3A_317 : i32 to vector<16xi32>
        %select_n3A_319 = arith.select %eq3A_316, %masked_cumsum3A, %broadcast_in_dim3A_318 : vector<16xi1>, vector<16xi32>
        %reduce_max3A_320 = arith.constant true
        %reduce_max3A_321 = vector.broadcast %reduce_max3A_320 : i1 to vector<16xi1>
        %reduce_max3A_322 = arith.constant -2147483648 : i32
        %reduce_max3A_323 = vector.broadcast %reduce_max3A_322 : i32 to vector<16xi32>
        %reduce_max3A_324 = arith.xori %select_n3A_319, %reduce_max3A_323 : vector<16xi32>
        %reduce_max3A_325 = tpu.scan <max>, %reduce_max3A_324 masked %reduce_max3A_321 : vector<16xi32>, vector<16xi1> -> vector<16xi32>
        %reduce_max3A_326 = arith.xori %reduce_max3A_325, %reduce_max3A_323 : vector<16xi32>
        %reduce_max3A_327 = vector.extract %reduce_max3A_326[15] : i32 from vector<16xi32>
        %le3A_328 = vector.broadcast %reduce_max3A_327 : i32 to vector<16xi32>
        %le3A_329 = arith.cmpi sle, %le3A_328, %mul3A_225 : vector<16xi32>
        %convert_element_type3A_330 = arith.extui %le3A_329 : vector<16xi1> to vector<16xi32>
        %add3A_331 = arith.addi %add3A_313, %convert_element_type3A_330 : vector<16xi32>
        %eq3A_332 = arith.constant 6 : i32
        %eq3A_333 = vector.broadcast %eq3A_332 : i32 to vector<16xi32>
        %eq3A_334 = arith.cmpi eq, %iota3A, %eq3A_333 : vector<16xi32>
        %jit3A_335 = arith.constant 0 : i32
        %broadcast_in_dim3A_336 = vector.broadcast %jit3A_335 : i32 to vector<16xi32>
        %select_n3A_337 = arith.select %eq3A_334, %masked_cumsum3A, %broadcast_in_dim3A_336 : vector<16xi1>, vector<16xi32>
        %reduce_max3A_338 = arith.constant true
        %reduce_max3A_339 = vector.broadcast %reduce_max3A_338 : i1 to vector<16xi1>
        %reduce_max3A_340 = arith.constant -2147483648 : i32
        %reduce_max3A_341 = vector.broadcast %reduce_max3A_340 : i32 to vector<16xi32>
        %reduce_max3A_342 = arith.xori %select_n3A_337, %reduce_max3A_341 : vector<16xi32>
        %reduce_max3A_343 = tpu.scan <max>, %reduce_max3A_342 masked %reduce_max3A_339 : vector<16xi32>, vector<16xi1> -> vector<16xi32>
        %reduce_max3A_344 = arith.xori %reduce_max3A_343, %reduce_max3A_341 : vector<16xi32>
        %reduce_max3A_345 = vector.extract %reduce_max3A_344[15] : i32 from vector<16xi32>
        %le3A_346 = vector.broadcast %reduce_max3A_345 : i32 to vector<16xi32>
        %le3A_347 = arith.cmpi sle, %le3A_346, %mul3A_225 : vector<16xi32>
        %convert_element_type3A_348 = arith.extui %le3A_347 : vector<16xi1> to vector<16xi32>
        %add3A_349 = arith.addi %add3A_331, %convert_element_type3A_348 : vector<16xi32>
        %eq3A_350 = arith.constant 7 : i32
        %eq3A_351 = vector.broadcast %eq3A_350 : i32 to vector<16xi32>
        %eq3A_352 = arith.cmpi eq, %iota3A, %eq3A_351 : vector<16xi32>
        %jit3A_353 = arith.constant 0 : i32
        %broadcast_in_dim3A_354 = vector.broadcast %jit3A_353 : i32 to vector<16xi32>
        %select_n3A_355 = arith.select %eq3A_352, %masked_cumsum3A, %broadcast_in_dim3A_354 : vector<16xi1>, vector<16xi32>
        %reduce_max3A_356 = arith.constant true
        %reduce_max3A_357 = vector.broadcast %reduce_max3A_356 : i1 to vector<16xi1>
        %reduce_max3A_358 = arith.constant -2147483648 : i32
        %reduce_max3A_359 = vector.broadcast %reduce_max3A_358 : i32 to vector<16xi32>
        %reduce_max3A_360 = arith.xori %select_n3A_355, %reduce_max3A_359 : vector<16xi32>
        %reduce_max3A_361 = tpu.scan <max>, %reduce_max3A_360 masked %reduce_max3A_357 : vector<16xi32>, vector<16xi1> -> vector<16xi32>
        %reduce_max3A_362 = arith.xori %reduce_max3A_361, %reduce_max3A_359 : vector<16xi32>
        %reduce_max3A_363 = vector.extract %reduce_max3A_362[15] : i32 from vector<16xi32>
        %le3A_364 = vector.broadcast %reduce_max3A_363 : i32 to vector<16xi32>
        %le3A_365 = arith.cmpi sle, %le3A_364, %mul3A_225 : vector<16xi32>
        %convert_element_type3A_366 = arith.extui %le3A_365 : vector<16xi1> to vector<16xi32>
        %add3A_367 = arith.addi %add3A_349, %convert_element_type3A_366 : vector<16xi32>
        %min3A = arith.constant 7 : i32
        %min3A_368 = vector.broadcast %min3A : i32 to vector<16xi32>
        %min3A_369 = arith.minsi %add3A_367, %min3A_368 : vector<16xi32>
        %swap3A_370 = arith.constant 0 : index
        %swap3A_371 = tpu.vector_load %arg12[%swap3A_370] {strides = array<i32>} : memref<48xi32, #tpu.memory_space<vmem>>, vector<16xi32>,
        tpu.vector_store %arg12[%swap3A_370], %min3A_369 {strides = array<i32>} : memref<48xi32, #tpu.memory_space<vmem>>, vector<16xi32>,
        %add3A_372 = arith.constant 16 : i32
        %add3A_373 = vector.broadcast %add3A_372 : i32 to vector<16xi32>
        %add3A_374 = arith.addi %add3A_373, %iota3A : vector<16xi32>
        %mul3A_375 = arith.constant 256 : i32
        %mul3A_376 = vector.broadcast %mul3A_375 : i32 to vector<16xi32>
        %mul3A_377 = arith.muli %add3A_374, %mul3A_376 : vector<16xi32>
        %broadcast_in_dim3A_378 = arith.constant 0 : i32
        %broadcast_in_dim3A_379 = vector.broadcast %broadcast_in_dim3A_378 : i32 to vector<16xi32>
        %eq3A_380 = arith.constant 0 : i32
        %eq3A_381 = vector.broadcast %eq3A_380 : i32 to vector<16xi32>
        %eq3A_382 = arith.cmpi eq, %iota3A, %eq3A_381 : vector<16xi32>
        %jit3A_383 = arith.constant 0 : i32
        %broadcast_in_dim3A_384 = vector.broadcast %jit3A_383 : i32 to vector<16xi32>
        %select_n3A_385 = arith.select %eq3A_382, %masked_cumsum3A, %broadcast_in_dim3A_384 : vector<16xi1>, vector<16xi32>
        %reduce_max3A_386 = arith.constant true
        %reduce_max3A_387 = vector.broadcast %reduce_max3A_386 : i1 to vector<16xi1>
        %reduce_max3A_388 = arith.constant -2147483648 : i32
        %reduce_max3A_389 = vector.broadcast %reduce_max3A_388 : i32 to vector<16xi32>
        %reduce_max3A_390 = arith.xori %select_n3A_385, %reduce_max3A_389 : vector<16xi32>
        %reduce_max3A_391 = tpu.scan <max>, %reduce_max3A_390 masked %reduce_max3A_387 : vector<16xi32>, vector<16xi1> -> vector<16xi32>
        %reduce_max3A_392 = arith.xori %reduce_max3A_391, %reduce_max3A_389 : vector<16xi32>
        %reduce_max3A_393 = vector.extract %reduce_max3A_392[15] : i32 from vector<16xi32>
        %le3A_394 = vector.broadcast %reduce_max3A_393 : i32 to vector<16xi32>
        %le3A_395 = arith.cmpi sle, %le3A_394, %mul3A_377 : vector<16xi32>
        %convert_element_type3A_396 = arith.extui %le3A_395 : vector<16xi1> to vector<16xi32>
        %add3A_397 = arith.addi %broadcast_in_dim3A_379, %convert_element_type3A_396 : vector<16xi32>
        %eq3A_398 = arith.constant 1 : i32
        %eq3A_399 = vector.broadcast %eq3A_398 : i32 to vector<16xi32>
        %eq3A_400 = arith.cmpi eq, %iota3A, %eq3A_399 : vector<16xi32>
        %jit3A_401 = arith.constant 0 : i32
        %broadcast_in_dim3A_402 = vector.broadcast %jit3A_401 : i32 to vector<16xi32>
        %select_n3A_403 = arith.select %eq3A_400, %masked_cumsum3A, %broadcast_in_dim3A_402 : vector<16xi1>, vector<16xi32>
        %reduce_max3A_404 = arith.constant true
        %reduce_max3A_405 = vector.broadcast %reduce_max3A_404 : i1 to vector<16xi1>
        %reduce_max3A_406 = arith.constant -2147483648 : i32
        %reduce_max3A_407 = vector.broadcast %reduce_max3A_406 : i32 to vector<16xi32>
        %reduce_max3A_408 = arith.xori %select_n3A_403, %reduce_max3A_407 : vector<16xi32>
        %reduce_max3A_409 = tpu.scan <max>, %reduce_max3A_408 masked %reduce_max3A_405 : vector<16xi32>, vector<16xi1> -> vector<16xi32>
        %reduce_max3A_410 = arith.xori %reduce_max3A_409, %reduce_max3A_407 : vector<16xi32>
        %reduce_max3A_411 = vector.extract %reduce_max3A_410[15] : i32 from vector<16xi32>
        %le3A_412 = vector.broadcast %reduce_max3A_411 : i32 to vector<16xi32>
        %le3A_413 = arith.cmpi sle, %le3A_412, %mul3A_377 : vector<16xi32>
        %convert_element_type3A_414 = arith.extui %le3A_413 : vector<16xi1> to vector<16xi32>
        %add3A_415 = arith.addi %add3A_397, %convert_element_type3A_414 : vector<16xi32>
        %eq3A_416 = arith.constant 2 : i32
        %eq3A_417 = vector.broadcast %eq3A_416 : i32 to vector<16xi32>
        %eq3A_418 = arith.cmpi eq, %iota3A, %eq3A_417 : vector<16xi32>
        %jit3A_419 = arith.constant 0 : i32
        %broadcast_in_dim3A_420 = vector.broadcast %jit3A_419 : i32 to vector<16xi32>
        %select_n3A_421 = arith.select %eq3A_418, %masked_cumsum3A, %broadcast_in_dim3A_420 : vector<16xi1>, vector<16xi32>
        %reduce_max3A_422 = arith.constant true
        %reduce_max3A_423 = vector.broadcast %reduce_max3A_422 : i1 to vector<16xi1>
        %reduce_max3A_424 = arith.constant -2147483648 : i32
        %reduce_max3A_425 = vector.broadcast %reduce_max3A_424 : i32 to vector<16xi32>
        %reduce_max3A_426 = arith.xori %select_n3A_421, %reduce_max3A_425 : vector<16xi32>
        %reduce_max3A_427 = tpu.scan <max>, %reduce_max3A_426 masked %reduce_max3A_423 : vector<16xi32>, vector<16xi1> -> vector<16xi32>
        %reduce_max3A_428 = arith.xori %reduce_max3A_427, %reduce_max3A_425 : vector<16xi32>
        %reduce_max3A_429 = vector.extract %reduce_max3A_428[15] : i32 from vector<16xi32>
        %le3A_430 = vector.broadcast %reduce_max3A_429 : i32 to vector<16xi32>
        %le3A_431 = arith.cmpi sle, %le3A_430, %mul3A_377 : vector<16xi32>
        %convert_element_type3A_432 = arith.extui %le3A_431 : vector<16xi1> to vector<16xi32>
        %add3A_433 = arith.addi %add3A_415, %convert_element_type3A_432 : vector<16xi32>
        %eq3A_434 = arith.constant 3 : i32
        %eq3A_435 = vector.broadcast %eq3A_434 : i32 to vector<16xi32>
        %eq3A_436 = arith.cmpi eq, %iota3A, %eq3A_435 : vector<16xi32>
        %jit3A_437 = arith.constant 0 : i32
        %broadcast_in_dim3A_438 = vector.broadcast %jit3A_437 : i32 to vector<16xi32>
        %select_n3A_439 = arith.select %eq3A_436, %masked_cumsum3A, %broadcast_in_dim3A_438 : vector<16xi1>, vector<16xi32>
        %reduce_max3A_440 = arith.constant true
        %reduce_max3A_441 = vector.broadcast %reduce_max3A_440 : i1 to vector<16xi1>
        %reduce_max3A_442 = arith.constant -2147483648 : i32
        %reduce_max3A_443 = vector.broadcast %reduce_max3A_442 : i32 to vector<16xi32>
        %reduce_max3A_444 = arith.xori %select_n3A_439, %reduce_max3A_443 : vector<16xi32>
        %reduce_max3A_445 = tpu.scan <max>, %reduce_max3A_444 masked %reduce_max3A_441 : vector<16xi32>, vector<16xi1> -> vector<16xi32>
        %reduce_max3A_446 = arith.xori %reduce_max3A_445, %reduce_max3A_443 : vector<16xi32>
        %reduce_max3A_447 = vector.extract %reduce_max3A_446[15] : i32 from vector<16xi32>
        %le3A_448 = vector.broadcast %reduce_max3A_447 : i32 to vector<16xi32>
        %le3A_449 = arith.cmpi sle, %le3A_448, %mul3A_377 : vector<16xi32>
        %convert_element_type3A_450 = arith.extui %le3A_449 : vector<16xi1> to vector<16xi32>
        %add3A_451 = arith.addi %add3A_433, %convert_element_type3A_450 : vector<16xi32>
        %eq3A_452 = arith.constant 4 : i32
        %eq3A_453 = vector.broadcast %eq3A_452 : i32 to vector<16xi32>
        %eq3A_454 = arith.cmpi eq, %iota3A, %eq3A_453 : vector<16xi32>
        %jit3A_455 = arith.constant 0 : i32
        %broadcast_in_dim3A_456 = vector.broadcast %jit3A_455 : i32 to vector<16xi32>
        %select_n3A_457 = arith.select %eq3A_454, %masked_cumsum3A, %broadcast_in_dim3A_456 : vector<16xi1>, vector<16xi32>
        %reduce_max3A_458 = arith.constant true
        %reduce_max3A_459 = vector.broadcast %reduce_max3A_458 : i1 to vector<16xi1>
        %reduce_max3A_460 = arith.constant -2147483648 : i32
        %reduce_max3A_461 = vector.broadcast %reduce_max3A_460 : i32 to vector<16xi32>
        %reduce_max3A_462 = arith.xori %select_n3A_457, %reduce_max3A_461 : vector<16xi32>
        %reduce_max3A_463 = tpu.scan <max>, %reduce_max3A_462 masked %reduce_max3A_459 : vector<16xi32>, vector<16xi1> -> vector<16xi32>
        %reduce_max3A_464 = arith.xori %reduce_max3A_463, %reduce_max3A_461 : vector<16xi32>
        %reduce_max3A_465 = vector.extract %reduce_max3A_464[15] : i32 from vector<16xi32>
        %le3A_466 = vector.broadcast %reduce_max3A_465 : i32 to vector<16xi32>
        %le3A_467 = arith.cmpi sle, %le3A_466, %mul3A_377 : vector<16xi32>
        %convert_element_type3A_468 = arith.extui %le3A_467 : vector<16xi1> to vector<16xi32>
        %add3A_469 = arith.addi %add3A_451, %convert_element_type3A_468 : vector<16xi32>
        %eq3A_470 = arith.constant 5 : i32
        %eq3A_471 = vector.broadcast %eq3A_470 : i32 to vector<16xi32>
        %eq3A_472 = arith.cmpi eq, %iota3A, %eq3A_471 : vector<16xi32>
        %jit3A_473 = arith.constant 0 : i32
        %broadcast_in_dim3A_474 = vector.broadcast %jit3A_473 : i32 to vector<16xi32>
        %select_n3A_475 = arith.select %eq3A_472, %masked_cumsum3A, %broadcast_in_dim3A_474 : vector<16xi1>, vector<16xi32>
        %reduce_max3A_476 = arith.constant true
        %reduce_max3A_477 = vector.broadcast %reduce_max3A_476 : i1 to vector<16xi1>
        %reduce_max3A_478 = arith.constant -2147483648 : i32
        %reduce_max3A_479 = vector.broadcast %reduce_max3A_478 : i32 to vector<16xi32>
        %reduce_max3A_480 = arith.xori %select_n3A_475, %reduce_max3A_479 : vector<16xi32>
        %reduce_max3A_481 = tpu.scan <max>, %reduce_max3A_480 masked %reduce_max3A_477 : vector<16xi32>, vector<16xi1> -> vector<16xi32>
        %reduce_max3A_482 = arith.xori %reduce_max3A_481, %reduce_max3A_479 : vector<16xi32>
        %reduce_max3A_483 = vector.extract %reduce_max3A_482[15] : i32 from vector<16xi32>
        %le3A_484 = vector.broadcast %reduce_max3A_483 : i32 to vector<16xi32>
        %le3A_485 = arith.cmpi sle, %le3A_484, %mul3A_377 : vector<16xi32>
        %convert_element_type3A_486 = arith.extui %le3A_485 : vector<16xi1> to vector<16xi32>
        %add3A_487 = arith.addi %add3A_469, %convert_element_type3A_486 : vector<16xi32>
        %eq3A_488 = arith.constant 6 : i32
        %eq3A_489 = vector.broadcast %eq3A_488 : i32 to vector<16xi32>
        %eq3A_490 = arith.cmpi eq, %iota3A, %eq3A_489 : vector<16xi32>
        %jit3A_491 = arith.constant 0 : i32
        %broadcast_in_dim3A_492 = vector.broadcast %jit3A_491 : i32 to vector<16xi32>
        %select_n3A_493 = arith.select %eq3A_490, %masked_cumsum3A, %broadcast_in_dim3A_492 : vector<16xi1>, vector<16xi32>
        %reduce_max3A_494 = arith.constant true
        %reduce_max3A_495 = vector.broadcast %reduce_max3A_494 : i1 to vector<16xi1>
        %reduce_max3A_496 = arith.constant -2147483648 : i32
        %reduce_max3A_497 = vector.broadcast %reduce_max3A_496 : i32 to vector<16xi32>
        %reduce_max3A_498 = arith.xori %select_n3A_493, %reduce_max3A_497 : vector<16xi32>
        %reduce_max3A_499 = tpu.scan <max>, %reduce_max3A_498 masked %reduce_max3A_495 : vector<16xi32>, vector<16xi1> -> vector<16xi32>
        %reduce_max3A_500 = arith.xori %reduce_max3A_499, %reduce_max3A_497 : vector<16xi32>
        %reduce_max3A_501 = vector.extract %reduce_max3A_500[15] : i32 from vector<16xi32>
        %le3A_502 = vector.broadcast %reduce_max3A_501 : i32 to vector<16xi32>
        %le3A_503 = arith.cmpi sle, %le3A_502, %mul3A_377 : vector<16xi32>
        %convert_element_type3A_504 = arith.extui %le3A_503 : vector<16xi1> to vector<16xi32>
        %add3A_505 = arith.addi %add3A_487, %convert_element_type3A_504 : vector<16xi32>
        %eq3A_506 = arith.constant 7 : i32
        %eq3A_507 = vector.broadcast %eq3A_506 : i32 to vector<16xi32>
        %eq3A_508 = arith.cmpi eq, %iota3A, %eq3A_507 : vector<16xi32>
        %jit3A_509 = arith.constant 0 : i32
        %broadcast_in_dim3A_510 = vector.broadcast %jit3A_509 : i32 to vector<16xi32>
        %select_n3A_511 = arith.select %eq3A_508, %masked_cumsum3A, %broadcast_in_dim3A_510 : vector<16xi1>, vector<16xi32>
        %reduce_max3A_512 = arith.constant true
        %reduce_max3A_513 = vector.broadcast %reduce_max3A_512 : i1 to vector<16xi1>
        %reduce_max3A_514 = arith.constant -2147483648 : i32
        %reduce_max3A_515 = vector.broadcast %reduce_max3A_514 : i32 to vector<16xi32>
        %reduce_max3A_516 = arith.xori %select_n3A_511, %reduce_max3A_515 : vector<16xi32>
        %reduce_max3A_517 = tpu.scan <max>, %reduce_max3A_516 masked %reduce_max3A_513 : vector<16xi32>, vector<16xi1> -> vector<16xi32>
        %reduce_max3A_518 = arith.xori %reduce_max3A_517, %reduce_max3A_515 : vector<16xi32>
        %reduce_max3A_519 = vector.extract %reduce_max3A_518[15] : i32 from vector<16xi32>
        %le3A_520 = vector.broadcast %reduce_max3A_519 : i32 to vector<16xi32>
        %le3A_521 = arith.cmpi sle, %le3A_520, %mul3A_377 : vector<16xi32>
        %convert_element_type3A_522 = arith.extui %le3A_521 : vector<16xi1> to vector<16xi32>
        %add3A_523 = arith.addi %add3A_505, %convert_element_type3A_522 : vector<16xi32>
        %min3A_524 = arith.constant 7 : i32
        %min3A_525 = vector.broadcast %min3A_524 : i32 to vector<16xi32>
        %min3A_526 = arith.minsi %add3A_523, %min3A_525 : vector<16xi32>
        %swap3A_527 = arith.constant 16 : index
        %swap3A_528 = tpu.vector_load %arg12[%swap3A_527] {strides = array<i32>} : memref<48xi32, #tpu.memory_space<vmem>>, vector<16xi32>,
        tpu.vector_store %arg12[%swap3A_527], %min3A_526 {strides = array<i32>} : memref<48xi32, #tpu.memory_space<vmem>>, vector<16xi32>,
        %add3A_529 = arith.constant 32 : i32
        %add3A_530 = vector.broadcast %add3A_529 : i32 to vector<16xi32>
        %add3A_531 = arith.addi %add3A_530, %iota3A : vector<16xi32>
        %mul3A_532 = arith.constant 256 : i32
        %mul3A_533 = vector.broadcast %mul3A_532 : i32 to vector<16xi32>
        %mul3A_534 = arith.muli %add3A_531, %mul3A_533 : vector<16xi32>
        %broadcast_in_dim3A_535 = arith.constant 0 : i32
        %broadcast_in_dim3A_536 = vector.broadcast %broadcast_in_dim3A_535 : i32 to vector<16xi32>
        %eq3A_537 = arith.constant 0 : i32
        %eq3A_538 = vector.broadcast %eq3A_537 : i32 to vector<16xi32>
        %eq3A_539 = arith.cmpi eq, %iota3A, %eq3A_538 : vector<16xi32>
        %jit3A_540 = arith.constant 0 : i32
        %broadcast_in_dim3A_541 = vector.broadcast %jit3A_540 : i32 to vector<16xi32>
        %select_n3A_542 = arith.select %eq3A_539, %masked_cumsum3A, %broadcast_in_dim3A_541 : vector<16xi1>, vector<16xi32>
        %reduce_max3A_543 = arith.constant true
        %reduce_max3A_544 = vector.broadcast %reduce_max3A_543 : i1 to vector<16xi1>
        %reduce_max3A_545 = arith.constant -2147483648 : i32
        %reduce_max3A_546 = vector.broadcast %reduce_max3A_545 : i32 to vector<16xi32>
        %reduce_max3A_547 = arith.xori %select_n3A_542, %reduce_max3A_546 : vector<16xi32>
        %reduce_max3A_548 = tpu.scan <max>, %reduce_max3A_547 masked %reduce_max3A_544 : vector<16xi32>, vector<16xi1> -> vector<16xi32>
        %reduce_max3A_549 = arith.xori %reduce_max3A_548, %reduce_max3A_546 : vector<16xi32>
        %reduce_max3A_550 = vector.extract %reduce_max3A_549[15] : i32 from vector<16xi32>
        %le3A_551 = vector.broadcast %reduce_max3A_550 : i32 to vector<16xi32>
        %le3A_552 = arith.cmpi sle, %le3A_551, %mul3A_534 : vector<16xi32>
        %convert_element_type3A_553 = arith.extui %le3A_552 : vector<16xi1> to vector<16xi32>
        %add3A_554 = arith.addi %broadcast_in_dim3A_536, %convert_element_type3A_553 : vector<16xi32>
        %eq3A_555 = arith.constant 1 : i32
        %eq3A_556 = vector.broadcast %eq3A_555 : i32 to vector<16xi32>
        %eq3A_557 = arith.cmpi eq, %iota3A, %eq3A_556 : vector<16xi32>
        %jit3A_558 = arith.constant 0 : i32
        %broadcast_in_dim3A_559 = vector.broadcast %jit3A_558 : i32 to vector<16xi32>
        %select_n3A_560 = arith.select %eq3A_557, %masked_cumsum3A, %broadcast_in_dim3A_559 : vector<16xi1>, vector<16xi32>
        %reduce_max3A_561 = arith.constant true
        %reduce_max3A_562 = vector.broadcast %reduce_max3A_561 : i1 to vector<16xi1>
        %reduce_max3A_563 = arith.constant -2147483648 : i32
        %reduce_max3A_564 = vector.broadcast %reduce_max3A_563 : i32 to vector<16xi32>
        %reduce_max3A_565 = arith.xori %select_n3A_560, %reduce_max3A_564 : vector<16xi32>
        %reduce_max3A_566 = tpu.scan <max>, %reduce_max3A_565 masked %reduce_max3A_562 : vector<16xi32>, vector<16xi1> -> vector<16xi32>
        %reduce_max3A_567 = arith.xori %reduce_max3A_566, %reduce_max3A_564 : vector<16xi32>
        %reduce_max3A_568 = vector.extract %reduce_max3A_567[15] : i32 from vector<16xi32>
        %le3A_569 = vector.broadcast %reduce_max3A_568 : i32 to vector<16xi32>
        %le3A_570 = arith.cmpi sle, %le3A_569, %mul3A_534 : vector<16xi32>
        %convert_element_type3A_571 = arith.extui %le3A_570 : vector<16xi1> to vector<16xi32>
        %add3A_572 = arith.addi %add3A_554, %convert_element_type3A_571 : vector<16xi32>
        %eq3A_573 = arith.constant 2 : i32
        %eq3A_574 = vector.broadcast %eq3A_573 : i32 to vector<16xi32>
        %eq3A_575 = arith.cmpi eq, %iota3A, %eq3A_574 : vector<16xi32>
        %jit3A_576 = arith.constant 0 : i32
        %broadcast_in_dim3A_577 = vector.broadcast %jit3A_576 : i32 to vector<16xi32>
        %select_n3A_578 = arith.select %eq3A_575, %masked_cumsum3A, %broadcast_in_dim3A_577 : vector<16xi1>, vector<16xi32>
        %reduce_max3A_579 = arith.constant true
        %reduce_max3A_580 = vector.broadcast %reduce_max3A_579 : i1 to vector<16xi1>
        %reduce_max3A_581 = arith.constant -2147483648 : i32
        %reduce_max3A_582 = vector.broadcast %reduce_max3A_581 : i32 to vector<16xi32>
        %reduce_max3A_583 = arith.xori %select_n3A_578, %reduce_max3A_582 : vector<16xi32>
        %reduce_max3A_584 = tpu.scan <max>, %reduce_max3A_583 masked %reduce_max3A_580 : vector<16xi32>, vector<16xi1> -> vector<16xi32>
        %reduce_max3A_585 = arith.xori %reduce_max3A_584, %reduce_max3A_582 : vector<16xi32>
        %reduce_max3A_586 = vector.extract %reduce_max3A_585[15] : i32 from vector<16xi32>
        %le3A_587 = vector.broadcast %reduce_max3A_586 : i32 to vector<16xi32>
        %le3A_588 = arith.cmpi sle, %le3A_587, %mul3A_534 : vector<16xi32>
        %convert_element_type3A_589 = arith.extui %le3A_588 : vector<16xi1> to vector<16xi32>
        %add3A_590 = arith.addi %add3A_572, %convert_element_type3A_589 : vector<16xi32>
        %eq3A_591 = arith.constant 3 : i32
        %eq3A_592 = vector.broadcast %eq3A_591 : i32 to vector<16xi32>
        %eq3A_593 = arith.cmpi eq, %iota3A, %eq3A_592 : vector<16xi32>
        %jit3A_594 = arith.constant 0 : i32
        %broadcast_in_dim3A_595 = vector.broadcast %jit3A_594 : i32 to vector<16xi32>
        %select_n3A_596 = arith.select %eq3A_593, %masked_cumsum3A, %broadcast_in_dim3A_595 : vector<16xi1>, vector<16xi32>
        %reduce_max3A_597 = arith.constant true
        %reduce_max3A_598 = vector.broadcast %reduce_max3A_597 : i1 to vector<16xi1>
        %reduce_max3A_599 = arith.constant -2147483648 : i32
        %reduce_max3A_600 = vector.broadcast %reduce_max3A_599 : i32 to vector<16xi32>
        %reduce_max3A_601 = arith.xori %select_n3A_596, %reduce_max3A_600 : vector<16xi32>
        %reduce_max3A_602 = tpu.scan <max>, %reduce_max3A_601 masked %reduce_max3A_598 : vector<16xi32>, vector<16xi1> -> vector<16xi32>
        %reduce_max3A_603 = arith.xori %reduce_max3A_602, %reduce_max3A_600 : vector<16xi32>
        %reduce_max3A_604 = vector.extract %reduce_max3A_603[15] : i32 from vector<16xi32>
        %le3A_605 = vector.broadcast %reduce_max3A_604 : i32 to vector<16xi32>
        %le3A_606 = arith.cmpi sle, %le3A_605, %mul3A_534 : vector<16xi32>
        %convert_element_type3A_607 = arith.extui %le3A_606 : vector<16xi1> to vector<16xi32>
        %add3A_608 = arith.addi %add3A_590, %convert_element_type3A_607 : vector<16xi32>
        %eq3A_609 = arith.constant 4 : i32
        %eq3A_610 = vector.broadcast %eq3A_609 : i32 to vector<16xi32>
        %eq3A_611 = arith.cmpi eq, %iota3A, %eq3A_610 : vector<16xi32>
        %jit3A_612 = arith.constant 0 : i32
        %broadcast_in_dim3A_613 = vector.broadcast %jit3A_612 : i32 to vector<16xi32>
        %select_n3A_614 = arith.select %eq3A_611, %masked_cumsum3A, %broadcast_in_dim3A_613 : vector<16xi1>, vector<16xi32>
        %reduce_max3A_615 = arith.constant true
        %reduce_max3A_616 = vector.broadcast %reduce_max3A_615 : i1 to vector<16xi1>
        %reduce_max3A_617 = arith.constant -2147483648 : i32
        %reduce_max3A_618 = vector.broadcast %reduce_max3A_617 : i32 to vector<16xi32>
        %reduce_max3A_619 = arith.xori %select_n3A_614, %reduce_max3A_618 : vector<16xi32>
        %reduce_max3A_620 = tpu.scan <max>, %reduce_max3A_619 masked %reduce_max3A_616 : vector<16xi32>, vector<16xi1> -> vector<16xi32>
        %reduce_max3A_621 = arith.xori %reduce_max3A_620, %reduce_max3A_618 : vector<16xi32>
        %reduce_max3A_622 = vector.extract %reduce_max3A_621[15] : i32 from vector<16xi32>
        %le3A_623 = vector.broadcast %reduce_max3A_622 : i32 to vector<16xi32>
        %le3A_624 = arith.cmpi sle, %le3A_623, %mul3A_534 : vector<16xi32>
        %convert_element_type3A_625 = arith.extui %le3A_624 : vector<16xi1> to vector<16xi32>
        %add3A_626 = arith.addi %add3A_608, %convert_element_type3A_625 : vector<16xi32>
        %eq3A_627 = arith.constant 5 : i32
        %eq3A_628 = vector.broadcast %eq3A_627 : i32 to vector<16xi32>
        %eq3A_629 = arith.cmpi eq, %iota3A, %eq3A_628 : vector<16xi32>
        %jit3A_630 = arith.constant 0 : i32
        %broadcast_in_dim3A_631 = vector.broadcast %jit3A_630 : i32 to vector<16xi32>
        %select_n3A_632 = arith.select %eq3A_629, %masked_cumsum3A, %broadcast_in_dim3A_631 : vector<16xi1>, vector<16xi32>
        %reduce_max3A_633 = arith.constant true
        %reduce_max3A_634 = vector.broadcast %reduce_max3A_633 : i1 to vector<16xi1>
        %reduce_max3A_635 = arith.constant -2147483648 : i32
        %reduce_max3A_636 = vector.broadcast %reduce_max3A_635 : i32 to vector<16xi32>
        %reduce_max3A_637 = arith.xori %select_n3A_632, %reduce_max3A_636 : vector<16xi32>
        %reduce_max3A_638 = tpu.scan <max>, %reduce_max3A_637 masked %reduce_max3A_634 : vector<16xi32>, vector<16xi1> -> vector<16xi32>
        %reduce_max3A_639 = arith.xori %reduce_max3A_638, %reduce_max3A_636 : vector<16xi32>
        %reduce_max3A_640 = vector.extract %reduce_max3A_639[15] : i32 from vector<16xi32>
        %le3A_641 = vector.broadcast %reduce_max3A_640 : i32 to vector<16xi32>
        %le3A_642 = arith.cmpi sle, %le3A_641, %mul3A_534 : vector<16xi32>
        %convert_element_type3A_643 = arith.extui %le3A_642 : vector<16xi1> to vector<16xi32>
        %add3A_644 = arith.addi %add3A_626, %convert_element_type3A_643 : vector<16xi32>
        %eq3A_645 = arith.constant 6 : i32
        %eq3A_646 = vector.broadcast %eq3A_645 : i32 to vector<16xi32>
        %eq3A_647 = arith.cmpi eq, %iota3A, %eq3A_646 : vector<16xi32>
        %jit3A_648 = arith.constant 0 : i32
        %broadcast_in_dim3A_649 = vector.broadcast %jit3A_648 : i32 to vector<16xi32>
        %select_n3A_650 = arith.select %eq3A_647, %masked_cumsum3A, %broadcast_in_dim3A_649 : vector<16xi1>, vector<16xi32>
        %reduce_max3A_651 = arith.constant true
        %reduce_max3A_652 = vector.broadcast %reduce_max3A_651 : i1 to vector<16xi1>
        %reduce_max3A_653 = arith.constant -2147483648 : i32
        %reduce_max3A_654 = vector.broadcast %reduce_max3A_653 : i32 to vector<16xi32>
        %reduce_max3A_655 = arith.xori %select_n3A_650, %reduce_max3A_654 : vector<16xi32>
        %reduce_max3A_656 = tpu.scan <max>, %reduce_max3A_655 masked %reduce_max3A_652 : vector<16xi32>, vector<16xi1> -> vector<16xi32>
        %reduce_max3A_657 = arith.xori %reduce_max3A_656, %reduce_max3A_654 : vector<16xi32>
        %reduce_max3A_658 = vector.extract %reduce_max3A_657[15] : i32 from vector<16xi32>
        %le3A_659 = vector.broadcast %reduce_max3A_658 : i32 to vector<16xi32>
        %le3A_660 = arith.cmpi sle, %le3A_659, %mul3A_534 : vector<16xi32>
        %convert_element_type3A_661 = arith.extui %le3A_660 : vector<16xi1> to vector<16xi32>
        %add3A_662 = arith.addi %add3A_644, %convert_element_type3A_661 : vector<16xi32>
        %eq3A_663 = arith.constant 7 : i32
        %eq3A_664 = vector.broadcast %eq3A_663 : i32 to vector<16xi32>
        %eq3A_665 = arith.cmpi eq, %iota3A, %eq3A_664 : vector<16xi32>
        %jit3A_666 = arith.constant 0 : i32
        %broadcast_in_dim3A_667 = vector.broadcast %jit3A_666 : i32 to vector<16xi32>
        %select_n3A_668 = arith.select %eq3A_665, %masked_cumsum3A, %broadcast_in_dim3A_667 : vector<16xi1>, vector<16xi32>
        %reduce_max3A_669 = arith.constant true
        %reduce_max3A_670 = vector.broadcast %reduce_max3A_669 : i1 to vector<16xi1>
        %reduce_max3A_671 = arith.constant -2147483648 : i32
        %reduce_max3A_672 = vector.broadcast %reduce_max3A_671 : i32 to vector<16xi32>
        %reduce_max3A_673 = arith.xori %select_n3A_668, %reduce_max3A_672 : vector<16xi32>
        %reduce_max3A_674 = tpu.scan <max>, %reduce_max3A_673 masked %reduce_max3A_670 : vector<16xi32>, vector<16xi1> -> vector<16xi32>
        %reduce_max3A_675 = arith.xori %reduce_max3A_674, %reduce_max3A_672 : vector<16xi32>
        %reduce_max3A_676 = vector.extract %reduce_max3A_675[15] : i32 from vector<16xi32>
        %le3A_677 = vector.broadcast %reduce_max3A_676 : i32 to vector<16xi32>
        %le3A_678 = arith.cmpi sle, %le3A_677, %mul3A_534 : vector<16xi32>
        %convert_element_type3A_679 = arith.extui %le3A_678 : vector<16xi1> to vector<16xi32>
        %add3A_680 = arith.addi %add3A_662, %convert_element_type3A_679 : vector<16xi32>
        %min3A_681 = arith.constant 7 : i32
        %min3A_682 = vector.broadcast %min3A_681 : i32 to vector<16xi32>
        %min3A_683 = arith.minsi %add3A_680, %min3A_682 : vector<16xi32>
        %swap3A_684 = arith.constant 32 : index
        %swap3A_685 = tpu.vector_load %arg12[%swap3A_684] {strides = array<i32>} : memref<48xi32, #tpu.memory_space<vmem>>, vector<16xi32>,
        tpu.vector_store %arg12[%swap3A_684], %min3A_683 {strides = array<i32>} : memref<48xi32, #tpu.memory_space<vmem>>, vector<16xi32>,
        "tpu.region"() ({
          %run_scoped3A = tpu.sem_alloc : memref<!tpu.dma_semaphore, #tpu.memory_space<semaphore_mem>>
          tpu.enqueue_dma source(%arg12 : memref<48xi32, #tpu.memory_space<vmem>>) target(%arg5 : memref<48xi32, #tpu.memory_space<hbm>>) target_semaphore(%run_scoped3A : memref<!tpu.dma_semaphore, #tpu.memory_space<semaphore_mem>>)
          tpu.wait_dma2 semaphore(%run_scoped3A : memref<!tpu.dma_semaphore, #tpu.memory_space<semaphore_mem>>) src(%arg12 : memref<48xi32, #tpu.memory_space<vmem>>) dst(%arg5 : memref<48xi32, #tpu.memory_space<hbm>>)
          tpu.yield
        }) : () -> ()
      } else {
      }
    } else {
    }
    return
  }
}

#map = affine_map<(d0, d1) -> (0)>
#map1 = affine_map<(d0, d1) -> (0, 0)>
module attributes {stable_mosaic.version = 14 : i64} {
  func.func @_gather_body(%arg0: i32, %arg1: i32, %arg2: memref<10240xi32, #tpu.memory_space<hbm>>, %arg3: memref<4096x1024xf32, #tpu.memory_space<hbm>>, %arg4: memref<10240x1024xf32, #tpu.memory_space<hbm>>, %arg5: memref<320xi32, #tpu.memory_space<vmem>>, %arg6: memref<16x1024xf32, #tpu.memory_space<vmem>>, %arg7: memref<16x1024xf32, #tpu.memory_space<vmem>>, %arg8: memref<16x1024xf32, #tpu.memory_space<vmem>>, %arg9: memref<16x1024xf32, #tpu.memory_space<vmem>>, %arg10: memref<!tpu.dma_semaphore, #tpu.memory_space<semaphore_mem>>) attributes {dimension_semantics = [#tpu.dimension_semantics<core_parallel>, #tpu.dimension_semantics<subcore_parallel>], iteration_bounds = array<i64: 2, 16>, scalar_prefetch = 0 : i64, scratch_operands = 6 : i64, tpu.core_type = #tpu.core_type<sc_vector_subcore>, window_params = [{transform_indices = #map}, {transform_indices = #map1}, {transform_indices = #map1}]} {
    %mul3A = arith.constant 2 : i32
    %mul3A_0 = arith.muli %arg1, %mul3A : i32
    %add3A = arith.addi %mul3A_0, %arg0 : i32
    %mul3A_1 = arith.constant 320 : i32
    %mul3A_2 = arith.muli %add3A, %mul3A_1 : i32
    "tpu.region"() ({
      %run_scoped3A = tpu.sem_alloc : memref<!tpu.dma_semaphore, #tpu.memory_space<semaphore_mem>>
      %dma_start3A = tpu.memref_slice %arg2[%mul3A_2] : memref<10240xi32, #tpu.memory_space<hbm>> -> memref<320xi32, #tpu.memory_space<hbm>>
      %dma_start3A_7 = tpu.memref_slice %arg2[%mul3A_2] : memref<10240xi32, #tpu.memory_space<hbm>> -> memref<320xi32, #tpu.memory_space<hbm>>
      tpu.enqueue_dma source(%dma_start3A_7 : memref<320xi32, #tpu.memory_space<hbm>>) target(%arg5 : memref<320xi32, #tpu.memory_space<vmem>>) target_semaphore(%run_scoped3A : memref<!tpu.dma_semaphore, #tpu.memory_space<semaphore_mem>>)
      %dma_wait3A = tpu.memref_slice %arg2[%mul3A_2] : memref<10240xi32, #tpu.memory_space<hbm>> -> memref<320xi32, #tpu.memory_space<hbm>>
      %dma_wait3A_8 = tpu.memref_slice %arg2[%mul3A_2] : memref<10240xi32, #tpu.memory_space<hbm>> -> memref<320xi32, #tpu.memory_space<hbm>>
      tpu.wait_dma2 semaphore(%run_scoped3A : memref<!tpu.dma_semaphore, #tpu.memory_space<semaphore_mem>>) src(%dma_wait3A_8 : memref<320xi32, #tpu.memory_space<hbm>>) dst(%arg5 : memref<320xi32, #tpu.memory_space<vmem>>)
      tpu.yield
    }) : () -> ()
    %scan3A = arith.constant 0 : i32
    %scan3A_3 = arith.constant 5 : i32
    %scan3A_4 = arith.addi %scan3A, %scan3A_3 : i32
    %scan3A_5 = arith.constant 1 : i32
    scf.for %scan3A_7 = %scan3A to %scan3A_4 step %scan3A_5  : i32 {
      %mul3A_8 = arith.constant 1 : i32
      %mul3A_9 = arith.muli %scan3A_7, %mul3A_8 : i32
      %add3A_10 = arith.constant 0 : i32
      %add3A_11 = arith.addi %add3A_10, %mul3A_9 : i32
      %mul3A_12 = arith.constant 4 : i32
      %mul3A_13 = arith.muli %add3A_11, %mul3A_12 : i32
      %add3A_14 = arith.constant 0 : i32
      %add3A_15 = arith.addi %mul3A_13, %add3A_14 : i32
      %mul3A_16 = arith.constant 16 : i32
      %mul3A_17 = arith.muli %add3A_15, %mul3A_16 : i32
      %get3A = arith.index_cast %mul3A_17 : i32 to index
      %get3A_18 = tpu.vector_load %arg5[%get3A] {strides = array<i32>} : memref<320xi32, #tpu.memory_space<vmem>>, vector<16xi32>,
      %dma_start3A = arith.constant 0 : i32
      %dma_start3A_19 = arith.constant 0 : i32
      %dma_start3A_20 = tpu.memref_slice %arg3[%dma_start3A, %dma_start3A_19] : memref<4096x1024xf32, #tpu.memory_space<hbm>> -> memref<4096x1024xf32, #tpu.memory_space<hbm>>
      tpu.enqueue_indirect_dma source(%dma_start3A_20 : memref<4096x1024xf32, #tpu.memory_space<hbm>>) target(%arg6 : memref<16x1024xf32, #tpu.memory_space<vmem>>) offsets(%get3A_18 : vector<16xi32>) semaphore(%arg10 : memref<!tpu.dma_semaphore, #tpu.memory_space<semaphore_mem>>)
      %add3A_21 = arith.constant 1 : i32
      %add3A_22 = arith.addi %mul3A_13, %add3A_21 : i32
      %mul3A_23 = arith.constant 16 : i32
      %mul3A_24 = arith.muli %add3A_22, %mul3A_23 : i32
      %get3A_25 = arith.index_cast %mul3A_24 : i32 to index
      %get3A_26 = tpu.vector_load %arg5[%get3A_25] {strides = array<i32>} : memref<320xi32, #tpu.memory_space<vmem>>, vector<16xi32>,
      %dma_start3A_27 = arith.constant 0 : i32
      %dma_start3A_28 = arith.constant 0 : i32
      %dma_start3A_29 = tpu.memref_slice %arg3[%dma_start3A_27, %dma_start3A_28] : memref<4096x1024xf32, #tpu.memory_space<hbm>> -> memref<4096x1024xf32, #tpu.memory_space<hbm>>
      tpu.enqueue_indirect_dma source(%dma_start3A_29 : memref<4096x1024xf32, #tpu.memory_space<hbm>>) target(%arg7 : memref<16x1024xf32, #tpu.memory_space<vmem>>) offsets(%get3A_26 : vector<16xi32>) semaphore(%arg10 : memref<!tpu.dma_semaphore, #tpu.memory_space<semaphore_mem>>)
      %add3A_30 = arith.constant 2 : i32
      %add3A_31 = arith.addi %mul3A_13, %add3A_30 : i32
      %mul3A_32 = arith.constant 16 : i32
      %mul3A_33 = arith.muli %add3A_31, %mul3A_32 : i32
      %get3A_34 = arith.index_cast %mul3A_33 : i32 to index
      %get3A_35 = tpu.vector_load %arg5[%get3A_34] {strides = array<i32>} : memref<320xi32, #tpu.memory_space<vmem>>, vector<16xi32>,
      %dma_start3A_36 = arith.constant 0 : i32
      %dma_start3A_37 = arith.constant 0 : i32
      %dma_start3A_38 = tpu.memref_slice %arg3[%dma_start3A_36, %dma_start3A_37] : memref<4096x1024xf32, #tpu.memory_space<hbm>> -> memref<4096x1024xf32, #tpu.memory_space<hbm>>
      tpu.enqueue_indirect_dma source(%dma_start3A_38 : memref<4096x1024xf32, #tpu.memory_space<hbm>>) target(%arg8 : memref<16x1024xf32, #tpu.memory_space<vmem>>) offsets(%get3A_35 : vector<16xi32>) semaphore(%arg10 : memref<!tpu.dma_semaphore, #tpu.memory_space<semaphore_mem>>)
      %add3A_39 = arith.constant 3 : i32
      %add3A_40 = arith.addi %mul3A_13, %add3A_39 : i32
      %mul3A_41 = arith.constant 16 : i32
      %mul3A_42 = arith.muli %add3A_40, %mul3A_41 : i32
      %get3A_43 = arith.index_cast %mul3A_42 : i32 to index
      %get3A_44 = tpu.vector_load %arg5[%get3A_43] {strides = array<i32>} : memref<320xi32, #tpu.memory_space<vmem>>, vector<16xi32>,
      %dma_start3A_45 = arith.constant 0 : i32
      %dma_start3A_46 = arith.constant 0 : i32
      %dma_start3A_47 = tpu.memref_slice %arg3[%dma_start3A_45, %dma_start3A_46] : memref<4096x1024xf32, #tpu.memory_space<hbm>> -> memref<4096x1024xf32, #tpu.memory_space<hbm>>
      tpu.enqueue_indirect_dma source(%dma_start3A_47 : memref<4096x1024xf32, #tpu.memory_space<hbm>>) target(%arg9 : memref<16x1024xf32, #tpu.memory_space<vmem>>) offsets(%get3A_44 : vector<16xi32>) semaphore(%arg10 : memref<!tpu.dma_semaphore, #tpu.memory_space<semaphore_mem>>)
      %dma_wait3A = arith.constant 0 : i32
      %dma_wait3A_48 = arith.constant 0 : i32
      %dma_wait3A_49 = tpu.memref_slice %arg3[%dma_wait3A, %dma_wait3A_48] : memref<4096x1024xf32, #tpu.memory_space<hbm>> -> memref<4096x1024xf32, #tpu.memory_space<hbm>>
      tpu.wait_indirect_dma semaphore(%arg10 : memref<!tpu.dma_semaphore, #tpu.memory_space<semaphore_mem>>) src(%dma_wait3A_49 : memref<4096x1024xf32, #tpu.memory_space<hbm>>) dst(%arg6 : memref<16x1024xf32, #tpu.memory_space<vmem>>)
      %add3A_50 = arith.constant 0 : i32
      %add3A_51 = arith.addi %mul3A_13, %add3A_50 : i32
      %mul3A_52 = arith.constant 16 : i32
      %mul3A_53 = arith.muli %add3A_51, %mul3A_52 : i32
      %add3A_54 = arith.addi %mul3A_2, %mul3A_53 : i32
      "tpu.region"() ({
        %run_scoped3A = tpu.sem_alloc : memref<!tpu.dma_semaphore, #tpu.memory_space<semaphore_mem>>
        %dma_start3A_79 = arith.constant 0 : i32
        %dma_start3A_80 = tpu.memref_slice %arg4[%add3A_54, %dma_start3A_79] : memref<10240x1024xf32, #tpu.memory_space<hbm>> -> memref<16x1024xf32, #tpu.memory_space<hbm>>
        %dma_start3A_81 = arith.constant 0 : i32
        %dma_start3A_82 = tpu.memref_slice %arg4[%add3A_54, %dma_start3A_81] : memref<10240x1024xf32, #tpu.memory_space<hbm>> -> memref<16x1024xf32, #tpu.memory_space<hbm>>
        tpu.enqueue_dma source(%arg6 : memref<16x1024xf32, #tpu.memory_space<vmem>>) target(%dma_start3A_82 : memref<16x1024xf32, #tpu.memory_space<hbm>>) target_semaphore(%run_scoped3A : memref<!tpu.dma_semaphore, #tpu.memory_space<semaphore_mem>>)
        %dma_wait3A_83 = arith.constant 0 : i32
        %dma_wait3A_84 = tpu.memref_slice %arg4[%add3A_54, %dma_wait3A_83] : memref<10240x1024xf32, #tpu.memory_space<hbm>> -> memref<16x1024xf32, #tpu.memory_space<hbm>>
        %dma_wait3A_85 = arith.constant 0 : i32
        %dma_wait3A_86 = tpu.memref_slice %arg4[%add3A_54, %dma_wait3A_85] : memref<10240x1024xf32, #tpu.memory_space<hbm>> -> memref<16x1024xf32, #tpu.memory_space<hbm>>
        tpu.wait_dma2 semaphore(%run_scoped3A : memref<!tpu.dma_semaphore, #tpu.memory_space<semaphore_mem>>) src(%arg6 : memref<16x1024xf32, #tpu.memory_space<vmem>>) dst(%dma_wait3A_86 : memref<16x1024xf32, #tpu.memory_space<hbm>>)
        tpu.yield
      }) : () -> ()
      %dma_wait3A_55 = arith.constant 0 : i32
      %dma_wait3A_56 = arith.constant 0 : i32
      %dma_wait3A_57 = tpu.memref_slice %arg3[%dma_wait3A_55, %dma_wait3A_56] : memref<4096x1024xf32, #tpu.memory_space<hbm>> -> memref<4096x1024xf32, #tpu.memory_space<hbm>>
      tpu.wait_indirect_dma semaphore(%arg10 : memref<!tpu.dma_semaphore, #tpu.memory_space<semaphore_mem>>) src(%dma_wait3A_57 : memref<4096x1024xf32, #tpu.memory_space<hbm>>) dst(%arg7 : memref<16x1024xf32, #tpu.memory_space<vmem>>)
      %add3A_58 = arith.constant 1 : i32
      %add3A_59 = arith.addi %mul3A_13, %add3A_58 : i32
      %mul3A_60 = arith.constant 16 : i32
      %mul3A_61 = arith.muli %add3A_59, %mul3A_60 : i32
      %add3A_62 = arith.addi %mul3A_2, %mul3A_61 : i32
      "tpu.region"() ({
        %run_scoped3A = tpu.sem_alloc : memref<!tpu.dma_semaphore, #tpu.memory_space<semaphore_mem>>
        %dma_start3A_79 = arith.constant 0 : i32
        %dma_start3A_80 = tpu.memref_slice %arg4[%add3A_62, %dma_start3A_79] : memref<10240x1024xf32, #tpu.memory_space<hbm>> -> memref<16x1024xf32, #tpu.memory_space<hbm>>
        %dma_start3A_81 = arith.constant 0 : i32
        %dma_start3A_82 = tpu.memref_slice %arg4[%add3A_62, %dma_start3A_81] : memref<10240x1024xf32, #tpu.memory_space<hbm>> -> memref<16x1024xf32, #tpu.memory_space<hbm>>
        tpu.enqueue_dma source(%arg7 : memref<16x1024xf32, #tpu.memory_space<vmem>>) target(%dma_start3A_82 : memref<16x1024xf32, #tpu.memory_space<hbm>>) target_semaphore(%run_scoped3A : memref<!tpu.dma_semaphore, #tpu.memory_space<semaphore_mem>>)
        %dma_wait3A_83 = arith.constant 0 : i32
        %dma_wait3A_84 = tpu.memref_slice %arg4[%add3A_62, %dma_wait3A_83] : memref<10240x1024xf32, #tpu.memory_space<hbm>> -> memref<16x1024xf32, #tpu.memory_space<hbm>>
        %dma_wait3A_85 = arith.constant 0 : i32
        %dma_wait3A_86 = tpu.memref_slice %arg4[%add3A_62, %dma_wait3A_85] : memref<10240x1024xf32, #tpu.memory_space<hbm>> -> memref<16x1024xf32, #tpu.memory_space<hbm>>
        tpu.wait_dma2 semaphore(%run_scoped3A : memref<!tpu.dma_semaphore, #tpu.memory_space<semaphore_mem>>) src(%arg7 : memref<16x1024xf32, #tpu.memory_space<vmem>>) dst(%dma_wait3A_86 : memref<16x1024xf32, #tpu.memory_space<hbm>>)
        tpu.yield
      }) : () -> ()
      %dma_wait3A_63 = arith.constant 0 : i32
      %dma_wait3A_64 = arith.constant 0 : i32
      %dma_wait3A_65 = tpu.memref_slice %arg3[%dma_wait3A_63, %dma_wait3A_64] : memref<4096x1024xf32, #tpu.memory_space<hbm>> -> memref<4096x1024xf32, #tpu.memory_space<hbm>>
      tpu.wait_indirect_dma semaphore(%arg10 : memref<!tpu.dma_semaphore, #tpu.memory_space<semaphore_mem>>) src(%dma_wait3A_65 : memref<4096x1024xf32, #tpu.memory_space<hbm>>) dst(%arg8 : memref<16x1024xf32, #tpu.memory_space<vmem>>)
      %add3A_66 = arith.constant 2 : i32
      %add3A_67 = arith.addi %mul3A_13, %add3A_66 : i32
      %mul3A_68 = arith.constant 16 : i32
      %mul3A_69 = arith.muli %add3A_67, %mul3A_68 : i32
      %add3A_70 = arith.addi %mul3A_2, %mul3A_69 : i32
      "tpu.region"() ({
        %run_scoped3A = tpu.sem_alloc : memref<!tpu.dma_semaphore, #tpu.memory_space<semaphore_mem>>
        %dma_start3A_79 = arith.constant 0 : i32
        %dma_start3A_80 = tpu.memref_slice %arg4[%add3A_70, %dma_start3A_79] : memref<10240x1024xf32, #tpu.memory_space<hbm>> -> memref<16x1024xf32, #tpu.memory_space<hbm>>
        %dma_start3A_81 = arith.constant 0 : i32
        %dma_start3A_82 = tpu.memref_slice %arg4[%add3A_70, %dma_start3A_81] : memref<10240x1024xf32, #tpu.memory_space<hbm>> -> memref<16x1024xf32, #tpu.memory_space<hbm>>
        tpu.enqueue_dma source(%arg8 : memref<16x1024xf32, #tpu.memory_space<vmem>>) target(%dma_start3A_82 : memref<16x1024xf32, #tpu.memory_space<hbm>>) target_semaphore(%run_scoped3A : memref<!tpu.dma_semaphore, #tpu.memory_space<semaphore_mem>>)
        %dma_wait3A_83 = arith.constant 0 : i32
        %dma_wait3A_84 = tpu.memref_slice %arg4[%add3A_70, %dma_wait3A_83] : memref<10240x1024xf32, #tpu.memory_space<hbm>> -> memref<16x1024xf32, #tpu.memory_space<hbm>>
        %dma_wait3A_85 = arith.constant 0 : i32
        %dma_wait3A_86 = tpu.memref_slice %arg4[%add3A_70, %dma_wait3A_85] : memref<10240x1024xf32, #tpu.memory_space<hbm>> -> memref<16x1024xf32, #tpu.memory_space<hbm>>
        tpu.wait_dma2 semaphore(%run_scoped3A : memref<!tpu.dma_semaphore, #tpu.memory_space<semaphore_mem>>) src(%arg8 : memref<16x1024xf32, #tpu.memory_space<vmem>>) dst(%dma_wait3A_86 : memref<16x1024xf32, #tpu.memory_space<hbm>>)
        tpu.yield
      }) : () -> ()
      %dma_wait3A_71 = arith.constant 0 : i32
      %dma_wait3A_72 = arith.constant 0 : i32
      %dma_wait3A_73 = tpu.memref_slice %arg3[%dma_wait3A_71, %dma_wait3A_72] : memref<4096x1024xf32, #tpu.memory_space<hbm>> -> memref<4096x1024xf32, #tpu.memory_space<hbm>>
      tpu.wait_indirect_dma semaphore(%arg10 : memref<!tpu.dma_semaphore, #tpu.memory_space<semaphore_mem>>) src(%dma_wait3A_73 : memref<4096x1024xf32, #tpu.memory_space<hbm>>) dst(%arg9 : memref<16x1024xf32, #tpu.memory_space<vmem>>)
      %add3A_74 = arith.constant 3 : i32
      %add3A_75 = arith.addi %mul3A_13, %add3A_74 : i32
      %mul3A_76 = arith.constant 16 : i32
      %mul3A_77 = arith.muli %add3A_75, %mul3A_76 : i32
      %add3A_78 = arith.addi %mul3A_2, %mul3A_77 : i32
      "tpu.region"() ({
        %run_scoped3A = tpu.sem_alloc : memref<!tpu.dma_semaphore, #tpu.memory_space<semaphore_mem>>
        %dma_start3A_79 = arith.constant 0 : i32
        %dma_start3A_80 = tpu.memref_slice %arg4[%add3A_78, %dma_start3A_79] : memref<10240x1024xf32, #tpu.memory_space<hbm>> -> memref<16x1024xf32, #tpu.memory_space<hbm>>
        %dma_start3A_81 = arith.constant 0 : i32
        %dma_start3A_82 = tpu.memref_slice %arg4[%add3A_78, %dma_start3A_81] : memref<10240x1024xf32, #tpu.memory_space<hbm>> -> memref<16x1024xf32, #tpu.memory_space<hbm>>
        tpu.enqueue_dma source(%arg9 : memref<16x1024xf32, #tpu.memory_space<vmem>>) target(%dma_start3A_82 : memref<16x1024xf32, #tpu.memory_space<hbm>>) target_semaphore(%run_scoped3A : memref<!tpu.dma_semaphore, #tpu.memory_space<semaphore_mem>>)
        %dma_wait3A_83 = arith.constant 0 : i32
        %dma_wait3A_84 = tpu.memref_slice %arg4[%add3A_78, %dma_wait3A_83] : memref<10240x1024xf32, #tpu.memory_space<hbm>> -> memref<16x1024xf32, #tpu.memory_space<hbm>>
        %dma_wait3A_85 = arith.constant 0 : i32
        %dma_wait3A_86 = tpu.memref_slice %arg4[%add3A_78, %dma_wait3A_85] : memref<10240x1024xf32, #tpu.memory_space<hbm>> -> memref<16x1024xf32, #tpu.memory_space<hbm>>
        tpu.wait_dma2 semaphore(%run_scoped3A : memref<!tpu.dma_semaphore, #tpu.memory_space<semaphore_mem>>) src(%arg9 : memref<16x1024xf32, #tpu.memory_space<vmem>>) dst(%dma_wait3A_86 : memref<16x1024xf32, #tpu.memory_space<hbm>>)
        tpu.yield
      }) : () -> ()
    }
    %scan3A_6 = arith.constant 5 : i32
    return
  }
}

module attributes {stable_mosaic.version = 14 : i64} {
  func.func @_router_body(%arg0: memref<4096x1024xf32, #tpu.memory_space<vmem>>, %arg1: memref<1024x8xf32, #tpu.memory_space<vmem>>, %arg2: memref<4096x1xi32, #tpu.memory_space<vmem>>, %arg3: memref<4096x1xi32, #tpu.memory_space<vmem>>, %arg4: memref<4096x1xf32, #tpu.memory_space<vmem>>, %arg5: memref<4096x1xf32, #tpu.memory_space<vmem>>) attributes {dimension_semantics = [], scalar_prefetch = 0 : i64, scratch_operands = 0 : i64, tpu.core_type = #tpu.core_type<tc>} {
    %get3A = arith.constant 0 : index
    %get3A_0 = arith.constant 0 : index
    %get3A_1 = vector.load %arg0[%get3A, %get3A_0] : memref<4096x1024xf32, #tpu.memory_space<vmem>>, vector<4096x1024xf32>
    %get3A_2 = arith.constant 0 : index
    %get3A_3 = arith.constant 0 : index
    %get3A_4 = vector.load %arg1[%get3A_2, %get3A_3] : memref<1024x8xf32, #tpu.memory_space<vmem>>, vector<1024x8xf32>
    %dot_general3A = arith.constant dense<0.000000e+00> : vector<4096x8xf32>
    %dot_general3A_5 = tpu.matmul %get3A_1, %get3A_4, %dot_general3A {dimension_numbers = #tpu.dot_dimension_numbers<[1], [0], [0], [1], [0, 0, 1, 1], [], []>, transpose_lhs_hint = false} : vector<4096x1024xf32>, vector<1024x8xf32>, vector<4096x8xf32> -> vector<4096x8xf32>
    %iota3A = tpu.iota {dimensions = array<i32: 1>} : vector<4096x8xi32>
    %reduce_max3A = arith.constant dense<0xFF800000> : vector<4096xf32>
    %reduce_max3A_6 = vector.multi_reduction <maximumf>, %dot_general3A_5, %reduce_max3A [1] : vector<4096x8xf32> to vector<4096xf32>
    %broadcast_in_dim3A = vector.shape_cast %reduce_max3A_6 : vector<4096xf32> to vector<4096x1xf32>
    %eq3A = vector.broadcast %broadcast_in_dim3A : vector<4096x1xf32> to vector<4096x8xf32>
    %eq3A_7 = arith.cmpf oeq, %dot_general3A_5, %eq3A : vector<4096x8xf32>
    %jit3A = arith.constant 8 : i32
    %broadcast_in_dim3A_8 = vector.broadcast %jit3A : i32 to vector<4096x8xi32>
    %select_n3A = arith.select %eq3A_7, %iota3A, %broadcast_in_dim3A_8 : vector<4096x8xi1>, vector<4096x8xi32>
    %reduce_min3A = arith.constant dense<2147483647> : vector<4096xi32>
    %reduce_min3A_9 = vector.multi_reduction <minsi>, %select_n3A, %reduce_min3A [1] : vector<4096x8xi32> to vector<4096xi32>
    %broadcast_in_dim3A_10 = vector.shape_cast %reduce_min3A_9 : vector<4096xi32> to vector<4096x1xi32>
    %eq3A_11 = vector.broadcast %broadcast_in_dim3A_10 : vector<4096x1xi32> to vector<4096x8xi32>
    %eq3A_12 = arith.cmpi eq, %iota3A, %eq3A_11 : vector<4096x8xi32>
    %jit3A_13 = arith.constant 0xFF800000 : f32
    %broadcast_in_dim3A_14 = vector.broadcast %jit3A_13 : f32 to vector<4096x8xf32>
    %select_n3A_15 = arith.select %eq3A_12, %broadcast_in_dim3A_14, %dot_general3A_5 : vector<4096x8xi1>, vector<4096x8xf32>
    %reduce_max3A_16 = arith.constant dense<0xFF800000> : vector<4096xf32>
    %reduce_max3A_17 = vector.multi_reduction <maximumf>, %select_n3A_15, %reduce_max3A_16 [1] : vector<4096x8xf32> to vector<4096xf32>
    %broadcast_in_dim3A_18 = vector.shape_cast %reduce_max3A_17 : vector<4096xf32> to vector<4096x1xf32>
    %eq3A_19 = vector.broadcast %broadcast_in_dim3A_18 : vector<4096x1xf32> to vector<4096x8xf32>
    %eq3A_20 = arith.cmpf oeq, %select_n3A_15, %eq3A_19 : vector<4096x8xf32>
    %jit3A_21 = arith.constant 8 : i32
    %broadcast_in_dim3A_22 = vector.broadcast %jit3A_21 : i32 to vector<4096x8xi32>
    %select_n3A_23 = arith.select %eq3A_20, %iota3A, %broadcast_in_dim3A_22 : vector<4096x8xi1>, vector<4096x8xi32>
    %reduce_min3A_24 = arith.constant dense<2147483647> : vector<4096xi32>
    %reduce_min3A_25 = vector.multi_reduction <minsi>, %select_n3A_23, %reduce_min3A_24 [1] : vector<4096x8xi32> to vector<4096xi32>
    %broadcast_in_dim3A_26 = vector.shape_cast %reduce_min3A_25 : vector<4096xi32> to vector<4096x1xi32>
    %sub3A = arith.subf %broadcast_in_dim3A_18, %broadcast_in_dim3A : vector<4096x1xf32>
    %exp3A = math.exp %sub3A : vector<4096x1xf32>
    %add3A = arith.constant 1.000000e+00 : f32
    %add3A_27 = vector.broadcast %add3A : f32 to vector<4096x1xf32>
    %add3A_28 = arith.addf %add3A_27, %exp3A : vector<4096x1xf32>
    %div3A = arith.constant 1.000000e+00 : f32
    %div3A_29 = vector.broadcast %div3A : f32 to vector<4096x1xf32>
    %div3A_30 = arith.divf %div3A_29, %add3A_28 : vector<4096x1xf32>
    %swap3A = arith.constant 0 : index
    %swap3A_31 = arith.constant 0 : index
    %swap3A_32 = vector.load %arg2[%swap3A, %swap3A_31] : memref<4096x1xi32, #tpu.memory_space<vmem>>, vector<4096x1xi32>
    tpu.vector_store %arg2[%swap3A, %swap3A_31], %broadcast_in_dim3A_10 {strides = array<i32>} : memref<4096x1xi32, #tpu.memory_space<vmem>>, vector<4096x1xi32>,
    %swap3A_33 = arith.constant 0 : index
    %swap3A_34 = arith.constant 0 : index
    %swap3A_35 = vector.load %arg3[%swap3A_33, %swap3A_34] : memref<4096x1xi32, #tpu.memory_space<vmem>>, vector<4096x1xi32>
    tpu.vector_store %arg3[%swap3A_33, %swap3A_34], %broadcast_in_dim3A_26 {strides = array<i32>} : memref<4096x1xi32, #tpu.memory_space<vmem>>, vector<4096x1xi32>,
    %swap3A_36 = arith.constant 0 : index
    %swap3A_37 = arith.constant 0 : index
    %swap3A_38 = vector.load %arg4[%swap3A_36, %swap3A_37] : memref<4096x1xf32, #tpu.memory_space<vmem>>, vector<4096x1xf32>
    tpu.vector_store %arg4[%swap3A_36, %swap3A_37], %div3A_30 {strides = array<i32>} : memref<4096x1xf32, #tpu.memory_space<vmem>>, vector<4096x1xf32>,
    %sub3A_39 = arith.constant 1.000000e+00 : f32
    %sub3A_40 = vector.broadcast %sub3A_39 : f32 to vector<4096x1xf32>
    %sub3A_41 = arith.subf %sub3A_40, %div3A_30 : vector<4096x1xf32>
    %swap3A_42 = arith.constant 0 : index
    %swap3A_43 = arith.constant 0 : index
    %swap3A_44 = vector.load %arg5[%swap3A_42, %swap3A_43] : memref<4096x1xf32, #tpu.memory_space<vmem>>, vector<4096x1xf32>
    tpu.vector_store %arg5[%swap3A_42, %swap3A_43], %sub3A_41 {strides = array<i32>} : memref<4096x1xf32, #tpu.memory_space<vmem>>, vector<4096x1xf32>,
    return
  }
}

module attributes {stable_mosaic.version = 14 : i64} {
  func.func @_gemm_body(%arg0: i32, %arg1: memref<48xi32, #tpu.memory_space<smem>>, %arg2: memref<256x1024xf32, #tpu.memory_space<vmem>>, %arg3: memref<1x1024x256xf32, #tpu.memory_space<vmem>>, %arg4: memref<1x1024x256xf32, #tpu.memory_space<vmem>>, %arg5: memref<1x256x1024xf32, #tpu.memory_space<vmem>>, %arg6: memref<256x1024xf32, #tpu.memory_space<vmem>>) attributes {dimension_semantics = [#tpu.dimension_semantics<arbitrary>], iteration_bounds = array<i64: 40>, scalar_prefetch = 1 : i64, scratch_operands = 0 : i64, tpu.core_type = #tpu.core_type<tc>, window_params = [{transform_indices = @transform_0, window_bounds = array<i64: 256, 1024>}, {transform_indices = @transform_1, window_bounds = array<i64: 1, 1024, 256>}, {transform_indices = @transform_2, window_bounds = array<i64: 1, 1024, 256>}, {transform_indices = @transform_3, window_bounds = array<i64: 1, 256, 1024>}, {transform_indices = @transform_4, window_bounds = array<i64: 256, 1024>}]} {
    %get3A = arith.constant 0 : index
    %get3A_0 = arith.constant 0 : index
    %get3A_1 = vector.load %arg2[%get3A, %get3A_0] : memref<256x1024xf32, #tpu.memory_space<vmem>>, vector<256x1024xf32>
    %get3A_2 = arith.constant 0 : index
    %get3A_3 = arith.constant 0 : index
    %get3A_4 = arith.constant 0 : index
    %get3A_5 = vector.load %arg3[%get3A_2, %get3A_3, %get3A_4] : memref<1x1024x256xf32, #tpu.memory_space<vmem>>, vector<1x1024x256xf32>
    %get3A_6 = vector.shape_cast %get3A_5 : vector<1x1024x256xf32> to vector<1024x256xf32>
    %dot_general3A = arith.constant dense<0.000000e+00> : vector<256x256xf32>
    %dot_general3A_7 = tpu.matmul %get3A_1, %get3A_6, %dot_general3A {dimension_numbers = #tpu.dot_dimension_numbers<[1], [0], [0], [1], [0, 0, 1, 1], [], []>, transpose_lhs_hint = false} : vector<256x1024xf32>, vector<1024x256xf32>, vector<256x256xf32> -> vector<256x256xf32>
    %get3A_8 = arith.constant 0 : index
    %get3A_9 = arith.constant 0 : index
    %get3A_10 = arith.constant 0 : index
    %get3A_11 = vector.load %arg4[%get3A_8, %get3A_9, %get3A_10] : memref<1x1024x256xf32, #tpu.memory_space<vmem>>, vector<1x1024x256xf32>
    %get3A_12 = vector.shape_cast %get3A_11 : vector<1x1024x256xf32> to vector<1024x256xf32>
    %dot_general3A_13 = arith.constant dense<0.000000e+00> : vector<256x256xf32>
    %dot_general3A_14 = tpu.matmul %get3A_1, %get3A_12, %dot_general3A_13 {dimension_numbers = #tpu.dot_dimension_numbers<[1], [0], [0], [1], [0, 0, 1, 1], [], []>, transpose_lhs_hint = false} : vector<256x1024xf32>, vector<1024x256xf32>, vector<256x256xf32> -> vector<256x256xf32>
    %logistic3A = arith.negf %dot_general3A_7 : vector<256x256xf32>
    %logistic3A_15 = math.exp %logistic3A : vector<256x256xf32>
    %logistic3A_16 = arith.constant 1.000000e+00 : f32
    %logistic3A_17 = vector.broadcast %logistic3A_16 : f32 to vector<256x256xf32>
    %logistic3A_18 = arith.addf %logistic3A_17, %logistic3A_15 : vector<256x256xf32>
    %logistic3A_19 = arith.divf %logistic3A_17, %logistic3A_18 : vector<256x256xf32>
    %mul3A = arith.mulf %dot_general3A_7, %logistic3A_19 : vector<256x256xf32>
    %mul3A_20 = arith.mulf %mul3A, %dot_general3A_14 : vector<256x256xf32>
    %get3A_21 = arith.constant 0 : index
    %get3A_22 = arith.constant 0 : index
    %get3A_23 = arith.constant 0 : index
    %get3A_24 = vector.load %arg5[%get3A_21, %get3A_22, %get3A_23] : memref<1x256x1024xf32, #tpu.memory_space<vmem>>, vector<1x256x1024xf32>
    %get3A_25 = vector.shape_cast %get3A_24 : vector<1x256x1024xf32> to vector<256x1024xf32>
    %dot_general3A_26 = arith.constant dense<0.000000e+00> : vector<256x1024xf32>
    %dot_general3A_27 = tpu.matmul %mul3A_20, %get3A_25, %dot_general3A_26 {dimension_numbers = #tpu.dot_dimension_numbers<[1], [0], [0], [1], [0, 0, 1, 1], [], []>, transpose_lhs_hint = false} : vector<256x256xf32>, vector<256x1024xf32>, vector<256x1024xf32> -> vector<256x1024xf32>
    %swap3A = arith.constant 0 : index
    %swap3A_28 = arith.constant 0 : index
    %swap3A_29 = vector.load %arg6[%swap3A, %swap3A_28] : memref<256x1024xf32, #tpu.memory_space<vmem>>, vector<256x1024xf32>
    tpu.vector_store %arg6[%swap3A, %swap3A_28], %dot_general3A_27 {strides = array<i32>} : memref<256x1024xf32, #tpu.memory_space<vmem>>, vector<256x1024xf32>,
    return
  }
  func.func @transform_0(%arg0: i32, %arg1: memref<48xi32, #tpu.memory_space<smem>>) -> (i32, i32) {
    %c0_i32 = arith.constant 0 : i32
    %c0_i32_0 = arith.constant 0 : i32
    return %arg0, %c0_i32 : i32, i32
  }
  func.func @transform_1(%arg0: i32, %arg1: memref<48xi32, #tpu.memory_space<smem>>) -> (i32, i32, i32) {
    %get3A = arith.index_cast %arg0 : i32 to index
    %get3A_0 = memref.load %arg1[%get3A] : memref<48xi32, #tpu.memory_space<smem>>
    %c0_i32 = arith.constant 0 : i32
    %c0_i32_1 = arith.constant 0 : i32
    %c0_i32_2 = arith.constant 0 : i32
    return %get3A_0, %c0_i32, %c0_i32_1 : i32, i32, i32
  }
  func.func @transform_2(%arg0: i32, %arg1: memref<48xi32, #tpu.memory_space<smem>>) -> (i32, i32, i32) {
    %get3A = arith.index_cast %arg0 : i32 to index
    %get3A_0 = memref.load %arg1[%get3A] : memref<48xi32, #tpu.memory_space<smem>>
    %c0_i32 = arith.constant 0 : i32
    %c0_i32_1 = arith.constant 0 : i32
    %c0_i32_2 = arith.constant 0 : i32
    return %get3A_0, %c0_i32, %c0_i32_1 : i32, i32, i32
  }
  func.func @transform_3(%arg0: i32, %arg1: memref<48xi32, #tpu.memory_space<smem>>) -> (i32, i32, i32) {
    %get3A = arith.index_cast %arg0 : i32 to index
    %get3A_0 = memref.load %arg1[%get3A] : memref<48xi32, #tpu.memory_space<smem>>
    %c0_i32 = arith.constant 0 : i32
    %c0_i32_1 = arith.constant 0 : i32
    %c0_i32_2 = arith.constant 0 : i32
    return %get3A_0, %c0_i32, %c0_i32_1 : i32, i32, i32
  }
  func.func @transform_4(%arg0: i32, %arg1: memref<48xi32, #tpu.memory_space<smem>>) -> (i32, i32) {
    %c0_i32 = arith.constant 0 : i32
    %c0_i32_0 = arith.constant 0 : i32
    return %arg0, %c0_i32 : i32, i32
  }
}

</mosaic_0001>

<sc_bundles>
// kernel: kernel.10.cloned.1.call-start
scs
__scs_entry_jumppad:
0x0: {  	(pc) =	sbr.rel $0x88, $3  }
0x1: {  	(tag) =	ssettag $0x0;
	lr =	simm.s32 $0x1  }
0x2: {  	[smem:$0x3F9C] =	sst lr;
	_ =	strace $0xD0000000  }
0x3: {  	_ = 	snop  }
0x4: {  	_ = 	snop  }
0x5: {  	_ = 	snop  }
0x6: {  	_ = 	snop  }
0x7: {  	_ = 	snop  }
__scs_overlays_trampoline_lowered:
0x8: {  	[smem:$0x3FAB] =	sst s0  }
0x9: {  	[smem:$0x3FAC] =	sst s1  }
0xa: {  	[smem:$0x3FAD] =	sst s2  }
0xb: {  	[smem:$0x3FAE] =	sst s3  }
0xc: {  	[smem:$0x3FAF] =	sst s4  }
0xd: {  	[smem:$0x3FB0] =	sst s5  }
0xe: {  	[smem:$0x3FB1] =	sst s6  }
0xf: {  	[smem:$0x3FB2] =	sst s7  }
0x10: {  	[smem:$0x3FB3] =	sst s8  }
0x11: {  	[smem:$0x3FB4] =	sst s9;
	s0 =	simm.s32 @!p0 $0x0  }
0x12: {  	s1 =	sld [smem:$0x3F9A];
	s0 =	simm.s32 @p0 $0x1  }
0x13: {  	[smem:$0x3FB5] =	sst s0;
	s0 =	simm.s32 @!p1 $0x0  }
0x14: {  	s2 =	sld [smem:$0x3F99];
	s0 =	simm.s32 @p1 $0x1  }
0x15: {  	[smem:$0x3FB6] =	sst s0;
	s0 =	simm.s32 @!p2 $0x0  }
0x16: {  	s3 =	sld [smem:$0x3FDB];
	s0 =	simm.s32 @p2 $0x1  }
0x17: {  	s4 =	simm.s32 $0x1BF5;
	[smem:$0x3FB8] =	sst s0  }
0x18: {  	s0 =	sld [smem:$0x3F9B];
	_ =	swait.ge [sflag:s4], $0x0  }
0x19: {  	s7 =	sld [smem:$0x3F9C]  }
0x1a: {  	s8 =	sadd.s32 $0xFFFFE003, lr  }
0x1b: {  	s9 =	sadd.s32 $0xFFFFFEF7, lr;
	s5 =	simm.s32 $0xFFFFFFFF;
	p2 =	slt.u32 s8, $0xFFFFF086  }
0x1c: {  	p1 =	slt.u32 s9, $0xF7A;
	s5 =	simm.s32 @!p2 $0x0  }
0x1d: {  	s5 =	simm.s32 @p1 $0x1;
	p0 =	seq.s32 s7, s2  }
0x1e: {  	s7 =	smul.u32 @!p0 $0xF7A, s2;
	p2 =	seq.s32 @!p0 s5, $0x0  }
0x1f: {  	s9 =	smul.u32 $0xF7A, s1;
	s8 =	simm.s32 @!p0 $0x1BF5;
	p2 =	por !p2, p0  }
0x20: {  	[sflag:s8] =	ssyncset.s32 @!p0 $0xFFFFF086;
	s6 =	sadd.s32 @!p0 s3, s7;
	s7 =	simm.s32 @!p0 $0x108  }
0x21: {  	s3 =	sadd.s32 s3, s9;
	s6 =	sadd.s32 @!p0 $0x88, s6;
	s7 =	simm.s32 @p2 $0x1082  }
0x22: {  	[simem:s7], [sflag:s8] =	dma.local @!p0 [hbm:s6], $0xF7A  }
0x23: {  	s9 =	sor.u32 $0xD0000000, s2;
	s6 =	simm.s32 $0x108;
	_ =	swait.ge @!p0 [sflag:s8], $0x0  }
0x24: {  	s3 =	sadd.s32 $0x88, s3;
	s6 =	simm.s32 @!p1 $0x1082;
	[sflag:s4] =	ssyncset.s32 $0xFFFFF086  }
0x25: {  	[simem:s6], [sflag:s4] =	dma.local [hbm:s3], $0xF7A  }
0x26: {  	[smem:$0x3F9C] =	sst s1;
	(tag) =	ssettag s2;
	_ =	strace s9  }
0x27: {  	s1 =	sld [smem:$0x3FAC]  }
0x28: {  	s2 =	sld [smem:$0x3FAD]  }
0x29: {  	s4 =	sld [smem:$0x3FAF]  }
0x2a: {  	p0 =	seq.s32 s5, $0x0;
	s5 =	sld [smem:$0x3FB0]  }
0x2b: {  	s6 =	sld [smem:$0x3FB1]  }
0x2c: {  	s7 =	sld [smem:$0x3FB2]  }
0x2d: {  	s3 =	simm.s32 $0x108;
	s8 =	sld [smem:$0x3FB3]  }
0x2e: {  	s3 =	simm.s32 @!p0 $0x1082;
	s9 =	sld [smem:$0x3FB4]  }
0x2f: {  	lr =	sadd.s32 s0, s3;
	s0 =	sld [smem:$0x3FAB]  }
0x30: {  	s3 =	sld [smem:$0x3FAE]  }
0x31: {  	[smem:$0x3FB7] =	sst s10  }
0x32: {  	s10 =	sld [smem:$0x3FB5];
	_ =	sdelay $0x3  }
0x33: {  	p0 =	seq.s32 s10, $0x1;
	s10 =	sld [smem:$0x3FB7];
	_ =	sdelay $0x3  }
0x34: {  	[smem:$0x3FB7] =	sst s10  }
0x35: {  	s10 =	sld [smem:$0x3FB6];
	_ =	sdelay $0x3  }
0x36: {  	p1 =	seq.s32 s10, $0x1;
	s10 =	sld [smem:$0x3FB7];
	_ =	sdelay $0x3  }
0x37: {  	[smem:$0x3FB7] =	sst s10  }
0x38: {  	s10 =	sld [smem:$0x3FB8]  }
0x39: {  	_ = 	snop;
	(pc) =	sbr.ind lr, $3  }
0x3a: {  	_ = 	snop  }
0x3b: {  	_ = 	snop  }
0x3c: {  	p2 =	seq.s32 s10, $0x1;
	s10 =	sld [smem:$0x3FB7]  }
0x3d: {  	_ =	shalt  }
0x3e: {  	_ =	shalt  }
0x3f: {  	_ =	shalt  }
0x40: {  	_ =	shalt  }
0x41: {  	_ =	shalt  }
0x42: {  	_ =	shalt  }
0x43: {  	_ =	shalt  }
0x44: {  	_ =	shalt  }
0x45: {  	_ =	shalt  }
0x46: {  	_ =	shalt  }
0x47: {  	_ =	shalt  }
0x48: {  	_ =	shalt  }
0x49: {  	_ =	shalt  }
0x4a: {  	_ =	shalt  }
0x4b: {  	_ =	shalt  }
0x4c: {  	_ =	shalt  }
0x4d: {  	_ =	shalt  }
0x4e: {  	_ =	shalt  }
0x4f: {  	_ =	shalt  }
0x50: {  	_ =	shalt  }
0x51: {  	_ =	shalt  }
0x52: {  	_ =	shalt  }
0x53: {  	_ =	shalt  }
0x54: {  	_ =	shalt  }
0x55: {  	_ =	shalt  }
0x56: {  	_ =	shalt  }
0x57: {  	_ =	shalt  }
0x58: {  	_ =	shalt  }
0x59: {  	_ =	shalt  }
0x5a: {  	_ =	shalt  }
0x5b: {  	_ =	shalt  }
0x5c: {  	_ =	shalt  }
0x5d: {  	_ =	shalt  }
0x5e: {  	_ =	shalt  }
0x5f: {  	_ =	shalt  }
0x60: {  	_ =	shalt  }
0x61: {  	_ =	shalt  }
0x62: {  	_ =	shalt  }
0x63: {  	_ =	shalt  }
0x64: {  	_ =	shalt  }
0x65: {  	_ =	shalt  }
0x66: {  	_ =	shalt  }
0x67: {  	_ =	shalt  }
0x68: {  	_ =	shalt  }
0x69: {  	_ =	shalt  }
0x6a: {  	_ =	shalt  }
0x6b: {  	_ =	shalt  }
0x6c: {  	_ =	shalt  }
0x6d: {  	_ =	shalt  }
0x6e: {  	_ =	shalt  }
0x6f: {  	_ =	shalt  }
0x70: {  	_ =	shalt  }
0x71: {  	_ =	shalt  }
0x72: {  	_ =	shalt  }
0x73: {  	_ =	shalt  }
0x74: {  	_ =	shalt  }
0x75: {  	_ =	shalt  }
0x76: {  	_ =	shalt  }
0x77: {  	_ =	shalt  }
0x78: {  	_ =	shalt  }
0x79: {  	_ =	shalt  }
0x7a: {  	_ =	shalt  }
0x7b: {  	_ =	shalt  }
0x7c: {  	_ =	shalt  }
0x7d: {  	_ =	shalt  }
0x7e: {  	_ =	shalt  }
0x7f: {  	_ =	shalt  }
0x80: {  	_ =	shalt  }
0x81: {  	_ =	shalt  }
0x82: {  	_ =	shalt  }
0x83: {  	_ =	shalt  }
0x84: {  	_ =	shalt  }
0x85: {  	_ =	shalt  }
0x86: {  	_ =	shalt  }
0x87: {  	_ =	shalt  }
.Lfunc_end0:
.L_simem_size_0:
called_computation.1_lowered:
.L_overlay_start_0:
0x88: {  	s2 =	sld [smem:$0x3FD9]  }
0x89: {  	s3 =	sld [smem:$0x3FFE];
	_ =	sdelay $0x1  }
0x8a: {  	s1 =	srdreg.scid  }
0x8b: {  	s0 =	sand.u32 $0x1, s1  }
0x8c: {  	s17 =	sshll.u32 s0, $0xA;
	s2 =	sadd.s32 s3, s2  }
0x8d: {  	s2 =	sadd.s32 s2, s17  }
0x8e: {  	[smem:$0x3FC3] =	sst s2  }
0x8f: {  	_ = 	snop  }
0x90: {  	s2 =	sld [smem:$0x3FC9]  }
0x91: {  	s18 =	sld [smem:$0x3FD0];
	(tm) =	ssettm $0x1  }
0x92: {  	s4 =	sld [smem:$0x3FFB];
	_ =	sdelay $0x3  }
0x93: {  	_ =	strace s4  }
0x94: {  	s4 =	sld [smem:$0x3FFC];
	_ =	sdelay $0x3  }
0x95: {  	_ =	strace s4  }
0x96: {  	s4 =	sld [smem:$0x3FFD];
	_ =	sdelay $0x3  }
0x97: {  	_ =	strace s4  }
0x98: {  	_ =	strace $0x8FFFFFFF  }
0x99: {  	s19 =	sld [smem:$0x3FDB];
	_ =	sdelay $0x1  }
0x9a: {  	s5 =	simm.s32 $_scs_section_size  }
0x9b: {  	s6 =	simm.s32 $_size__tile_overlayer_lowered;
	s7 =	simm.s32 $_tile_overlayer_lowered  }
0x9c: {  	s22 =	simm.s32 $0x1BFF;
	s21 =	sshll.u32 s7, $0x1;
	s4 =	sadd.s32 s5, s19  }
0x9d: {  	s8 =	simm.s32 $0x0;
	s20 =	sshll.u32 s6, $0x1;
	s6 =	sadd.s32 s21, s4  }
0x9e: {  	[timem:s8], [sflag:s22] =	dma.local [hbm:s6], s20  }
0x9f: {  	_ =	swait.ge [sflag:s22], s20  }
0xa0: {  	s5 =	ssub.s32 $0x0, s20;
	[sflag:s22] =	ssyncset.done $0x0  }
0xa1: {  	[sflag:s22] =	ssyncadd.s32 s5;
	_ =	sdelay $0x1  }
0xa2: {  	s23 =	simm.s32 $0x1B8B  }
0xa3: {  	_ =	swait.ge [sflag:s23], $0x1  }
0xa4: {  	[sflag:s23] =	ssyncset.done $0x0  }
0xa5: {  	s25 =	simm.s32 $0x1B8E;
	s24 =	sld [smem:$0x3FFE];
	[sflag:s23] =	ssyncadd.s32 $0xFFFFFFFF  }
0xa6: {  	s26 =	simm.s32 $execute0_lowered;
	[smem:$0x3FD2] =	sst s25  }
0xa7: {  	s6 =	sshll.u32 s26, $0x1;
	_ =	strace $0x80000049;
	[dreg:$0x1] =	wrdreg $0xFFFFFFFF  }
0xa8: {  	s28 =	simm.s32 $_size_execute0_lowered;
	s4 =	sadd.s32 s4, s6;
	[dreg:$0x0] =	wrdreg $0x0  }
0xa9: {  	s6 =	sshll.u32 s28, $0x1;
	[dreg:$0x2] =	wrdreg s4  }
0xaa: {  	[dreg:$0x3] =	wrdreg s6  }
0xab: {  	[dreg:$0x4] =	wrdreg $0xC0  }
0xac: {  	_ =	task [dreg:s8], $0x5FFFF  }
0xad: {  	[dreg:$0x1] =	wrdreg $0xFFFFFFFF  }
0xae: {  	[dreg:$0x0] =	wrdreg $0x60  }
0xaf: {  	[dreg:$0x2] =	wrdreg s18  }
0xb0: {  	[dreg:$0x3] =	wrdreg s2  }
0xb1: {  	[dreg:$0x4] =	wrdreg s24  }
0xb2: {  	[dreg:$0x5] =	wrdreg $0x9  }
0xb3: {  	_ =	task.clear_ibuf [dreg:s8], $0x6FFFF;
	_ =	strace $0x90000049  }
0xb4: {  	s29 =	simm.s32 $0x9;
	_ =	strace $0x8000004B  }
0xb5: {  	_ =	swait.ge [sflag:s29], $0x1  }
0xb6: {  	[sflag:s29] =	ssyncadd.s32 $0xFFFFFFFF  }
0xb7: {  	_ =	strace $0x9000004B  }
0xb8: {  	_ =	sfence  }
0xb9: {  	s30 =	sld [smem:$0x0];
	_ =	sdelay $0x2  }
0xba: {  	s31 =	sshll.u32 s1, $0xD;
	s1 =	sshrl.u32 s1, $0x2  }
0xbb: {  	s3 =	sand.u32 $0x4000, s31;
	s1 =	sadd.s32 s1, s30  }
0xbc: {  	s0 =	sor.u32 s3, s0;
	s1 =	sshll.u32 s1, $0x11  }
0xbd: {  	s0 =	sor.u32 s1, s0  }
0xbe: {  	s0 =	sadd.s32 $0x8F2B, s0  }
0xbf: {  	[sflag:s0] =	ssyncadd.remote.s32 $0x1  }
0xc0: {  	_ =	sfence.sel $0xFFFF  }
0xc1: {  	[dreg:$0x0] =	wrdreg $0xFFFFFFFF;
	(pc) =	sbr.abs _section_cstart, $3  }
0xc2: {  	[dreg:$0x1] =	wrdreg $0xFFFFFFFF  }
0xc3: {  	_ =	task.clear_ibuf [dreg:s8], $0x2FFFF;
	_ =	strace $0x9FFFFFFF  }
0xc4: {  	(tm) =	ssettm $0x7FFFFFFF  }
0xc5: {  	_ =	shalt  }
tec
execute0_lowered:
.L_overlay_start_1:
0x0: {  	(tag) =	ssettag $0x1  }
0x1: {  	s4 =	rddreg [dreg:$0x0]  }
0x2: {  	s2 =	rddreg [dreg:$0x1]  }
0x3: {  	s0 =	stileid.u32;
	s7 =	rddreg [dreg:$0x2];
	s3 =	simm.s32 $0x0  }
0x4: {  	s1 =	srdreg.scid;
	s17 =	simm.s32 $0x980;
	[smem:$0x7FF] =	sst s3  }
0x5: {  	s19 =	simm.s32 $0x1180;
	_ =	strace $0x8000004A;
	[dreg:$0x5] =	wrdreg s17  }
0x6: {  	s20 =	simm.s32 $0x1980;
	s21 =	simm.s32 $0x2180;
	[dreg:$0x6] =	wrdreg s19  }
0x7: {  	s22 =	simm.s32 $0x2980;
	s23 =	simm.s32 $0x3180;
	[dreg:$0x7] =	wrdreg s20  }
0x8: {  	s24 =	simm.s32 $0x3980;
	s25 =	simm.s32 $0x4980;
	[dreg:$0x8] =	wrdreg s21  }
0x9: {  	s26 =	simm.s32 $0x5180;
	s30 =	simm.s32 $0x5980;
	[dreg:$0x9] =	wrdreg s22  }
0xa: {  	s31 =	simm.s32 $0x6180;
	s10 =	simm.s32 $0x6980;
	[dreg:$0xa] =	wrdreg s23  }
0xb: {  	s11 =	simm.s32 $0x7180;
	s12 =	simm.s32 $0x7980;
	[dreg:$0xb] =	wrdreg s24  }
0xc: {  	s13 =	simm.s32 $0x8980;
	s14 =	simm.s32 $0x9980;
	[dreg:$0xc] =	wrdreg s25  }
0xd: {  	s15 =	simm.s32 $0xA180;
	s28 =	simm.s32 $0x1;
	[dreg:$0xd] =	wrdreg s26  }
0xe: {  	s29 =	simm.s32 $0x0;
	s5 =	smul.u32 $0x14000, s0;
	[dreg:$0xe] =	wrdreg s30  }
0xf: {  	s6 =	sand.u32 $0x1, s1;
	s9 =	sshll.u32 s0, $0x1;
	[dreg:$0xf] =	wrdreg s31  }
0x10: {  	s8 =	smul.u32 $0xA000, s6;
	s16 =	ssub.s32 $0x2, s6;
	[dreg:$0x10] =	wrdreg s10  }
0x11: {  	s6 =	sor.u32 s6, s9;
	s9 =	simm.s32 $0x2;
	[dreg:$0x11] =	wrdreg s11  }
0x12: {  	s10 =	simm.s32 $0x180;
	s11 =	simm.s32 $0x4180;
	[dreg:$0x12] =	wrdreg s12  }
0x13: {  	s12 =	simm.s32 $0x8180;
	[dreg:$0x13] =	wrdreg s13;
	s13 =	simm.s32 $0x9180  }
0x14: {  	s17 =	simm.s32 $0xB180;
	s19 =	simm.s32 $0xC180;
	s20 =	simm.s32 $0xC980  }
0x15: {  	s21 =	simm.s32 $0xD180;
	s22 =	simm.s32 $0xD980;
	s23 =	simm.s32 $0xE180  }
0x16: {  	s24 =	simm.s32 $0xE980;
	s25 =	simm.s32 $0xF180;
	s26 =	simm.s32 $0xF980  }
0x17: {  	s5 =	sadd.s32 s5, s7;
	s18 =	sshrl.u32 s16, $0x1;
	s6 =	smul.u32 $0x140, s6  }
0x18: {  	s7 =	sadd.s32 $0x300, s2;
	s5 =	sadd.s32 s8, s5;
	s8 =	ssub.s32 s16, s18  }
0x19: {  	v2 =	vlaneseq.u32;
	s16 =	simm.s32 $0xA980;
	s18 =	simm.s32 $0xB980;
	s5 =	sadd.s32 $0x1800, s5  }
0x1a: {  	vm0 =	vmmov $0xffff;
	v1 =	vshrl.u32 v2, $0x3;
	s6 =	sshrl.u32 s6, $0x3;
	s8 =	smax.u32 s8, $0x1;
	[dreg:$0x4] =	wrdreg s5  }
0x1b: {  	v0 =	vand.u32 $0x7, v2;
	v2 =	vor.u32 $0x8, v2;
	v1 =	vmul.u32 $0x8, v1;
	s4 =	sadd.s32 s4, s6;
	s5 =	sadd.s32 $0x100, s2;
	s6 =	sadd.s32 $0x200, s2  }
.LBB2_1:
0x1c: {  	[tilespmem:s3], [sflag:$0x2] =	stream.linear.gather [hbm4b:s4+s3], $0x140, $0x38;
	[tilespmem:$0x10180] =	vst v63  }
0x1d: {  	_ =	swait.ge [sflag:s9], $0x140  }
0x1e: {  	[sflag:s9] =	ssyncset.done $0x0  }
0x1f: {  	s30 =	simm.s32 $0x20;
	s31 =	simm.s32 $0x0;
	[sflag:s9] =	ssyncadd.s32 $0xFFFFFEC0  }
.LBB2_2:
0x20: {  	v3 =	vld [tilespmem:s30+$0xFFFFFFE0];
	_ =	sdelay $0x4  }
0x21: {  	v4 =	vshll.u32 v3, $0x3  }
0x22: {  	v3 =	vand.u32 $0x7, v3;
	v4 =	vand.u32 $0xFFFFFFC0, v4  }
0x23: {  	v3 =	vor.u32 v3, v4  }
0x24: {  	v4 =	vperm.xlane v3, v0;
	_ =	sdelay $0x1  }
0x25: {  	v4 =	vadd.s32 v1, v4;
	_ =	sdelay $0x4  }
0x26: {  	[tilespmem:s10], [sflag:$0x1] =	stream.indirect_vreg.gather [hbm4b:s2+s3], $0x80, v4, vm0, $0xb8;
	[tilespmem:$0x10180] =	vst v63  }
0x27: {  	s1 =	rddreg [dreg:$0x5];
	v3 =	vperm.xlane v3, v2  }
0x28: {  	[tilespmem:s1], [sflag:$0x1] =	stream.indirect_vreg.gather [hbm4b:s5+s3], $0x80, v4, vm0, $0xb8;
	[tilespmem:$0x10180] =	vst v63  }
0x29: {  	s0 =	rddreg [dreg:$0x6];
	v3 =	vadd.s32 v1, v3  }
0x2a: {  	[tilespmem:s0], [sflag:$0x1] =	stream.indirect_vreg.gather [hbm4b:s6+s3], $0x80, v4, vm0, $0xb8;
	[tilespmem:$0x10180] =	vst v63  }
0x2b: {  	s1 =	rddreg [dreg:$0x7]  }
0x2c: {  	[tilespmem:s1], [sflag:$0x1] =	stream.indirect_vreg.gather [hbm4b:s7+s3], $0x80, v4, vm0, $0xb8;
	[tilespmem:$0x10180] =	vst v63  }
0x2d: {  	s0 =	rddreg [dreg:$0x8]  }
0x2e: {  	[tilespmem:s0], [sflag:$0x1] =	stream.indirect_vreg.gather [hbm4b:s2+s3], $0x80, v3, vm0, $0xb8;
	[tilespmem:$0x10180] =	vst v63  }
0x2f: {  	s1 =	rddreg [dreg:$0x9]  }
0x30: {  	[tilespmem:s1], [sflag:$0x1] =	stream.indirect_vreg.gather [hbm4b:s5+s3], $0x80, v3, vm0, $0xb8;
	[tilespmem:$0x10180] =	vst v63  }
0x31: {  	s0 =	rddreg [dreg:$0xa]  }
0x32: {  	[tilespmem:s0], [sflag:$0x1] =	stream.indirect_vreg.gather [hbm4b:s6+s3], $0x80, v3, vm0, $0xb8;
	[tilespmem:$0x10180] =	vst v63  }
0x33: {  	s1 =	rddreg [dreg:$0xb]  }
0x34: {  	[tilespmem:s1], [sflag:$0x1] =	stream.indirect_vreg.gather [hbm4b:s7+s3], $0x80, v3, vm0, $0xb8;
	[tilespmem:$0x10180] =	vst v63  }
0x35: {  	v3 =	vld [tilespmem:s30+$0xFFFFFFF0];
	_ =	sdelay $0x4  }
0x36: {  	v61 =	vshll.u32 v3, $0x3  }
0x37: {  	v3 =	vand.u32 $0x7, v3;
	v4 =	vand.u32 $0xFFFFFFC0, v61  }
0x38: {  	v3 =	vor.u32 v3, v4  }
0x39: {  	v4 =	vperm.xlane v3, v0;
	_ =	sdelay $0x1  }
0x3a: {  	v4 =	vadd.s32 v1, v4;
	_ =	sdelay $0x4  }
0x3b: {  	[tilespmem:s11], [sflag:$0x1] =	stream.indirect_vreg.gather [hbm4b:s2+s3], $0x80, v4, vm0, $0xb8;
	[tilespmem:$0x10180] =	vst v63  }
0x3c: {  	s0 =	rddreg [dreg:$0xc];
	v3 =	vperm.xlane v3, v2  }
0x3d: {  	[tilespmem:s0], [sflag:$0x1] =	stream.indirect_vreg.gather [hbm4b:s5+s3], $0x80, v4, vm0, $0xb8;
	[tilespmem:$0x10180] =	vst v63  }
0x3e: {  	s1 =	rddreg [dreg:$0xd];
	v3 =	vadd.s32 v1, v3  }
0x3f: {  	[tilespmem:s1], [sflag:$0x1] =	stream.indirect_vreg.gather [hbm4b:s6+s3], $0x80, v4, vm0, $0xb8;
	[tilespmem:$0x10180] =	vst v63  }
0x40: {  	s0 =	rddreg [dreg:$0xe]  }
0x41: {  	[tilespmem:s0], [sflag:$0x1] =	stream.indirect_vreg.gather [hbm4b:s7+s3], $0x80, v4, vm0, $0xb8;
	[tilespmem:$0x10180] =	vst v63  }
0x42: {  	s1 =	rddreg [dreg:$0xf]  }
0x43: {  	[tilespmem:s1], [sflag:$0x1] =	stream.indirect_vreg.gather [hbm4b:s2+s3], $0x80, v3, vm0, $0xb8;
	[tilespmem:$0x10180] =	vst v63  }
0x44: {  	s0 =	rddreg [dreg:$0x10]  }
0x45: {  	[tilespmem:s0], [sflag:$0x1] =	stream.indirect_vreg.gather [hbm4b:s5+s3], $0x80, v3, vm0, $0xb8;
	[tilespmem:$0x10180] =	vst v63  }
0x46: {  	s1 =	rddreg [dreg:$0x11]  }
0x47: {  	[tilespmem:s1], [sflag:$0x1] =	stream.indirect_vreg.gather [hbm4b:s6+s3], $0x80, v3, vm0, $0xb8;
	[tilespmem:$0x10180] =	vst v63  }
0x48: {  	s0 =	rddreg [dreg:$0x12]  }
0x49: {  	[tilespmem:s0], [sflag:$0x1] =	stream.indirect_vreg.gather [hbm4b:s7+s3], $0x80, v3, vm0, $0xb8;
	[tilespmem:$0x10180] =	vst v63  }
0x4a: {  	v3 =	vld [tilespmem:s30+$0x0];
	_ =	sdelay $0x4  }
0x4b: {  	v62 =	vshll.u32 v3, $0x3  }
0x4c: {  	v3 =	vand.u32 $0x7, v3;
	v4 =	vand.u32 $0xFFFFFFC0, v62  }
0x4d: {  	v3 =	vor.u32 v3, v4  }
0x4e: {  	v4 =	vperm.xlane v3, v0;
	_ =	sdelay $0x1  }
0x4f: {  	v4 =	vadd.s32 v1, v4;
	_ =	sdelay $0x4  }
0x50: {  	[tilespmem:s12], [sflag:$0x1] =	stream.indirect_vreg.gather [hbm4b:s2+s3], $0x80, v4, vm0, $0xb8;
	[tilespmem:$0x10180] =	vst v63  }
0x51: {  	s1 =	rddreg [dreg:$0x13];
	v3 =	vperm.xlane v3, v2  }
0x52: {  	[tilespmem:s1], [sflag:$0x1] =	stream.indirect_vreg.gather [hbm4b:s5+s3], $0x80, v4, vm0, $0xb8;
	[tilespmem:$0x10180] =	vst v63  }
0x53: {  	v3 =	vadd.s32 v1, v3  }
0x54: {  	[tilespmem:s13], [sflag:$0x1] =	stream.indirect_vreg.gather [hbm4b:s6+s3], $0x80, v4, vm0, $0xb8;
	[tilespmem:$0x10180] =	vst v63  }
0x55: {  	_ = 	snop  }
0x56: {  	[tilespmem:s14], [sflag:$0x1] =	stream.indirect_vreg.gather [hbm4b:s7+s3], $0x80, v4, vm0, $0xb8;
	[tilespmem:$0x10180] =	vst v63  }
0x57: {  	_ = 	snop  }
0x58: {  	[tilespmem:s15], [sflag:$0x1] =	stream.indirect_vreg.gather [hbm4b:s2+s3], $0x80, v3, vm0, $0xb8;
	[tilespmem:$0x10180] =	vst v63  }
0x59: {  	_ = 	snop  }
0x5a: {  	[tilespmem:s16], [sflag:$0x1] =	stream.indirect_vreg.gather [hbm4b:s5+s3], $0x80, v3, vm0, $0xb8;
	[tilespmem:$0x10180] =	vst v63  }
0x5b: {  	_ = 	snop  }
0x5c: {  	[tilespmem:s17], [sflag:$0x1] =	stream.indirect_vreg.gather [hbm4b:s6+s3], $0x80, v3, vm0, $0xb8;
	[tilespmem:$0x10180] =	vst v63  }
0x5d: {  	_ = 	snop  }
0x5e: {  	[tilespmem:s18], [sflag:$0x1] =	stream.indirect_vreg.gather [hbm4b:s7+s3], $0x80, v3, vm0, $0xb8;
	[tilespmem:$0x10180] =	vst v63  }
0x5f: {  	v3 =	vld [tilespmem:s30+$0x10];
	_ =	sdelay $0x4  }
0x60: {  	v63 =	vshll.u32 v3, $0x3  }
0x61: {  	v3 =	vand.u32 $0x7, v3;
	v4 =	vand.u32 $0xFFFFFFC0, v63  }
0x62: {  	v3 =	vor.u32 v3, v4  }
0x63: {  	v4 =	vperm.xlane v3, v0;
	_ =	sdelay $0x1  }
0x64: {  	v4 =	vadd.s32 v1, v4;
	_ =	sdelay $0x4  }
0x65: {  	[tilespmem:s19], [sflag:$0x1] =	stream.indirect_vreg.gather [hbm4b:s2+s3], $0x80, v4, vm0, $0xb8;
	[tilespmem:$0x10180] =	vst v63  }
0x66: {  	v3 =	vperm.xlane v3, v2  }
0x67: {  	[tilespmem:s20], [sflag:$0x1] =	stream.indirect_vreg.gather [hbm4b:s5+s3], $0x80, v4, vm0, $0xb8;
	[tilespmem:$0x10180] =	vst v63  }
0x68: {  	v3 =	vadd.s32 v1, v3  }
0x69: {  	[tilespmem:s21], [sflag:$0x1] =	stream.indirect_vreg.gather [hbm4b:s6+s3], $0x80, v4, vm0, $0xb8;
	[tilespmem:$0x10180] =	vst v63  }
0x6a: {  	_ = 	snop  }
0x6b: {  	[tilespmem:s22], [sflag:$0x1] =	stream.indirect_vreg.gather [hbm4b:s7+s3], $0x80, v4, vm0, $0xb8;
	[tilespmem:$0x10180] =	vst v63  }
0x6c: {  	_ = 	snop  }
0x6d: {  	[tilespmem:s23], [sflag:$0x1] =	stream.indirect_vreg.gather [hbm4b:s2+s3], $0x80, v3, vm0, $0xb8;
	[tilespmem:$0x10180] =	vst v63  }
0x6e: {  	_ = 	snop  }
0x6f: {  	[tilespmem:s24], [sflag:$0x1] =	stream.indirect_vreg.gather [hbm4b:s5+s3], $0x80, v3, vm0, $0xb8;
	[tilespmem:$0x10180] =	vst v63  }
0x70: {  	_ = 	snop  }
0x71: {  	[tilespmem:s25], [sflag:$0x1] =	stream.indirect_vreg.gather [hbm4b:s6+s3], $0x80, v3, vm0, $0xb8;
	[tilespmem:$0x10180] =	vst v63  }
0x72: {  	_ = 	snop  }
0x73: {  	[tilespmem:s26], [sflag:$0x1] =	stream.indirect_vreg.gather [hbm4b:s7+s3], $0x80, v3, vm0, $0xb8;
	[tilespmem:$0x10180] =	vst v63  }
0x74: {  	_ =	swait.ge [sflag:s28], $0x4000  }
0x75: {  	s1 =	rddreg [dreg:$0x4];
	[sflag:s28] =	ssyncset.done $0x0  }
0x76: {  	[sflag:s28] =	ssyncadd.s32 $0xFFFFC000;
	s0 =	sadd.s32 s31, s1  }
0x77: {  	[hbm4b:s0+s3] =	stream.linear.scatter [tilespmem:s10], [sflag:$0x2], $0x4000, $0x38;
	[tilespmem:$0x10180] =	vst v63  }
0x78: {  	_ =	swait.ge [sflag:s9], $0x4000  }
0x79: {  	[sflag:s9] =	ssyncset.done $0x0  }
0x7a: {  	[sflag:s9] =	ssyncadd.s32 $0xFFFFC000  }
0x7b: {  	_ =	swait.ge [sflag:s28], $0x4000  }
0x7c: {  	[sflag:s28] =	ssyncset.done $0x0  }
0x7d: {  	s1 =	sadd.s32 $0x800, s0;
	[sflag:s28] =	ssyncadd.s32 $0xFFFFC000  }
0x7e: {  	[hbm4b:s1+s3] =	stream.linear.scatter [tilespmem:s11], [sflag:$0x2], $0x4000, $0x38;
	[tilespmem:$0x10180] =	vst v63  }
0x7f: {  	_ =	swait.ge [sflag:s9], $0x4000  }
0x80: {  	[sflag:s9] =	ssyncset.done $0x0  }
0x81: {  	[sflag:s9] =	ssyncadd.s32 $0xFFFFC000  }
0x82: {  	_ =	swait.ge [sflag:s28], $0x4000  }
0x83: {  	[sflag:s28] =	ssyncset.done $0x0  }
0x84: {  	s1 =	sadd.s32 $0x1000, s0;
	[sflag:s28] =	ssyncadd.s32 $0xFFFFC000  }
0x85: {  	[hbm4b:s1+s3] =	stream.linear.scatter [tilespmem:s12], [sflag:$0x2], $0x4000, $0x38;
	[tilespmem:$0x10180] =	vst v63  }
0x86: {  	_ =	swait.ge [sflag:s9], $0x4000  }
0x87: {  	[sflag:s9] =	ssyncset.done $0x0  }
0x88: {  	[sflag:s9] =	ssyncadd.s32 $0xFFFFC000  }
0x89: {  	_ =	swait.ge [sflag:s28], $0x4000  }
0x8a: {  	p0 =	sne.s32 s31, $0x8000;
	[sflag:s28] =	ssyncset.done $0x0  }
.Ltmp0:
0x8b: {  	s0 =	sadd.s32 $0x1800, s0;
	[sflag:s28] =	ssyncadd.s32 $0xFFFFC000;
	(pc) =	sbr.rel @p0 .LBB2_2-.Ltmp0, $4  }
0x8c: {  	[hbm4b:s0+s3] =	stream.linear.scatter [tilespmem:s19], [sflag:$0x2], $0x4000, $0x38;
	[tilespmem:$0x10180] =	vst v63  }
0x8d: {  	_ =	swait.ge [sflag:s9], $0x4000  }
0x8e: {  	[sflag:s9] =	ssyncset.done $0x0  }
0x8f: {  	s30 =	sadd.s32 $0x40, s30;
	s31 =	sadd.s32 $0x2000, s31;
	[sflag:s9] =	ssyncadd.s32 $0xFFFFC000  }
0x90: {  	s29 =	sadd.s32 $0x1, s29  }
0x91: {  	p0 =	sne.s32 s29, s8  }
.Ltmp1:
0x92: {  	_ = 	snop;
	(pc) =	sbr.rel @p0 .LBB2_1-.Ltmp1, $1  }
0x93: {  	_ =	sdelay $0x3  }
0x94: {  	_ =	sfence.sel $0x180000  }
0x95: {  	[bflag:$0x0] =	sbarrier.arrive $0xFFFF  }
0x96: {  	_ =	strace $0x9000004A  }
0x97: {  	s0 =	stileid.u32;
	[bflag:$0x2] =	sbarrier.arrive $0xFFFF  }
0x98: {  	p0 =	sne.s32 s0, $0x0;
	s0 =	rddreg [dreg:$0x3]  }
0x99: {  	s0 =	sadd.s32 @!p0 $0x100000, s0  }
0x9a: {  	[sflag:s0] =	ssyncadd.tile.s32 @!p0 $0x1;
	_ =	shalt  }
.Lfunc_end2:
_tile_overlayer_lowered:
.L_overlay_start_2:
0x9b: {  	(tag) =	ssettag $0x2  }
0x9c: {  	s0 =	rddreg [dreg:$0x0];
	s2 =	stileid.u32  }
0x9d: {  	s1 =	rddreg [dreg:$0x1];
	p0 =	sne.s32 s2, $0x0  }
0x9e: {  	s3 =	rddreg [dreg:$0x2];
	[bflag:$0x3] =	sbarrier.arrive $0xFFFF;
	s2 =	simm.s32 @!p0 $0x1C02  }
0x9f: {  	[timem:s3], [sflag:s2] =	dma.local @!p0 [hbm:s0], s1  }
0xa0: {  	s0 =	simm.s32 @!p0 $0x2  }
0xa1: {  	_ =	swait.ge @!p0 [sflag:s0], s1  }
0xa2: {  	s1 =	ssub.s32 @!p0 $0x0, s1;
	[sflag:s0] =	ssyncset.done @!p0 $0x0  }
0xa3: {  	[sflag:s0] =	ssyncadd.s32 @!p0 s1  }
0xa4: {  	[bflag:$0x3] =	sbarrier.arrive $0xFFFF  }
0xa5: {  	_ =	shalt  }

// kernel: kernel.13.cloned.1.call-start
scs
__scs_entry_jumppad:
0x0: {  	(pc) =	sbr.rel $0x88, $3  }
0x1: {  	(tag) =	ssettag $0x0;
	lr =	simm.s32 $0x1  }
0x2: {  	[smem:$0x3F9C] =	sst lr;
	_ =	strace $0xD0000000  }
0x3: {  	_ = 	snop  }
0x4: {  	_ = 	snop  }
0x5: {  	_ = 	snop  }
0x6: {  	_ = 	snop  }
0x7: {  	_ = 	snop  }
__scs_overlays_trampoline_lowered:
0x8: {  	[smem:$0x3FAB] =	sst s0  }
0x9: {  	[smem:$0x3FAC] =	sst s1  }
0xa: {  	[smem:$0x3FAD] =	sst s2  }
0xb: {  	[smem:$0x3FAE] =	sst s3  }
0xc: {  	[smem:$0x3FAF] =	sst s4  }
0xd: {  	[smem:$0x3FB0] =	sst s5  }
0xe: {  	[smem:$0x3FB1] =	sst s6  }
0xf: {  	[smem:$0x3FB2] =	sst s7  }
0x10: {  	[smem:$0x3FB3] =	sst s8  }
0x11: {  	[smem:$0x3FB4] =	sst s9;
	s0 =	simm.s32 @!p0 $0x0  }
0x12: {  	s1 =	sld [smem:$0x3F9A];
	s0 =	simm.s32 @p0 $0x1  }
0x13: {  	[smem:$0x3FB5] =	sst s0;
	s0 =	simm.s32 @!p1 $0x0  }
0x14: {  	s2 =	sld [smem:$0x3F99];
	s0 =	simm.s32 @p1 $0x1  }
0x15: {  	[smem:$0x3FB6] =	sst s0;
	s0 =	simm.s32 @!p2 $0x0  }
0x16: {  	s3 =	sld [smem:$0x3FDB];
	s0 =	simm.s32 @p2 $0x1  }
0x17: {  	s4 =	simm.s32 $0x1BF5;
	[smem:$0x3FB8] =	sst s0  }
0x18: {  	s0 =	sld [smem:$0x3F9B];
	_ =	swait.ge [sflag:s4], $0x0  }
0x19: {  	s7 =	sld [smem:$0x3F9C]  }
0x1a: {  	s8 =	sadd.s32 $0xFFFFE003, lr  }
0x1b: {  	s9 =	sadd.s32 $0xFFFFFEF7, lr;
	s5 =	simm.s32 $0xFFFFFFFF;
	p2 =	slt.u32 s8, $0xFFFFF086  }
0x1c: {  	p1 =	slt.u32 s9, $0xF7A;
	s5 =	simm.s32 @!p2 $0x0  }
0x1d: {  	s5 =	simm.s32 @p1 $0x1;
	p0 =	seq.s32 s7, s2  }
0x1e: {  	s7 =	smul.u32 @!p0 $0xF7A, s2;
	p2 =	seq.s32 @!p0 s5, $0x0  }
0x1f: {  	s9 =	smul.u32 $0xF7A, s1;
	s8 =	simm.s32 @!p0 $0x1BF5;
	p2 =	por !p2, p0  }
0x20: {  	[sflag:s8] =	ssyncset.s32 @!p0 $0xFFFFF086;
	s6 =	sadd.s32 @!p0 s3, s7;
	s7 =	simm.s32 @!p0 $0x108  }
0x21: {  	s3 =	sadd.s32 s3, s9;
	s6 =	sadd.s32 @!p0 $0x88, s6;
	s7 =	simm.s32 @p2 $0x1082  }
0x22: {  	[simem:s7], [sflag:s8] =	dma.local @!p0 [hbm:s6], $0xF7A  }
0x23: {  	s9 =	sor.u32 $0xD0000000, s2;
	s6 =	simm.s32 $0x108;
	_ =	swait.ge @!p0 [sflag:s8], $0x0  }
0x24: {  	s3 =	sadd.s32 $0x88, s3;
	s6 =	simm.s32 @!p1 $0x1082;
	[sflag:s4] =	ssyncset.s32 $0xFFFFF086  }
0x25: {  	[simem:s6], [sflag:s4] =	dma.local [hbm:s3], $0xF7A  }
0x26: {  	[smem:$0x3F9C] =	sst s1;
	(tag) =	ssettag s2;
	_ =	strace s9  }
0x27: {  	s1 =	sld [smem:$0x3FAC]  }
0x28: {  	s2 =	sld [smem:$0x3FAD]  }
0x29: {  	s4 =	sld [smem:$0x3FAF]  }
0x2a: {  	p0 =	seq.s32 s5, $0x0;
	s5 =	sld [smem:$0x3FB0]  }
0x2b: {  	s6 =	sld [smem:$0x3FB1]  }
0x2c: {  	s7 =	sld [smem:$0x3FB2]  }
0x2d: {  	s3 =	simm.s32 $0x108;
	s8 =	sld [smem:$0x3FB3]  }
0x2e: {  	s3 =	simm.s32 @!p0 $0x1082;
	s9 =	sld [smem:$0x3FB4]  }
0x2f: {  	lr =	sadd.s32 s0, s3;
	s0 =	sld [smem:$0x3FAB]  }
0x30: {  	s3 =	sld [smem:$0x3FAE]  }
0x31: {  	[smem:$0x3FB7] =	sst s10  }
0x32: {  	s10 =	sld [smem:$0x3FB5];
	_ =	sdelay $0x3  }
0x33: {  	p0 =	seq.s32 s10, $0x1;
	s10 =	sld [smem:$0x3FB7];
	_ =	sdelay $0x3  }
0x34: {  	[smem:$0x3FB7] =	sst s10  }
0x35: {  	s10 =	sld [smem:$0x3FB6];
	_ =	sdelay $0x3  }
0x36: {  	p1 =	seq.s32 s10, $0x1;
	s10 =	sld [smem:$0x3FB7];
	_ =	sdelay $0x3  }
0x37: {  	[smem:$0x3FB7] =	sst s10  }
0x38: {  	s10 =	sld [smem:$0x3FB8]  }
0x39: {  	_ = 	snop;
	(pc) =	sbr.ind lr, $3  }
0x3a: {  	_ = 	snop  }
0x3b: {  	_ = 	snop  }
0x3c: {  	p2 =	seq.s32 s10, $0x1;
	s10 =	sld [smem:$0x3FB7]  }
0x3d: {  	_ =	shalt  }
0x3e: {  	_ =	shalt  }
0x3f: {  	_ =	shalt  }
0x40: {  	_ =	shalt  }
0x41: {  	_ =	shalt  }
0x42: {  	_ =	shalt  }
0x43: {  	_ =	shalt  }
0x44: {  	_ =	shalt  }
0x45: {  	_ =	shalt  }
0x46: {  	_ =	shalt  }
0x47: {  	_ =	shalt  }
0x48: {  	_ =	shalt  }
0x49: {  	_ =	shalt  }
0x4a: {  	_ =	shalt  }
0x4b: {  	_ =	shalt  }
0x4c: {  	_ =	shalt  }
0x4d: {  	_ =	shalt  }
0x4e: {  	_ =	shalt  }
0x4f: {  	_ =	shalt  }
0x50: {  	_ =	shalt  }
0x51: {  	_ =	shalt  }
0x52: {  	_ =	shalt  }
0x53: {  	_ =	shalt  }
0x54: {  	_ =	shalt  }
0x55: {  	_ =	shalt  }
0x56: {  	_ =	shalt  }
0x57: {  	_ =	shalt  }
0x58: {  	_ =	shalt  }
0x59: {  	_ =	shalt  }
0x5a: {  	_ =	shalt  }
0x5b: {  	_ =	shalt  }
0x5c: {  	_ =	shalt  }
0x5d: {  	_ =	shalt  }
0x5e: {  	_ =	shalt  }
0x5f: {  	_ =	shalt  }
0x60: {  	_ =	shalt  }
0x61: {  	_ =	shalt  }
0x62: {  	_ =	shalt  }
0x63: {  	_ =	shalt  }
0x64: {  	_ =	shalt  }
0x65: {  	_ =	shalt  }
0x66: {  	_ =	shalt  }
0x67: {  	_ =	shalt  }
0x68: {  	_ =	shalt  }
0x69: {  	_ =	shalt  }
0x6a: {  	_ =	shalt  }
0x6b: {  	_ =	shalt  }
0x6c: {  	_ =	shalt  }
0x6d: {  	_ =	shalt  }
0x6e: {  	_ =	shalt  }
0x6f: {  	_ =	shalt  }
0x70: {  	_ =	shalt  }
0x71: {  	_ =	shalt  }
0x72: {  	_ =	shalt  }
0x73: {  	_ =	shalt  }
0x74: {  	_ =	shalt  }
0x75: {  	_ =	shalt  }
0x76: {  	_ =	shalt  }
0x77: {  	_ =	shalt  }
0x78: {  	_ =	shalt  }
0x79: {  	_ =	shalt  }
0x7a: {  	_ =	shalt  }
0x7b: {  	_ =	shalt  }
0x7c: {  	_ =	shalt  }
0x7d: {  	_ =	shalt  }
0x7e: {  	_ =	shalt  }
0x7f: {  	_ =	shalt  }
0x80: {  	_ =	shalt  }
0x81: {  	_ =	shalt  }
0x82: {  	_ =	shalt  }
0x83: {  	_ =	shalt  }
0x84: {  	_ =	shalt  }
0x85: {  	_ =	shalt  }
0x86: {  	_ =	shalt  }
0x87: {  	_ =	shalt  }
.Lfunc_end0:
.L_simem_size_0:
called_computation.2_lowered:
.L_overlay_start_0:
0x88: {  	s2 =	sld [smem:$0x3FD9]  }
0x89: {  	s3 =	sld [smem:$0x3FFE];
	_ =	sdelay $0x1  }
0x8a: {  	s1 =	srdreg.scid  }
0x8b: {  	s0 =	sand.u32 $0x1, s1  }
0x8c: {  	s17 =	sshll.u32 s0, $0xA;
	s2 =	sadd.s32 s3, s2  }
0x8d: {  	s2 =	sadd.s32 s2, s17  }
0x8e: {  	[smem:$0x3FC3] =	sst s2  }
0x8f: {  	_ = 	snop  }
0x90: {  	s2 =	sld [smem:$0x3FD0];
	(tm) =	ssettm $0x1  }
0x91: {  	s18 =	sld [smem:$0x3FFB];
	_ =	sdelay $0x3  }
0x92: {  	_ =	strace s18  }
0x93: {  	s3 =	sld [smem:$0x3FFC];
	_ =	sdelay $0x3  }
0x94: {  	_ =	strace s3  }
0x95: {  	s3 =	sld [smem:$0x3FFD];
	_ =	sdelay $0x3  }
0x96: {  	_ =	strace s3  }
0x97: {  	_ =	strace $0x8FFFFFFF  }
0x98: {  	s19 =	sld [smem:$0x3FDB];
	_ =	sdelay $0x1  }
0x99: {  	s4 =	simm.s32 $_scs_section_size  }
0x9a: {  	s5 =	simm.s32 $_size__tile_overlayer_lowered;
	s6 =	simm.s32 $_tile_overlayer_lowered  }
0x9b: {  	s22 =	simm.s32 $0x1BFF;
	s21 =	sshll.u32 s6, $0x1;
	s3 =	sadd.s32 s4, s19  }
0x9c: {  	s7 =	simm.s32 $0x0;
	s20 =	sshll.u32 s5, $0x1;
	s5 =	sadd.s32 s21, s3  }
0x9d: {  	[timem:s7], [sflag:s22] =	dma.local [hbm:s5], s20  }
0x9e: {  	_ =	swait.ge [sflag:s22], s20  }
0x9f: {  	s4 =	ssub.s32 $0x0, s20;
	[sflag:s22] =	ssyncset.done $0x0  }
0xa0: {  	[sflag:s22] =	ssyncadd.s32 s4;
	_ =	sdelay $0x1  }
0xa1: {  	s23 =	simm.s32 $0x1B8B  }
0xa2: {  	_ =	swait.ge [sflag:s23], $0x1  }
0xa3: {  	[sflag:s23] =	ssyncset.done $0x0  }
0xa4: {  	s25 =	simm.s32 $0x1B8E;
	s24 =	sld [smem:$0x3FFE];
	[sflag:s23] =	ssyncadd.s32 $0xFFFFFFFF  }
0xa5: {  	s26 =	simm.s32 $execute0_lowered;
	[smem:$0x3FD2] =	sst s25  }
0xa6: {  	s5 =	sshll.u32 s26, $0x1;
	_ =	strace $0x8000004C;
	[dreg:$0x1] =	wrdreg $0xFFFFFFFF  }
0xa7: {  	s28 =	simm.s32 $_size_execute0_lowered;
	s3 =	sadd.s32 s3, s5;
	[dreg:$0x0] =	wrdreg $0x0  }
0xa8: {  	s5 =	sshll.u32 s28, $0x1;
	[dreg:$0x2] =	wrdreg s3  }
0xa9: {  	[dreg:$0x3] =	wrdreg s5  }
0xaa: {  	[dreg:$0x4] =	wrdreg $0xC0  }
0xab: {  	_ =	task [dreg:s7], $0x5FFFF  }
0xac: {  	[dreg:$0x1] =	wrdreg $0xFFFFFFFF  }
0xad: {  	[dreg:$0x0] =	wrdreg $0x60  }
0xae: {  	[dreg:$0x2] =	wrdreg s24  }
0xaf: {  	[dreg:$0x3] =	wrdreg s2  }
0xb0: {  	[dreg:$0x4] =	wrdreg $0x9  }
0xb1: {  	_ =	task.clear_ibuf [dreg:s7], $0x5FFFF;
	_ =	strace $0x9000004C  }
0xb2: {  	s29 =	simm.s32 $0x9;
	_ =	strace $0x8000004E  }
0xb3: {  	_ =	swait.ge [sflag:s29], $0x1  }
0xb4: {  	[sflag:s29] =	ssyncadd.s32 $0xFFFFFFFF  }
0xb5: {  	_ =	strace $0x9000004E  }
0xb6: {  	_ =	sfence  }
0xb7: {  	s30 =	sld [smem:$0x0];
	_ =	sdelay $0x2  }
0xb8: {  	s31 =	sshll.u32 s1, $0xD;
	s1 =	sshrl.u32 s1, $0x2  }
0xb9: {  	s3 =	sand.u32 $0x4000, s31;
	s1 =	sadd.s32 s1, s30  }
0xba: {  	s0 =	sor.u32 s3, s0;
	s1 =	sshll.u32 s1, $0x11  }
0xbb: {  	s0 =	sor.u32 s1, s0  }
0xbc: {  	s0 =	sadd.s32 $0x8F2B, s0  }
0xbd: {  	[sflag:s0] =	ssyncadd.remote.s32 $0x1  }
0xbe: {  	_ =	sfence.sel $0xFFFF  }
0xbf: {  	[dreg:$0x0] =	wrdreg $0xFFFFFFFF;
	(pc) =	sbr.abs _section_cstart, $3  }
0xc0: {  	[dreg:$0x1] =	wrdreg $0xFFFFFFFF  }
0xc1: {  	_ =	task.clear_ibuf [dreg:s7], $0x2FFFF;
	_ =	strace $0x9FFFFFFF  }
0xc2: {  	(tm) =	ssettm $0x7FFFFFFF  }
0xc3: {  	_ =	shalt  }
tec
execute0_lowered:
.L_overlay_start_1:
0x0: {  	(tag) =	ssettag $0x1  }
0x1: {  	s0 =	rddreg [dreg:$0x0]  }
0x2: {  	s1 =	srdreg.scid;
	s3 =	simm.s32 $0x0;
	s2 =	stileid.u32  }
0x3: {  	s14 =	simm.s32 $0x3;
	s21 =	simm.s32 $0x1B00;
	s22 =	simm.s32 $0x2300  }
0x4: {  	s28 =	simm.s32 $0x4B00;
	s29 =	simm.s32 $0x5300;
	s30 =	simm.s32 $0x5B00  }
0x5: {  	s31 =	simm.s32 $0x6300;
	s15 =	simm.s32 $0x7B00;
	s16 =	simm.s32 $0x1  }
0x6: {  	s17 =	simm.s32 $0x2;
	s1 =	sand.u32 $0x1, s1;
	[smem:$0x7FF] =	sst s3  }
0x7: {  	s6 =	sadd.s32 $0x1400, s0;
	s23 =	sadd.s32 $0xE00, s0;
	s5 =	sadd.s32 $0x141800, s0  }
0x8: {  	s2 =	sshll.u32 s2, $0x8;
	s10 =	sadd.s32 $0x141900, s0;
	s11 =	sadd.s32 $0x141A00, s0  }
0x9: {  	s12 =	sadd.s32 $0x141B00, s0;
	s4 =	sshll.u32 s1, $0x7;
	s1 =	ssub.s32 $0x2, s1  }
0xa: {  	s0 =	simm.s32 $0x6B00;
	s4 =	sor.u32 s4, s2;
	s8 =	sshrl.u32 s1, $0x1  }
0xb: {  	_ =	strace $0x8000004D;
	s7 =	sshrl.u32 s4, $0x3;
	s1 =	ssub.s32 s1, s8  }
0xc: {  	s9 =	sor.u32 $0x200, s7;
	s24 =	sadd.s32 s6, s7;
	s25 =	sadd.s32 s23, s7  }
0xd: {  	s26 =	smax.u32 s1, $0x1;
	s1 =	simm.s32 $0x7300;
	[dreg:$0x3] =	wrdreg s24  }
0xe: {  	s7 =	simm.s32 $0x0;
	s6 =	sadd.s32 s6, s9;
	[dreg:$0x5] =	wrdreg s25  }
0xf: {  	v2 =	vlaneseq.u32;
	s2 =	sadd.s32 s23, s9;
	[dreg:$0x7] =	wrdreg s26;
	s23 =	simm.s32 $0x2B00  }
0x10: {  	vm0 =	vmmov $0xffff;
	v1 =	vshrl.u32 v2, $0x3;
	s24 =	simm.s32 $0x3300;
	s25 =	simm.s32 $0x3B00;
	[dreg:$0x4] =	wrdreg s6  }
0x11: {  	v0 =	vand.u32 $0x7, v2;
	v2 =	vor.u32 $0x8, v2;
	v1 =	vmul.u32 $0x8, v1;
	s26 =	simm.s32 $0x4300;
	[dreg:$0x6] =	wrdreg s2;
	s6 =	simm.s32 $0x8300  }
.LBB2_1:
0x12: {  	[dreg:$0x8] =	wrdreg s7  }
0x13: {  	s2 =	rddreg [dreg:$0x3]  }
0x14: {  	[tilespmem:s3], [sflag:$0x3] =	stream.linear.gather [hbm4b:s2+s3], $0x80, $0x38;
	[tilespmem:$0xC300] =	vst v63  }
0x15: {  	_ =	swait.ge [sflag:s14], $0x80  }
0x16: {  	[sflag:s14] =	ssyncset.done $0x0  }
0x17: {  	s9 =	simm.s32 $0x80;
	s8 =	rddreg [dreg:$0x4];
	[sflag:s14] =	ssyncadd.s32 $0xFFFFFF80  }
0x18: {  	[tilespmem:s9], [sflag:$0x3] =	stream.linear.gather [hbm4b:s8+s3], $0x80, $0x38;
	[tilespmem:$0xC300] =	vst v63  }
0x19: {  	_ =	swait.ge [sflag:s14], $0x80  }
0x1a: {  	[sflag:s14] =	ssyncset.done $0x0  }
0x1b: {  	s18 =	simm.s32 $0x100;
	s13 =	rddreg [dreg:$0x5];
	[sflag:s14] =	ssyncadd.s32 $0xFFFFFF80  }
0x1c: {  	[tilespmem:s18], [sflag:$0x3] =	stream.linear.gather [hbm4b:s13+s3], $0x80, $0x38;
	[tilespmem:$0xC300] =	vst v63  }
0x1d: {  	_ =	swait.ge [sflag:s14], $0x80  }
0x1e: {  	[sflag:s14] =	ssyncset.done $0x0  }
0x1f: {  	s20 =	simm.s32 $0x200;
	s19 =	rddreg [dreg:$0x6];
	[sflag:s14] =	ssyncadd.s32 $0xFFFFFF80  }
0x20: {  	[tilespmem:s20], [sflag:$0x3] =	stream.linear.gather [hbm4b:s19+s3], $0x80, $0x38;
	[tilespmem:$0xC300] =	vst v63  }
0x21: {  	_ =	swait.ge [sflag:s14], $0x80  }
0x22: {  	[sflag:s14] =	ssyncset.done $0x0  }
0x23: {  	s8 =	simm.s32 $0x0;
	[sflag:s14] =	ssyncadd.s32 $0xFFFFFF80  }
.LBB2_2:
0x24: {  	s9 =	sshll.u32 s8, $0x4  }
0x25: {  	v3 =	vld [tilespmem:s9+$0x0];
	_ =	sdelay $0x4  }
0x26: {  	v4 =	vshll.u32 v3, $0x3  }
0x27: {  	v3 =	vand.u32 $0x7, v3;
	v4 =	vand.u32 $0xFFFFFFC0, v4  }
0x28: {  	v3 =	vor.u32 v3, v4  }
0x29: {  	v4 =	vperm.xlane v3, v0;
	_ =	sdelay $0x1  }
0x2a: {  	v4 =	vadd.s32 v1, v4;
	_ =	sdelay $0x3  }
0x2b: {  	s2 =	simm.s32 $0x0;
	s7 =	simm.s32 $0x300  }
0x2c: {  	v5 =	vld [tilespmem:s9+$0x80];
	[tilespmem:s7], [sflag:$0x1] =	stream.indirect_vreg.gather [hbm4b:s5+s2], $0x80, v4, vm0, $0xb8  }
0x2d: {  	s20 =	simm.s32 $0xB00;
	v3 =	vperm.xlane v3, v2  }
0x2e: {  	[tilespmem:s20], [sflag:$0x1] =	stream.indirect_vreg.gather [hbm4b:s10+s2], $0x80, v4, vm0, $0xb8;
	[tilespmem:$0xC300] =	vst v63  }
0x2f: {  	s13 =	simm.s32 $0x1300;
	v3 =	vadd.s32 v1, v3  }
0x30: {  	[tilespmem:s13], [sflag:$0x1] =	stream.indirect_vreg.gather [hbm4b:s11+s2], $0x80, v4, vm0, $0xb8;
	[tilespmem:$0xC300] =	vst v63  }
0x31: {  	_ = 	snop  }
0x32: {  	[tilespmem:s21], [sflag:$0x1] =	stream.indirect_vreg.gather [hbm4b:s12+s2], $0x80, v4, vm0, $0xb8;
	v4 =	vshll.u32 v5, $0x3;
	[tilespmem:$0xC300] =	vst v63  }
0x33: {  	v5 =	vand.u32 $0x7, v5;
	v4 =	vand.u32 $0xFFFFFFC0, v4  }
0x34: {  	[tilespmem:s22], [sflag:$0x1] =	stream.indirect_vreg.gather [hbm4b:s5+s2], $0x80, v3, vm0, $0xb8;
	v4 =	vor.u32 v5, v4;
	[tilespmem:$0xC300] =	vst v63  }
0x35: {  	v5 =	vperm.xlane v4, v0  }
0x36: {  	[tilespmem:s23], [sflag:$0x1] =	stream.indirect_vreg.gather [hbm4b:s10+s2], $0x80, v3, vm0, $0xb8;
	[tilespmem:$0xC300] =	vst v63  }
0x37: {  	v5 =	vadd.s32 v1, v5  }
0x38: {  	[tilespmem:s24], [sflag:$0x1] =	stream.indirect_vreg.gather [hbm4b:s11+s2], $0x80, v3, vm0, $0xb8;
	[tilespmem:$0xC300] =	vst v63  }
0x39: {  	_ = 	snop  }
0x3a: {  	[tilespmem:s25], [sflag:$0x1] =	stream.indirect_vreg.gather [hbm4b:s12+s2], $0x80, v3, vm0, $0xb8;
	[tilespmem:$0xC300] =	vst v63  }
0x3b: {  	_ = 	snop  }
0x3c: {  	[tilespmem:s26], [sflag:$0x2] =	stream.indirect_vreg.gather [hbm4b:s5+s2], $0x80, v5, vm0, $0xb8;
	[tilespmem:$0xC300] =	vst v63  }
0x3d: {  	v3 =	vperm.xlane v4, v2  }
0x3e: {  	[tilespmem:s28], [sflag:$0x2] =	stream.indirect_vreg.gather [hbm4b:s10+s2], $0x80, v5, vm0, $0xb8;
	[tilespmem:$0xC300] =	vst v63  }
0x3f: {  	v3 =	vadd.s32 v1, v3  }
0x40: {  	[tilespmem:s29], [sflag:$0x2] =	stream.indirect_vreg.gather [hbm4b:s11+s2], $0x80, v5, vm0, $0xb8;
	[tilespmem:$0xC300] =	vst v63  }
0x41: {  	_ = 	snop  }
0x42: {  	[tilespmem:s30], [sflag:$0x2] =	stream.indirect_vreg.gather [hbm4b:s12+s2], $0x80, v5, vm0, $0xb8;
	[tilespmem:$0xC300] =	vst v63  }
0x43: {  	_ = 	snop  }
0x44: {  	[tilespmem:s31], [sflag:$0x2] =	stream.indirect_vreg.gather [hbm4b:s5+s2], $0x80, v3, vm0, $0xb8;
	[tilespmem:$0xC300] =	vst v63  }
0x45: {  	_ = 	snop  }
0x46: {  	[tilespmem:s0], [sflag:$0x2] =	stream.indirect_vreg.gather [hbm4b:s10+s2], $0x80, v3, vm0, $0xb8;
	[tilespmem:$0xC300] =	vst v63  }
0x47: {  	_ = 	snop  }
0x48: {  	[tilespmem:s1], [sflag:$0x2] =	stream.indirect_vreg.gather [hbm4b:s11+s2], $0x80, v3, vm0, $0xb8;
	[tilespmem:$0xC300] =	vst v63  }
0x49: {  	_ = 	snop  }
0x4a: {  	[tilespmem:s15], [sflag:$0x2] =	stream.indirect_vreg.gather [hbm4b:s12+s2], $0x80, v3, vm0, $0xb8;
	[tilespmem:$0xC300] =	vst v63  }
0x4b: {  	_ =	swait.ge [sflag:s16], $0x4000  }
0x4c: {  	[sflag:s16] =	ssyncset.done $0x0  }
0x4d: {  	[sflag:s16] =	ssyncadd.s32 $0xFFFFC000  }
0x4e: {  	_ =	swait.ge [sflag:s17], $0x4000  }
0x4f: {  	[sflag:s17] =	ssyncset.done $0x0  }
0x50: {  	[sflag:s17] =	ssyncadd.s32 $0xFFFFC000  }
0x51: {  	s18 =	sand.u32 $0x70, s2;
	s2 =	sand.u32 $0x1C00, s2;
	v3 =	vld.msk [tilespmem:s9+$0x100 ss:$0x0], $0xffff  }
0x52: {  	s13 =	sor.u32 s18, s2;
	v4 =	vld.msk [tilespmem:s9+$0x200 ss:$0x0], $0xffff  }
0x53: {  	v5 =	vld [tilespmem:s13+$0x300]  }
0x54: {  	v6 =	vld [tilespmem:s13+$0x4300];
	_ =	sdelay $0x1  }
0x55: {  	s19 =	simm.s32 $0x10;
	s20 =	simm.s32 $0x80  }
0x56: {  	s7 =	sand.u32 $0x1C00, s20;
	s2 =	sand.u32 $0x70, s19  }
0x57: {  	s7 =	sor.u32 s2, s7  }
0x58: {  	v7 =	vmul.f32 v5, v3;
	v8 =	vmul.f32 v6, v4;
	v5 =	vld [tilespmem:s7+$0x300]  }
0x59: {  	v6 =	vld [tilespmem:s7+$0x4300]  }
0x5a: {  	s18 =	simm.s32 $0x100;
	s2 =	simm.s32 $0x20;
	v7 =	vadd.f32 v8, v7  }
.LBB2_3:
0x5b: {  	s19 =	sand.u32 $0x70, s2  }
0x5c: {  	s20 =	sand.u32 $0x1C00, s18;
	[tilespmem:s13+$0x8300] =	vst v7;
	s13 =	smov.u32 s7;
	p0 =	sne.s32 s2, $0x3F0  }
.Ltmp0:
0x5d: {  	s2 =	sadd.s32 $0x10, s2;
	s7 =	sor.u32 s19, s20;
	(pc) =	sbr.rel @p0 .LBB2_3-.Ltmp0, $4  }
0x5e: {  	v7 =	vmul.f32 v5, v3;
	v5 =	vld [tilespmem:s7+$0x300];
	v8 =	vmul.f32 v6, v4  }
0x5f: {  	v6 =	vld [tilespmem:s7+$0x4300]  }
0x60: {  	v7 =	vadd.f32 v8, v7  }
0x61: {  	s18 =	sadd.s32 $0x80, s18  }
0x62: {  	_ =	sdelay $0x1  }
0x63: {  	v3 =	vmul.f32 v5, v3;
	v4 =	vmul.f32 v6, v4;
	_ =	sdelay $0x1  }
0x64: {  	v3 =	vadd.f32 v4, v3  }
0x65: {  	[tilespmem:s13+$0x8300] =	vst v7  }
0x66: {  	s2 =	simm.s32 $0x0;
	[tilespmem:s7+$0x8300] =	vst v3  }
0x67: {  	s18 =	sand.u32 $0x70, s2;
	s2 =	sand.u32 $0x1C00, s2;
	v3 =	vld.msk [tilespmem:s9+$0x101 ss:$0x0], $0xffff  }
0x68: {  	s13 =	sor.u32 s2, s18;
	v4 =	vld.msk [tilespmem:s9+$0x201 ss:$0x0], $0xffff  }
0x69: {  	v5 =	vld [tilespmem:s13+$0x380]  }
0x6a: {  	v6 =	vld [tilespmem:s13+$0x4380];
	_ =	sdelay $0x1  }
0x6b: {  	s19 =	simm.s32 $0x10;
	s20 =	simm.s32 $0x80  }
0x6c: {  	s2 =	sand.u32 $0x70, s19;
	s7 =	sand.u32 $0x1C00, s20  }
0x6d: {  	s7 =	sor.u32 s7, s2  }
0x6e: {  	v7 =	vmul.f32 v5, v3;
	v8 =	vmul.f32 v6, v4;
	v5 =	vld [tilespmem:s7+$0x380]  }
0x6f: {  	v6 =	vld [tilespmem:s7+$0x4380]  }
0x70: {  	s18 =	simm.s32 $0x100;
	s2 =	simm.s32 $0x20;
	v7 =	vadd.f32 v8, v7  }
.LBB2_5:
0x71: {  	s19 =	sand.u32 $0x70, s2  }
0x72: {  	s20 =	sand.u32 $0x1C00, s18;
	[tilespmem:s13+$0x8380] =	vst v7;
	s13 =	smov.u32 s7;
	p0 =	sne.s32 s2, $0x3F0  }
.Ltmp1:
0x73: {  	s2 =	sadd.s32 $0x10, s2;
	s7 =	sor.u32 s20, s19;
	(pc) =	sbr.rel @p0 .LBB2_5-.Ltmp1, $4  }
0x74: {  	v7 =	vmul.f32 v5, v3;
	v5 =	vld [tilespmem:s7+$0x380];
	v8 =	vmul.f32 v6, v4  }
0x75: {  	v6 =	vld [tilespmem:s7+$0x4380]  }
0x76: {  	v7 =	vadd.f32 v8, v7  }
0x77: {  	s18 =	sadd.s32 $0x80, s18  }
0x78: {  	_ =	sdelay $0x1  }
0x79: {  	v3 =	vmul.f32 v5, v3;
	v4 =	vmul.f32 v6, v4;
	_ =	sdelay $0x1  }
0x7a: {  	v3 =	vadd.f32 v4, v3  }
0x7b: {  	[tilespmem:s13+$0x8380] =	vst v7  }
0x7c: {  	s2 =	simm.s32 $0x0;
	[tilespmem:s7+$0x8380] =	vst v3  }
0x7d: {  	s18 =	sand.u32 $0x70, s2;
	s2 =	sand.u32 $0x1C00, s2;
	v3 =	vld.msk [tilespmem:s9+$0x102 ss:$0x0], $0xffff  }
0x7e: {  	s13 =	sor.u32 s2, s18;
	v4 =	vld.msk [tilespmem:s9+$0x202 ss:$0x0], $0xffff  }
0x7f: {  	v5 =	vld [tilespmem:s13+$0x400]  }
0x80: {  	v6 =	vld [tilespmem:s13+$0x4400];
	_ =	sdelay $0x1  }
0x81: {  	s19 =	simm.s32 $0x10;
	s20 =	simm.s32 $0x80  }
0x82: {  	s2 =	sand.u32 $0x70, s19;
	s7 =	sand.u32 $0x1C00, s20  }
0x83: {  	s7 =	sor.u32 s7, s2  }
0x84: {  	v7 =	vmul.f32 v5, v3;
	v8 =	vmul.f32 v6, v4;
	v5 =	vld [tilespmem:s7+$0x400]  }
0x85: {  	v6 =	vld [tilespmem:s7+$0x4400]  }
0x86: {  	s18 =	simm.s32 $0x100;
	s2 =	simm.s32 $0x20;
	v7 =	vadd.f32 v8, v7  }
.LBB2_7:
0x87: {  	s19 =	sand.u32 $0x70, s2  }
0x88: {  	s20 =	sand.u32 $0x1C00, s18;
	[tilespmem:s13+$0x8400] =	vst v7;
	s13 =	smov.u32 s7;
	p0 =	sne.s32 s2, $0x3F0  }
.Ltmp2:
0x89: {  	s2 =	sadd.s32 $0x10, s2;
	s7 =	sor.u32 s20, s19;
	(pc) =	sbr.rel @p0 .LBB2_7-.Ltmp2, $4  }
0x8a: {  	v7 =	vmul.f32 v5, v3;
	v5 =	vld [tilespmem:s7+$0x400];
	v8 =	vmul.f32 v6, v4  }
0x8b: {  	v6 =	vld [tilespmem:s7+$0x4400]  }
0x8c: {  	v7 =	vadd.f32 v8, v7  }
0x8d: {  	s18 =	sadd.s32 $0x80, s18  }
0x8e: {  	_ =	sdelay $0x1  }
0x8f: {  	v3 =	vmul.f32 v5, v3;
	v4 =	vmul.f32 v6, v4;
	_ =	sdelay $0x1  }
0x90: {  	v3 =	vadd.f32 v4, v3  }
0x91: {  	[tilespmem:s13+$0x8400] =	vst v7  }
0x92: {  	s2 =	simm.s32 $0x0;
	[tilespmem:s7+$0x8400] =	vst v3  }
0x93: {  	s18 =	sand.u32 $0x70, s2;
	s2 =	sand.u32 $0x1C00, s2;
	v3 =	vld.msk [tilespmem:s9+$0x103 ss:$0x0], $0xffff  }
0x94: {  	s13 =	sor.u32 s2, s18;
	v4 =	vld.msk [tilespmem:s9+$0x203 ss:$0x0], $0xffff  }
0x95: {  	v5 =	vld [tilespmem:s13+$0x480]  }
0x96: {  	v6 =	vld [tilespmem:s13+$0x4480];
	_ =	sdelay $0x1  }
0x97: {  	s19 =	simm.s32 $0x10;
	s20 =	simm.s32 $0x80  }
0x98: {  	s2 =	sand.u32 $0x70, s19;
	s7 =	sand.u32 $0x1C00, s20  }
0x99: {  	s7 =	sor.u32 s7, s2  }
0x9a: {  	v7 =	vmul.f32 v5, v3;
	v8 =	vmul.f32 v6, v4;
	v5 =	vld [tilespmem:s7+$0x480]  }
0x9b: {  	v6 =	vld [tilespmem:s7+$0x4480]  }
0x9c: {  	s18 =	simm.s32 $0x100;
	s2 =	simm.s32 $0x20;
	v7 =	vadd.f32 v8, v7  }
.LBB2_9:
0x9d: {  	s19 =	sand.u32 $0x70, s2  }
0x9e: {  	s20 =	sand.u32 $0x1C00, s18;
	[tilespmem:s13+$0x8480] =	vst v7;
	s13 =	smov.u32 s7;
	p0 =	sne.s32 s2, $0x3F0  }
.Ltmp3:
0x9f: {  	s2 =	sadd.s32 $0x10, s2;
	s7 =	sor.u32 s20, s19;
	(pc) =	sbr.rel @p0 .LBB2_9-.Ltmp3, $4  }
0xa0: {  	v7 =	vmul.f32 v5, v3;
	v5 =	vld [tilespmem:s7+$0x480];
	v8 =	vmul.f32 v6, v4  }
0xa1: {  	v6 =	vld [tilespmem:s7+$0x4480]  }
0xa2: {  	v7 =	vadd.f32 v8, v7  }
0xa3: {  	s18 =	sadd.s32 $0x80, s18  }
0xa4: {  	_ =	sdelay $0x1  }
0xa5: {  	v3 =	vmul.f32 v5, v3;
	v4 =	vmul.f32 v6, v4;
	_ =	sdelay $0x1  }
0xa6: {  	v3 =	vadd.f32 v4, v3  }
0xa7: {  	[tilespmem:s13+$0x8480] =	vst v7  }
0xa8: {  	s2 =	simm.s32 $0x0;
	[tilespmem:s7+$0x8480] =	vst v3  }
0xa9: {  	s18 =	sand.u32 $0x70, s2;
	s2 =	sand.u32 $0x1C00, s2;
	v3 =	vld.msk [tilespmem:s9+$0x104 ss:$0x0], $0xffff  }
0xaa: {  	s13 =	sor.u32 s2, s18;
	v4 =	vld.msk [tilespmem:s9+$0x204 ss:$0x0], $0xffff  }
0xab: {  	v5 =	vld [tilespmem:s13+$0x500]  }
0xac: {  	v6 =	vld [tilespmem:s13+$0x4500];
	_ =	sdelay $0x1  }
0xad: {  	s19 =	simm.s32 $0x10;
	s20 =	simm.s32 $0x80  }
0xae: {  	s2 =	sand.u32 $0x70, s19;
	s7 =	sand.u32 $0x1C00, s20  }
0xaf: {  	s7 =	sor.u32 s7, s2  }
0xb0: {  	v7 =	vmul.f32 v5, v3;
	v8 =	vmul.f32 v6, v4;
	v5 =	vld [tilespmem:s7+$0x500]  }
0xb1: {  	v6 =	vld [tilespmem:s7+$0x4500]  }
0xb2: {  	s18 =	simm.s32 $0x100;
	s2 =	simm.s32 $0x20;
	v7 =	vadd.f32 v8, v7  }
.LBB2_11:
0xb3: {  	s19 =	sand.u32 $0x70, s2  }
0xb4: {  	s20 =	sand.u32 $0x1C00, s18;
	[tilespmem:s13+$0x8500] =	vst v7;
	s13 =	smov.u32 s7;
	p0 =	sne.s32 s2, $0x3F0  }
.Ltmp4:
0xb5: {  	s2 =	sadd.s32 $0x10, s2;
	s7 =	sor.u32 s20, s19;
	(pc) =	sbr.rel @p0 .LBB2_11-.Ltmp4, $4  }
0xb6: {  	v7 =	vmul.f32 v5, v3;
	v5 =	vld [tilespmem:s7+$0x500];
	v8 =	vmul.f32 v6, v4  }
0xb7: {  	v6 =	vld [tilespmem:s7+$0x4500]  }
0xb8: {  	v7 =	vadd.f32 v8, v7  }
0xb9: {  	s18 =	sadd.s32 $0x80, s18  }
0xba: {  	_ =	sdelay $0x1  }
0xbb: {  	v3 =	vmul.f32 v5, v3;
	v4 =	vmul.f32 v6, v4;
	_ =	sdelay $0x1  }
0xbc: {  	v3 =	vadd.f32 v4, v3  }
0xbd: {  	[tilespmem:s13+$0x8500] =	vst v7  }
0xbe: {  	s2 =	simm.s32 $0x0;
	[tilespmem:s7+$0x8500] =	vst v3  }
0xbf: {  	s18 =	sand.u32 $0x70, s2;
	s2 =	sand.u32 $0x1C00, s2;
	v3 =	vld.msk [tilespmem:s9+$0x105 ss:$0x0], $0xffff  }
0xc0: {  	s13 =	sor.u32 s2, s18;
	v4 =	vld.msk [tilespmem:s9+$0x205 ss:$0x0], $0xffff  }
0xc1: {  	v5 =	vld [tilespmem:s13+$0x580]  }
0xc2: {  	v6 =	vld [tilespmem:s13+$0x4580];
	_ =	sdelay $0x1  }
0xc3: {  	s19 =	simm.s32 $0x10;
	s20 =	simm.s32 $0x80  }
0xc4: {  	s2 =	sand.u32 $0x70, s19;
	s7 =	sand.u32 $0x1C00, s20  }
0xc5: {  	s7 =	sor.u32 s7, s2  }
0xc6: {  	v7 =	vmul.f32 v5, v3;
	v8 =	vmul.f32 v6, v4;
	v5 =	vld [tilespmem:s7+$0x580]  }
0xc7: {  	v6 =	vld [tilespmem:s7+$0x4580]  }
0xc8: {  	s18 =	simm.s32 $0x100;
	s2 =	simm.s32 $0x20;
	v7 =	vadd.f32 v8, v7  }
.LBB2_13:
0xc9: {  	s19 =	sand.u32 $0x70, s2  }
0xca: {  	s20 =	sand.u32 $0x1C00, s18;
	[tilespmem:s13+$0x8580] =	vst v7;
	s13 =	smov.u32 s7;
	p0 =	sne.s32 s2, $0x3F0  }
.Ltmp5:
0xcb: {  	s2 =	sadd.s32 $0x10, s2;
	s7 =	sor.u32 s20, s19;
	(pc) =	sbr.rel @p0 .LBB2_13-.Ltmp5, $4  }
0xcc: {  	v7 =	vmul.f32 v5, v3;
	v5 =	vld [tilespmem:s7+$0x580];
	v8 =	vmul.f32 v6, v4  }
0xcd: {  	v6 =	vld [tilespmem:s7+$0x4580]  }
0xce: {  	v7 =	vadd.f32 v8, v7  }
0xcf: {  	s18 =	sadd.s32 $0x80, s18  }
0xd0: {  	_ =	sdelay $0x1  }
0xd1: {  	v3 =	vmul.f32 v5, v3;
	v4 =	vmul.f32 v6, v4;
	_ =	sdelay $0x1  }
0xd2: {  	v3 =	vadd.f32 v4, v3  }
0xd3: {  	[tilespmem:s13+$0x8580] =	vst v7  }
0xd4: {  	s2 =	simm.s32 $0x0;
	[tilespmem:s7+$0x8580] =	vst v3  }
0xd5: {  	s18 =	sand.u32 $0x70, s2;
	s2 =	sand.u32 $0x1C00, s2;
	v3 =	vld.msk [tilespmem:s9+$0x106 ss:$0x0], $0xffff  }
0xd6: {  	s13 =	sor.u32 s2, s18;
	v4 =	vld.msk [tilespmem:s9+$0x206 ss:$0x0], $0xffff  }
0xd7: {  	v5 =	vld [tilespmem:s13+$0x600]  }
0xd8: {  	v6 =	vld [tilespmem:s13+$0x4600];
	_ =	sdelay $0x1  }
0xd9: {  	s19 =	simm.s32 $0x10;
	s20 =	simm.s32 $0x80  }
0xda: {  	s2 =	sand.u32 $0x70, s19;
	s7 =	sand.u32 $0x1C00, s20  }
0xdb: {  	s7 =	sor.u32 s7, s2  }
0xdc: {  	v7 =	vmul.f32 v5, v3;
	v8 =	vmul.f32 v6, v4;
	v5 =	vld [tilespmem:s7+$0x600]  }
0xdd: {  	v6 =	vld [tilespmem:s7+$0x4600]  }
0xde: {  	s18 =	simm.s32 $0x100;
	s2 =	simm.s32 $0x20;
	v7 =	vadd.f32 v8, v7  }
.LBB2_15:
0xdf: {  	s19 =	sand.u32 $0x70, s2  }
0xe0: {  	s20 =	sand.u32 $0x1C00, s18;
	[tilespmem:s13+$0x8600] =	vst v7;
	s13 =	smov.u32 s7;
	p0 =	sne.s32 s2, $0x3F0  }
.Ltmp6:
0xe1: {  	s2 =	sadd.s32 $0x10, s2;
	s7 =	sor.u32 s20, s19;
	(pc) =	sbr.rel @p0 .LBB2_15-.Ltmp6, $4  }
0xe2: {  	v7 =	vmul.f32 v5, v3;
	v5 =	vld [tilespmem:s7+$0x600];
	v8 =	vmul.f32 v6, v4  }
0xe3: {  	v6 =	vld [tilespmem:s7+$0x4600]  }
0xe4: {  	v7 =	vadd.f32 v8, v7  }
0xe5: {  	s18 =	sadd.s32 $0x80, s18  }
0xe6: {  	_ =	sdelay $0x1  }
0xe7: {  	v3 =	vmul.f32 v5, v3;
	v4 =	vmul.f32 v6, v4;
	_ =	sdelay $0x1  }
0xe8: {  	v3 =	vadd.f32 v4, v3  }
0xe9: {  	[tilespmem:s13+$0x8600] =	vst v7  }
0xea: {  	s2 =	simm.s32 $0x0;
	[tilespmem:s7+$0x8600] =	vst v3  }
0xeb: {  	s2 =	sor.u32 s2, s2;
	v3 =	vld.msk [tilespmem:s9+$0x107 ss:$0x0], $0xffff  }
0xec: {  	s13 =	sor.u32 $0x380, s2;
	v4 =	vld.msk [tilespmem:s9+$0x207 ss:$0x0], $0xffff  }
0xed: {  	v5 =	vld [tilespmem:s13+$0x300]  }
0xee: {  	v6 =	vld [tilespmem:s13+$0x4300];
	_ =	sdelay $0x1  }
0xef: {  	s19 =	simm.s32 $0x10;
	s20 =	simm.s32 $0x80  }
0xf0: {  	s2 =	sor.u32 s20, s19  }
0xf1: {  	s7 =	sor.u32 $0x380, s2  }
0xf2: {  	v7 =	vmul.f32 v5, v3;
	v8 =	vmul.f32 v6, v4;
	v5 =	vld [tilespmem:s7+$0x300]  }
0xf3: {  	v6 =	vld [tilespmem:s7+$0x4300]  }
0xf4: {  	v7 =	vadd.f32 v8, v7  }
0xf5: {  	s18 =	simm.s32 $0x100;
	s2 =	simm.s32 $0x20  }
.LBB2_17:
0xf6: {  	s19 =	sor.u32 s18, s2;
	[tilespmem:s13+$0x8300] =	vst v7;
	s13 =	smov.u32 s7;
	p0 =	sne.s32 s2, $0x3F0  }
.Ltmp7:
0xf7: {  	s2 =	sadd.s32 $0x10, s2;
	s7 =	sor.u32 $0x380, s19;
	(pc) =	sbr.rel @p0 .LBB2_17-.Ltmp7, $4  }
0xf8: {  	v7 =	vmul.f32 v5, v3;
	v5 =	vld [tilespmem:s7+$0x300];
	v8 =	vmul.f32 v6, v4  }
0xf9: {  	v6 =	vld [tilespmem:s7+$0x4300]  }
0xfa: {  	v7 =	vadd.f32 v8, v7  }
0xfb: {  	s18 =	sadd.s32 $0x80, s18  }
0xfc: {  	_ =	sdelay $0x1  }
0xfd: {  	v3 =	vmul.f32 v5, v3;
	v4 =	vmul.f32 v6, v4;
	_ =	sdelay $0x1  }
0xfe: {  	v3 =	vadd.f32 v4, v3  }
0xff: {  	[tilespmem:s13+$0x8300] =	vst v7  }
0x100: {  	s2 =	simm.s32 $0x0;
	[tilespmem:s7+$0x8300] =	vst v3  }
0x101: {  	s18 =	sand.u32 $0x70, s2;
	s2 =	sand.u32 $0x1C00, s2;
	v3 =	vld.msk [tilespmem:s9+$0x108 ss:$0x0], $0xffff  }
0x102: {  	s13 =	sor.u32 s2, s18;
	v4 =	vld.msk [tilespmem:s9+$0x208 ss:$0x0], $0xffff  }
0x103: {  	v5 =	vld [tilespmem:s13+$0x2300]  }
0x104: {  	v6 =	vld [tilespmem:s13+$0x6300];
	_ =	sdelay $0x1  }
0x105: {  	s19 =	simm.s32 $0x10;
	s20 =	simm.s32 $0x80  }
0x106: {  	s2 =	sand.u32 $0x70, s19;
	s7 =	sand.u32 $0x1C00, s20  }
0x107: {  	s7 =	sor.u32 s7, s2  }
0x108: {  	v7 =	vmul.f32 v5, v3;
	v8 =	vmul.f32 v6, v4;
	v5 =	vld [tilespmem:s7+$0x2300]  }
0x109: {  	v6 =	vld [tilespmem:s7+$0x6300]  }
0x10a: {  	s18 =	simm.s32 $0x100;
	s2 =	simm.s32 $0x20;
	v7 =	vadd.f32 v8, v7  }
.LBB2_19:
0x10b: {  	s19 =	sand.u32 $0x70, s2  }
0x10c: {  	s20 =	sand.u32 $0x1C00, s18;
	[tilespmem:s13+$0xA300] =	vst v7;
	s13 =	smov.u32 s7;
	p0 =	sne.s32 s2, $0x3F0  }
.Ltmp8:
0x10d: {  	s2 =	sadd.s32 $0x10, s2;
	s7 =	sor.u32 s20, s19;
	(pc) =	sbr.rel @p0 .LBB2_19-.Ltmp8, $4  }
0x10e: {  	v7 =	vmul.f32 v5, v3;
	v5 =	vld [tilespmem:s7+$0x2300];
	v8 =	vmul.f32 v6, v4  }
0x10f: {  	v6 =	vld [tilespmem:s7+$0x6300]  }
0x110: {  	v7 =	vadd.f32 v8, v7  }
0x111: {  	s18 =	sadd.s32 $0x80, s18  }
0x112: {  	_ =	sdelay $0x1  }
0x113: {  	v3 =	vmul.f32 v5, v3;
	v4 =	vmul.f32 v6, v4;
	_ =	sdelay $0x1  }
0x114: {  	v3 =	vadd.f32 v4, v3  }
0x115: {  	[tilespmem:s13+$0xA300] =	vst v7  }
0x116: {  	s2 =	simm.s32 $0x0;
	[tilespmem:s7+$0xA300] =	vst v3  }
0x117: {  	s18 =	sand.u32 $0x70, s2;
	s2 =	sand.u32 $0x1C00, s2;
	v3 =	vld.msk [tilespmem:s9+$0x109 ss:$0x0], $0xffff  }
0x118: {  	s13 =	sor.u32 s2, s18;
	v4 =	vld.msk [tilespmem:s9+$0x209 ss:$0x0], $0xffff  }
0x119: {  	v5 =	vld [tilespmem:s13+$0x2380]  }
0x11a: {  	v6 =	vld [tilespmem:s13+$0x6380];
	_ =	sdelay $0x1  }
0x11b: {  	s19 =	simm.s32 $0x10;
	s20 =	simm.s32 $0x80  }
0x11c: {  	s2 =	sand.u32 $0x70, s19;
	s7 =	sand.u32 $0x1C00, s20  }
0x11d: {  	s7 =	sor.u32 s7, s2  }
0x11e: {  	v7 =	vmul.f32 v5, v3;
	v8 =	vmul.f32 v6, v4;
	v5 =	vld [tilespmem:s7+$0x2380]  }
0x11f: {  	v6 =	vld [tilespmem:s7+$0x6380]  }
0x120: {  	s18 =	simm.s32 $0x100;
	s2 =	simm.s32 $0x20;
	v7 =	vadd.f32 v8, v7  }
.LBB2_21:
0x121: {  	s19 =	sand.u32 $0x70, s2  }
0x122: {  	s20 =	sand.u32 $0x1C00, s18;
	[tilespmem:s13+$0xA380] =	vst v7;
	s13 =	smov.u32 s7;
	p0 =	sne.s32 s2, $0x3F0  }
.Ltmp9:
0x123: {  	s2 =	sadd.s32 $0x10, s2;
	s7 =	sor.u32 s20, s19;
	(pc) =	sbr.rel @p0 .LBB2_21-.Ltmp9, $4  }
0x124: {  	v7 =	vmul.f32 v5, v3;
	v5 =	vld [tilespmem:s7+$0x2380];
	v8 =	vmul.f32 v6, v4  }
0x125: {  	v6 =	vld [tilespmem:s7+$0x6380]  }
0x126: {  	v7 =	vadd.f32 v8, v7  }
0x127: {  	s18 =	sadd.s32 $0x80, s18  }
0x128: {  	_ =	sdelay $0x1  }
0x129: {  	v3 =	vmul.f32 v5, v3;
	v4 =	vmul.f32 v6, v4;
	_ =	sdelay $0x1  }
0x12a: {  	v3 =	vadd.f32 v4, v3  }
0x12b: {  	[tilespmem:s13+$0xA380] =	vst v7  }
0x12c: {  	s2 =	simm.s32 $0x0;
	[tilespmem:s7+$0xA380] =	vst v3  }
0x12d: {  	s18 =	sand.u32 $0x70, s2;
	s2 =	sand.u32 $0x1C00, s2;
	v3 =	vld.msk [tilespmem:s9+$0x10A ss:$0x0], $0xffff  }
0x12e: {  	s13 =	sor.u32 s2, s18;
	v4 =	vld.msk [tilespmem:s9+$0x20A ss:$0x0], $0xffff  }
0x12f: {  	v5 =	vld [tilespmem:s13+$0x2400]  }
0x130: {  	v6 =	vld [tilespmem:s13+$0x6400];
	_ =	sdelay $0x1  }
0x131: {  	s19 =	simm.s32 $0x10;
	s20 =	simm.s32 $0x80  }
0x132: {  	s2 =	sand.u32 $0x70, s19;
	s7 =	sand.u32 $0x1C00, s20  }
0x133: {  	s7 =	sor.u32 s7, s2  }
0x134: {  	v7 =	vmul.f32 v5, v3;
	v8 =	vmul.f32 v6, v4;
	v5 =	vld [tilespmem:s7+$0x2400]  }
0x135: {  	v6 =	vld [tilespmem:s7+$0x6400]  }
0x136: {  	s18 =	simm.s32 $0x100;
	s2 =	simm.s32 $0x20;
	v7 =	vadd.f32 v8, v7  }
.LBB2_23:
0x137: {  	s19 =	sand.u32 $0x70, s2  }
0x138: {  	s20 =	sand.u32 $0x1C00, s18;
	[tilespmem:s13+$0xA400] =	vst v7;
	s13 =	smov.u32 s7;
	p0 =	sne.s32 s2, $0x3F0  }
.Ltmp10:
0x139: {  	s2 =	sadd.s32 $0x10, s2;
	s7 =	sor.u32 s20, s19;
	(pc) =	sbr.rel @p0 .LBB2_23-.Ltmp10, $4  }
0x13a: {  	v7 =	vmul.f32 v5, v3;
	v5 =	vld [tilespmem:s7+$0x2400];
	v8 =	vmul.f32 v6, v4  }
0x13b: {  	v6 =	vld [tilespmem:s7+$0x6400]  }
0x13c: {  	v7 =	vadd.f32 v8, v7  }
0x13d: {  	s18 =	sadd.s32 $0x80, s18  }
0x13e: {  	_ =	sdelay $0x1  }
0x13f: {  	v3 =	vmul.f32 v5, v3;
	v4 =	vmul.f32 v6, v4;
	_ =	sdelay $0x1  }
0x140: {  	v3 =	vadd.f32 v4, v3  }
0x141: {  	[tilespmem:s13+$0xA400] =	vst v7  }
0x142: {  	s2 =	simm.s32 $0x0;
	[tilespmem:s7+$0xA400] =	vst v3  }
0x143: {  	s18 =	sand.u32 $0x70, s2;
	s2 =	sand.u32 $0x1C00, s2;
	v3 =	vld.msk [tilespmem:s9+$0x10B ss:$0x0], $0xffff  }
0x144: {  	s13 =	sor.u32 s2, s18;
	v4 =	vld.msk [tilespmem:s9+$0x20B ss:$0x0], $0xffff  }
0x145: {  	v5 =	vld [tilespmem:s13+$0x2480]  }
0x146: {  	v6 =	vld [tilespmem:s13+$0x6480];
	_ =	sdelay $0x1  }
0x147: {  	s19 =	simm.s32 $0x10;
	s20 =	simm.s32 $0x80  }
0x148: {  	s2 =	sand.u32 $0x70, s19;
	s7 =	sand.u32 $0x1C00, s20  }
0x149: {  	s7 =	sor.u32 s7, s2  }
0x14a: {  	v7 =	vmul.f32 v5, v3;
	v8 =	vmul.f32 v6, v4;
	v5 =	vld [tilespmem:s7+$0x2480]  }
0x14b: {  	v6 =	vld [tilespmem:s7+$0x6480]  }
0x14c: {  	s18 =	simm.s32 $0x100;
	s2 =	simm.s32 $0x20;
	v7 =	vadd.f32 v8, v7  }
.LBB2_25:
0x14d: {  	s19 =	sand.u32 $0x70, s2  }
0x14e: {  	s20 =	sand.u32 $0x1C00, s18;
	[tilespmem:s13+$0xA480] =	vst v7;
	s13 =	smov.u32 s7;
	p0 =	sne.s32 s2, $0x3F0  }
.Ltmp11:
0x14f: {  	s2 =	sadd.s32 $0x10, s2;
	s7 =	sor.u32 s20, s19;
	(pc) =	sbr.rel @p0 .LBB2_25-.Ltmp11, $4  }
0x150: {  	v7 =	vmul.f32 v5, v3;
	v5 =	vld [tilespmem:s7+$0x2480];
	v8 =	vmul.f32 v6, v4  }
0x151: {  	v6 =	vld [tilespmem:s7+$0x6480]  }
0x152: {  	v7 =	vadd.f32 v8, v7  }
0x153: {  	s18 =	sadd.s32 $0x80, s18  }
0x154: {  	_ =	sdelay $0x1  }
0x155: {  	v3 =	vmul.f32 v5, v3;
	v4 =	vmul.f32 v6, v4;
	_ =	sdelay $0x1  }
0x156: {  	v3 =	vadd.f32 v4, v3  }
0x157: {  	[tilespmem:s13+$0xA480] =	vst v7  }
0x158: {  	s2 =	simm.s32 $0x0;
	[tilespmem:s7+$0xA480] =	vst v3  }
0x159: {  	s18 =	sand.u32 $0x70, s2;
	s2 =	sand.u32 $0x1C00, s2;
	v3 =	vld.msk [tilespmem:s9+$0x10C ss:$0x0], $0xffff  }
0x15a: {  	s13 =	sor.u32 s2, s18;
	v4 =	vld.msk [tilespmem:s9+$0x20C ss:$0x0], $0xffff  }
0x15b: {  	v5 =	vld [tilespmem:s13+$0x2500]  }
0x15c: {  	v6 =	vld [tilespmem:s13+$0x6500];
	_ =	sdelay $0x1  }
0x15d: {  	s19 =	simm.s32 $0x10;
	s20 =	simm.s32 $0x80  }
0x15e: {  	s2 =	sand.u32 $0x70, s19;
	s7 =	sand.u32 $0x1C00, s20  }
0x15f: {  	s7 =	sor.u32 s7, s2  }
0x160: {  	v7 =	vmul.f32 v5, v3;
	v8 =	vmul.f32 v6, v4;
	v5 =	vld [tilespmem:s7+$0x2500]  }
0x161: {  	v6 =	vld [tilespmem:s7+$0x6500]  }
0x162: {  	s18 =	simm.s32 $0x100;
	s2 =	simm.s32 $0x20;
	v7 =	vadd.f32 v8, v7  }
.LBB2_27:
0x163: {  	s19 =	sand.u32 $0x70, s2  }
0x164: {  	s20 =	sand.u32 $0x1C00, s18;
	[tilespmem:s13+$0xA500] =	vst v7;
	s13 =	smov.u32 s7;
	p0 =	sne.s32 s2, $0x3F0  }
.Ltmp12:
0x165: {  	s2 =	sadd.s32 $0x10, s2;
	s7 =	sor.u32 s20, s19;
	(pc) =	sbr.rel @p0 .LBB2_27-.Ltmp12, $4  }
0x166: {  	v7 =	vmul.f32 v5, v3;
	v5 =	vld [tilespmem:s7+$0x2500];
	v8 =	vmul.f32 v6, v4  }
0x167: {  	v6 =	vld [tilespmem:s7+$0x6500]  }
0x168: {  	v7 =	vadd.f32 v8, v7  }
0x169: {  	s18 =	sadd.s32 $0x80, s18  }
0x16a: {  	_ =	sdelay $0x1  }
0x16b: {  	v3 =	vmul.f32 v5, v3;
	v4 =	vmul.f32 v6, v4;
	_ =	sdelay $0x1  }
0x16c: {  	v3 =	vadd.f32 v4, v3  }
0x16d: {  	[tilespmem:s13+$0xA500] =	vst v7  }
0x16e: {  	s2 =	simm.s32 $0x0;
	[tilespmem:s7+$0xA500] =	vst v3  }
0x16f: {  	s18 =	sand.u32 $0x70, s2;
	s2 =	sand.u32 $0x1C00, s2;
	v3 =	vld.msk [tilespmem:s9+$0x10D ss:$0x0], $0xffff  }
0x170: {  	s13 =	sor.u32 s2, s18;
	v4 =	vld.msk [tilespmem:s9+$0x20D ss:$0x0], $0xffff  }
0x171: {  	v5 =	vld [tilespmem:s13+$0x2580]  }
0x172: {  	v6 =	vld [tilespmem:s13+$0x6580];
	_ =	sdelay $0x1  }
0x173: {  	s19 =	simm.s32 $0x10;
	s20 =	simm.s32 $0x80  }
0x174: {  	s2 =	sand.u32 $0x70, s19;
	s7 =	sand.u32 $0x1C00, s20  }
0x175: {  	s7 =	sor.u32 s7, s2  }
0x176: {  	v7 =	vmul.f32 v5, v3;
	v8 =	vmul.f32 v6, v4;
	v5 =	vld [tilespmem:s7+$0x2580]  }
0x177: {  	v6 =	vld [tilespmem:s7+$0x6580]  }
0x178: {  	s18 =	simm.s32 $0x100;
	s2 =	simm.s32 $0x20;
	v7 =	vadd.f32 v8, v7  }
.LBB2_29:
0x179: {  	s19 =	sand.u32 $0x70, s2  }
0x17a: {  	s20 =	sand.u32 $0x1C00, s18;
	[tilespmem:s13+$0xA580] =	vst v7;
	s13 =	smov.u32 s7;
	p0 =	sne.s32 s2, $0x3F0  }
.Ltmp13:
0x17b: {  	s2 =	sadd.s32 $0x10, s2;
	s7 =	sor.u32 s20, s19;
	(pc) =	sbr.rel @p0 .LBB2_29-.Ltmp13, $4  }
0x17c: {  	v7 =	vmul.f32 v5, v3;
	v5 =	vld [tilespmem:s7+$0x2580];
	v8 =	vmul.f32 v6, v4  }
0x17d: {  	v6 =	vld [tilespmem:s7+$0x6580]  }
0x17e: {  	v7 =	vadd.f32 v8, v7  }
0x17f: {  	s18 =	sadd.s32 $0x80, s18  }
0x180: {  	_ =	sdelay $0x1  }
0x181: {  	v3 =	vmul.f32 v5, v3;
	v4 =	vmul.f32 v6, v4;
	_ =	sdelay $0x1  }
0x182: {  	v3 =	vadd.f32 v4, v3  }
0x183: {  	[tilespmem:s13+$0xA580] =	vst v7  }
0x184: {  	s2 =	simm.s32 $0x0;
	[tilespmem:s7+$0xA580] =	vst v3  }
0x185: {  	s18 =	sand.u32 $0x70, s2;
	s2 =	sand.u32 $0x1C00, s2;
	v3 =	vld.msk [tilespmem:s9+$0x10E ss:$0x0], $0xffff  }
0x186: {  	s13 =	sor.u32 s2, s18;
	v4 =	vld.msk [tilespmem:s9+$0x20E ss:$0x0], $0xffff  }
0x187: {  	v5 =	vld [tilespmem:s13+$0x2600]  }
0x188: {  	v6 =	vld [tilespmem:s13+$0x6600];
	_ =	sdelay $0x1  }
0x189: {  	s19 =	simm.s32 $0x10;
	s20 =	simm.s32 $0x80  }
0x18a: {  	s2 =	sand.u32 $0x70, s19;
	s7 =	sand.u32 $0x1C00, s20  }
0x18b: {  	s7 =	sor.u32 s7, s2  }
0x18c: {  	v7 =	vmul.f32 v5, v3;
	v8 =	vmul.f32 v6, v4;
	v5 =	vld [tilespmem:s7+$0x2600]  }
0x18d: {  	v6 =	vld [tilespmem:s7+$0x6600]  }
0x18e: {  	s18 =	simm.s32 $0x100;
	s2 =	simm.s32 $0x20;
	v7 =	vadd.f32 v8, v7  }
.LBB2_31:
0x18f: {  	s19 =	sand.u32 $0x70, s2  }
0x190: {  	s20 =	sand.u32 $0x1C00, s18;
	[tilespmem:s13+$0xA600] =	vst v7;
	s13 =	smov.u32 s7;
	p0 =	sne.s32 s2, $0x3F0  }
.Ltmp14:
0x191: {  	s2 =	sadd.s32 $0x10, s2;
	s7 =	sor.u32 s20, s19;
	(pc) =	sbr.rel @p0 .LBB2_31-.Ltmp14, $4  }
0x192: {  	v7 =	vmul.f32 v5, v3;
	v5 =	vld [tilespmem:s7+$0x2600];
	v8 =	vmul.f32 v6, v4  }
0x193: {  	v6 =	vld [tilespmem:s7+$0x6600]  }
0x194: {  	v7 =	vadd.f32 v8, v7  }
0x195: {  	s18 =	sadd.s32 $0x80, s18  }
0x196: {  	_ =	sdelay $0x1  }
0x197: {  	v3 =	vmul.f32 v5, v3;
	v4 =	vmul.f32 v6, v4;
	_ =	sdelay $0x1  }
0x198: {  	v3 =	vadd.f32 v4, v3  }
0x199: {  	[tilespmem:s13+$0xA600] =	vst v7  }
0x19a: {  	s2 =	simm.s32 $0x0;
	[tilespmem:s7+$0xA600] =	vst v3  }
0x19b: {  	s2 =	sor.u32 s2, s2;
	v3 =	vld.msk [tilespmem:s9+$0x10F ss:$0x0], $0xffff  }
0x19c: {  	s13 =	sor.u32 $0x2380, s2;
	v4 =	vld.msk [tilespmem:s9+$0x20F ss:$0x0], $0xffff  }
0x19d: {  	v5 =	vld [tilespmem:s13+$0x300]  }
0x19e: {  	v6 =	vld [tilespmem:s13+$0x4300];
	_ =	sdelay $0x1  }
0x19f: {  	s19 =	simm.s32 $0x10;
	s20 =	simm.s32 $0x80  }
0x1a0: {  	s2 =	sor.u32 s20, s19  }
0x1a1: {  	s7 =	sor.u32 $0x2380, s2  }
0x1a2: {  	v7 =	vmul.f32 v5, v3;
	v8 =	vmul.f32 v6, v4;
	v5 =	vld [tilespmem:s7+$0x300]  }
0x1a3: {  	v6 =	vld [tilespmem:s7+$0x4300]  }
0x1a4: {  	v7 =	vadd.f32 v8, v7  }
0x1a5: {  	s18 =	simm.s32 $0x100;
	s2 =	simm.s32 $0x20  }
.LBB2_33:
0x1a6: {  	s19 =	sor.u32 s18, s2;
	[tilespmem:s13+$0x8300] =	vst v7;
	s13 =	smov.u32 s7;
	p0 =	sne.s32 s2, $0x3F0  }
.Ltmp15:
0x1a7: {  	s2 =	sadd.s32 $0x10, s2;
	s7 =	sor.u32 $0x2380, s19;
	(pc) =	sbr.rel @p0 .LBB2_33-.Ltmp15, $4  }
0x1a8: {  	v7 =	vmul.f32 v5, v3;
	v5 =	vld [tilespmem:s7+$0x300];
	v8 =	vmul.f32 v6, v4  }
0x1a9: {  	v6 =	vld [tilespmem:s7+$0x4300]  }
0x1aa: {  	v7 =	vadd.f32 v8, v7  }
0x1ab: {  	s18 =	sadd.s32 $0x80, s18  }
0x1ac: {  	_ =	sdelay $0x1  }
0x1ad: {  	v3 =	vmul.f32 v5, v3;
	v4 =	vmul.f32 v6, v4;
	_ =	sdelay $0x1  }
0x1ae: {  	s2 =	sadd.s32 s4, s9;
	s8 =	sadd.s32 $0x1, s8;
	v3 =	vadd.f32 v4, v3  }
0x1af: {  	[tilespmem:s13+$0x8300] =	vst v7;
	s20 =	rddreg [dreg:$0x1];
	s2 =	sshll.u32 s2, $0x7;
	p0 =	sne.s32 s8, $0x8  }
.Ltmp16:
0x1b0: {  	s2 =	sadd.s32 s20, s2;
	[tilespmem:s7+$0x8300] =	vst v3;
	(pc) =	sbr.rel @p0 .LBB2_2-.Ltmp16, $4  }
0x1b1: {  	[hbm4b:s2+s3] =	stream.linear.scatter [tilespmem:s6], [sflag:$0x3], $0x4000, $0x38;
	[tilespmem:$0xC300] =	vst v63  }
0x1b2: {  	_ =	swait.ge [sflag:s14], $0x4000  }
0x1b3: {  	[sflag:s14] =	ssyncset.done $0x0  }
0x1b4: {  	[sflag:s14] =	ssyncadd.s32 $0xFFFFC000  }
0x1b5: {  	s7 =	rddreg [dreg:$0x8]  }
0x1b6: {  	s2 =	rddreg [dreg:$0x7];
	s7 =	sadd.s32 $0x1, s7  }
0x1b7: {  	p0 =	sne.s32 s7, s2  }
.Ltmp17:
0x1b8: {  	_ = 	snop;
	(pc) =	sbr.rel @p0 .LBB2_1-.Ltmp17, $1  }
0x1b9: {  	_ =	sdelay $0x3  }
0x1ba: {  	_ =	sfence.sel $0x180000  }
0x1bb: {  	[bflag:$0x0] =	sbarrier.arrive $0xFFFF  }
0x1bc: {  	_ =	strace $0x9000004D  }
0x1bd: {  	s0 =	stileid.u32;
	[bflag:$0x2] =	sbarrier.arrive $0xFFFF  }
0x1be: {  	p0 =	sne.s32 s0, $0x0;
	s0 =	rddreg [dreg:$0x2]  }
0x1bf: {  	s0 =	sadd.s32 @!p0 $0x100000, s0  }
0x1c0: {  	[sflag:s0] =	ssyncadd.tile.s32 @!p0 $0x1;
	_ =	shalt  }
.Lfunc_end2:
_tile_overlayer_lowered:
.L_overlay_start_2:
0x1c1: {  	(tag) =	ssettag $0x2  }
0x1c2: {  	s0 =	rddreg [dreg:$0x0];
	s2 =	stileid.u32  }
0x1c3: {  	s1 =	rddreg [dreg:$0x1];
	p0 =	sne.s32 s2, $0x0  }
0x1c4: {  	s3 =	rddreg [dreg:$0x2];
	[bflag:$0x3] =	sbarrier.arrive $0xFFFF;
	s2 =	simm.s32 @!p0 $0x1C03  }
0x1c5: {  	[timem:s3], [sflag:s2] =	dma.local @!p0 [hbm:s0], s1  }
0x1c6: {  	s0 =	simm.s32 @!p0 $0x3  }
0x1c7: {  	_ =	swait.ge @!p0 [sflag:s0], s1  }
0x1c8: {  	s1 =	ssub.s32 @!p0 $0x0, s1;
	[sflag:s0] =	ssyncset.done @!p0 $0x0  }
0x1c9: {  	[sflag:s0] =	ssyncadd.s32 @!p0 s1  }
0x1ca: {  	[bflag:$0x3] =	sbarrier.arrive $0xFFFF  }
0x1cb: {  	_ =	shalt  }

// kernel: kernel.7.cloned.1.call-start
scs
__scs_entry_jumppad:
0x0: {  	(pc) =	sbr.rel $0x88, $3  }
0x1: {  	(tag) =	ssettag $0x0;
	lr =	simm.s32 $0x1  }
0x2: {  	[smem:$0x3F9C] =	sst lr;
	_ =	strace $0xD0000000  }
0x3: {  	_ = 	snop  }
0x4: {  	_ = 	snop  }
0x5: {  	_ = 	snop  }
0x6: {  	_ = 	snop  }
0x7: {  	_ = 	snop  }
__scs_overlays_trampoline_lowered:
0x8: {  	[smem:$0x3FAB] =	sst s0  }
0x9: {  	[smem:$0x3FAC] =	sst s1  }
0xa: {  	[smem:$0x3FAD] =	sst s2  }
0xb: {  	[smem:$0x3FAE] =	sst s3  }
0xc: {  	[smem:$0x3FAF] =	sst s4  }
0xd: {  	[smem:$0x3FB0] =	sst s5  }
0xe: {  	[smem:$0x3FB1] =	sst s6  }
0xf: {  	[smem:$0x3FB2] =	sst s7  }
0x10: {  	[smem:$0x3FB3] =	sst s8  }
0x11: {  	[smem:$0x3FB4] =	sst s9;
	s0 =	simm.s32 @!p0 $0x0  }
0x12: {  	s1 =	sld [smem:$0x3F9A];
	s0 =	simm.s32 @p0 $0x1  }
0x13: {  	[smem:$0x3FB5] =	sst s0;
	s0 =	simm.s32 @!p1 $0x0  }
0x14: {  	s2 =	sld [smem:$0x3F99];
	s0 =	simm.s32 @p1 $0x1  }
0x15: {  	[smem:$0x3FB6] =	sst s0;
	s0 =	simm.s32 @!p2 $0x0  }
0x16: {  	s3 =	sld [smem:$0x3FDB];
	s0 =	simm.s32 @p2 $0x1  }
0x17: {  	s4 =	simm.s32 $0x1BF5;
	[smem:$0x3FB8] =	sst s0  }
0x18: {  	s0 =	sld [smem:$0x3F9B];
	_ =	swait.ge [sflag:s4], $0x0  }
0x19: {  	s7 =	sld [smem:$0x3F9C]  }
0x1a: {  	s8 =	sadd.s32 $0xFFFFE003, lr  }
0x1b: {  	s9 =	sadd.s32 $0xFFFFFEF7, lr;
	s5 =	simm.s32 $0xFFFFFFFF;
	p2 =	slt.u32 s8, $0xFFFFF086  }
0x1c: {  	p1 =	slt.u32 s9, $0xF7A;
	s5 =	simm.s32 @!p2 $0x0  }
0x1d: {  	s5 =	simm.s32 @p1 $0x1;
	p0 =	seq.s32 s7, s2  }
0x1e: {  	s7 =	smul.u32 @!p0 $0xF7A, s2;
	p2 =	seq.s32 @!p0 s5, $0x0  }
0x1f: {  	s9 =	smul.u32 $0xF7A, s1;
	s8 =	simm.s32 @!p0 $0x1BF5;
	p2 =	por !p2, p0  }
0x20: {  	[sflag:s8] =	ssyncset.s32 @!p0 $0xFFFFF086;
	s6 =	sadd.s32 @!p0 s3, s7;
	s7 =	simm.s32 @!p0 $0x108  }
0x21: {  	s3 =	sadd.s32 s3, s9;
	s6 =	sadd.s32 @!p0 $0x88, s6;
	s7 =	simm.s32 @p2 $0x1082  }
0x22: {  	[simem:s7], [sflag:s8] =	dma.local @!p0 [hbm:s6], $0xF7A  }
0x23: {  	s9 =	sor.u32 $0xD0000000, s2;
	s6 =	simm.s32 $0x108;
	_ =	swait.ge @!p0 [sflag:s8], $0x0  }
0x24: {  	s3 =	sadd.s32 $0x88, s3;
	s6 =	simm.s32 @!p1 $0x1082;
	[sflag:s4] =	ssyncset.s32 $0xFFFFF086  }
0x25: {  	[simem:s6], [sflag:s4] =	dma.local [hbm:s3], $0xF7A  }
0x26: {  	[smem:$0x3F9C] =	sst s1;
	(tag) =	ssettag s2;
	_ =	strace s9  }
0x27: {  	s1 =	sld [smem:$0x3FAC]  }
0x28: {  	s2 =	sld [smem:$0x3FAD]  }
0x29: {  	s4 =	sld [smem:$0x3FAF]  }
0x2a: {  	p0 =	seq.s32 s5, $0x0;
	s5 =	sld [smem:$0x3FB0]  }
0x2b: {  	s6 =	sld [smem:$0x3FB1]  }
0x2c: {  	s7 =	sld [smem:$0x3FB2]  }
0x2d: {  	s3 =	simm.s32 $0x108;
	s8 =	sld [smem:$0x3FB3]  }
0x2e: {  	s3 =	simm.s32 @!p0 $0x1082;
	s9 =	sld [smem:$0x3FB4]  }
0x2f: {  	lr =	sadd.s32 s0, s3;
	s0 =	sld [smem:$0x3FAB]  }
0x30: {  	s3 =	sld [smem:$0x3FAE]  }
0x31: {  	[smem:$0x3FB7] =	sst s10  }
0x32: {  	s10 =	sld [smem:$0x3FB5];
	_ =	sdelay $0x3  }
0x33: {  	p0 =	seq.s32 s10, $0x1;
	s10 =	sld [smem:$0x3FB7];
	_ =	sdelay $0x3  }
0x34: {  	[smem:$0x3FB7] =	sst s10  }
0x35: {  	s10 =	sld [smem:$0x3FB6];
	_ =	sdelay $0x3  }
0x36: {  	p1 =	seq.s32 s10, $0x1;
	s10 =	sld [smem:$0x3FB7];
	_ =	sdelay $0x3  }
0x37: {  	[smem:$0x3FB7] =	sst s10  }
0x38: {  	s10 =	sld [smem:$0x3FB8]  }
0x39: {  	_ = 	snop;
	(pc) =	sbr.ind lr, $3  }
0x3a: {  	_ = 	snop  }
0x3b: {  	_ = 	snop  }
0x3c: {  	p2 =	seq.s32 s10, $0x1;
	s10 =	sld [smem:$0x3FB7]  }
0x3d: {  	_ =	shalt  }
0x3e: {  	_ =	shalt  }
0x3f: {  	_ =	shalt  }
0x40: {  	_ =	shalt  }
0x41: {  	_ =	shalt  }
0x42: {  	_ =	shalt  }
0x43: {  	_ =	shalt  }
0x44: {  	_ =	shalt  }
0x45: {  	_ =	shalt  }
0x46: {  	_ =	shalt  }
0x47: {  	_ =	shalt  }
0x48: {  	_ =	shalt  }
0x49: {  	_ =	shalt  }
0x4a: {  	_ =	shalt  }
0x4b: {  	_ =	shalt  }
0x4c: {  	_ =	shalt  }
0x4d: {  	_ =	shalt  }
0x4e: {  	_ =	shalt  }
0x4f: {  	_ =	shalt  }
0x50: {  	_ =	shalt  }
0x51: {  	_ =	shalt  }
0x52: {  	_ =	shalt  }
0x53: {  	_ =	shalt  }
0x54: {  	_ =	shalt  }
0x55: {  	_ =	shalt  }
0x56: {  	_ =	shalt  }
0x57: {  	_ =	shalt  }
0x58: {  	_ =	shalt  }
0x59: {  	_ =	shalt  }
0x5a: {  	_ =	shalt  }
0x5b: {  	_ =	shalt  }
0x5c: {  	_ =	shalt  }
0x5d: {  	_ =	shalt  }
0x5e: {  	_ =	shalt  }
0x5f: {  	_ =	shalt  }
0x60: {  	_ =	shalt  }
0x61: {  	_ =	shalt  }
0x62: {  	_ =	shalt  }
0x63: {  	_ =	shalt  }
0x64: {  	_ =	shalt  }
0x65: {  	_ =	shalt  }
0x66: {  	_ =	shalt  }
0x67: {  	_ =	shalt  }
0x68: {  	_ =	shalt  }
0x69: {  	_ =	shalt  }
0x6a: {  	_ =	shalt  }
0x6b: {  	_ =	shalt  }
0x6c: {  	_ =	shalt  }
0x6d: {  	_ =	shalt  }
0x6e: {  	_ =	shalt  }
0x6f: {  	_ =	shalt  }
0x70: {  	_ =	shalt  }
0x71: {  	_ =	shalt  }
0x72: {  	_ =	shalt  }
0x73: {  	_ =	shalt  }
0x74: {  	_ =	shalt  }
0x75: {  	_ =	shalt  }
0x76: {  	_ =	shalt  }
0x77: {  	_ =	shalt  }
0x78: {  	_ =	shalt  }
0x79: {  	_ =	shalt  }
0x7a: {  	_ =	shalt  }
0x7b: {  	_ =	shalt  }
0x7c: {  	_ =	shalt  }
0x7d: {  	_ =	shalt  }
0x7e: {  	_ =	shalt  }
0x7f: {  	_ =	shalt  }
0x80: {  	_ =	shalt  }
0x81: {  	_ =	shalt  }
0x82: {  	_ =	shalt  }
0x83: {  	_ =	shalt  }
0x84: {  	_ =	shalt  }
0x85: {  	_ =	shalt  }
0x86: {  	_ =	shalt  }
0x87: {  	_ =	shalt  }
.Lfunc_end0:
.L_simem_size_0:
called_computation_lowered:
.L_overlay_start_0:
0x88: {  	s2 =	sld [smem:$0x3FD9]  }
0x89: {  	s3 =	sld [smem:$0x3FFE];
	_ =	sdelay $0x1  }
0x8a: {  	s1 =	srdreg.scid  }
0x8b: {  	s0 =	sand.u32 $0x1, s1  }
0x8c: {  	s17 =	sshll.u32 s0, $0xA;
	s2 =	sadd.s32 s3, s2  }
0x8d: {  	s2 =	sadd.s32 s2, s17  }
0x8e: {  	[smem:$0x3FC3] =	sst s2  }
0x8f: {  	_ = 	snop  }
0x90: {  	s2 =	sld [smem:$0x3FD0];
	(tm) =	ssettm $0x1  }
0x91: {  	s18 =	sld [smem:$0x3FFB];
	_ =	sdelay $0x3  }
0x92: {  	_ =	strace s18  }
0x93: {  	s3 =	sld [smem:$0x3FFC];
	_ =	sdelay $0x3  }
0x94: {  	_ =	strace s3  }
0x95: {  	s3 =	sld [smem:$0x3FFD];
	_ =	sdelay $0x3  }
0x96: {  	_ =	strace s3  }
0x97: {  	_ =	strace $0x8FFFFFFF  }
0x98: {  	s19 =	sld [smem:$0x3FDB];
	_ =	sdelay $0x1  }
0x99: {  	s4 =	simm.s32 $_scs_section_size  }
0x9a: {  	s5 =	simm.s32 $_size__tile_overlayer_lowered;
	s6 =	simm.s32 $_tile_overlayer_lowered  }
0x9b: {  	s22 =	simm.s32 $0x1BFF;
	s21 =	sshll.u32 s6, $0x1;
	s3 =	sadd.s32 s4, s19  }
0x9c: {  	s7 =	simm.s32 $0x0;
	s20 =	sshll.u32 s5, $0x1;
	s5 =	sadd.s32 s21, s3  }
0x9d: {  	[timem:s7], [sflag:s22] =	dma.local [hbm:s5], s20  }
0x9e: {  	_ =	swait.ge [sflag:s22], s20  }
0x9f: {  	s4 =	ssub.s32 $0x0, s20;
	[sflag:s22] =	ssyncset.done $0x0  }
0xa0: {  	[sflag:s22] =	ssyncadd.s32 s4;
	_ =	sdelay $0x1  }
0xa1: {  	s23 =	simm.s32 $0x1B8B  }
0xa2: {  	_ =	swait.ge [sflag:s23], $0x1  }
0xa3: {  	[sflag:s23] =	ssyncset.done $0x0  }
0xa4: {  	s25 =	simm.s32 $0x1B8E;
	s24 =	sld [smem:$0x3FFE];
	[sflag:s23] =	ssyncadd.s32 $0xFFFFFFFF  }
0xa5: {  	s26 =	simm.s32 $execute0_lowered;
	[smem:$0x3FD2] =	sst s25  }
0xa6: {  	s5 =	sshll.u32 s26, $0x1;
	_ =	strace $0x80000046;
	[dreg:$0x1] =	wrdreg $0xFFFFFFFF  }
0xa7: {  	s28 =	simm.s32 $_size_execute0_lowered;
	s3 =	sadd.s32 s3, s5;
	[dreg:$0x0] =	wrdreg $0x0  }
0xa8: {  	s5 =	sshll.u32 s28, $0x1;
	[dreg:$0x2] =	wrdreg s3  }
0xa9: {  	[dreg:$0x3] =	wrdreg s5  }
0xaa: {  	[dreg:$0x4] =	wrdreg $0xC0  }
0xab: {  	_ =	task [dreg:s7], $0x5FFFF  }
0xac: {  	[dreg:$0x1] =	wrdreg $0xFFFFFFFF  }
0xad: {  	[dreg:$0x0] =	wrdreg $0x60  }
0xae: {  	[dreg:$0x2] =	wrdreg s24  }
0xaf: {  	[dreg:$0x3] =	wrdreg s2  }
0xb0: {  	[dreg:$0x4] =	wrdreg $0x14000  }
0xb1: {  	[dreg:$0x5] =	wrdreg $0x14100  }
0xb2: {  	[dreg:$0x6] =	wrdreg $0x9  }
0xb3: {  	_ =	task.clear_ibuf [dreg:s7], $0x7FFFF;
	_ =	strace $0x90000046  }
0xb4: {  	s29 =	simm.s32 $0x9;
	_ =	strace $0x80000048  }
0xb5: {  	_ =	swait.ge [sflag:s29], $0x1  }
0xb6: {  	[sflag:s29] =	ssyncadd.s32 $0xFFFFFFFF  }
0xb7: {  	_ =	strace $0x90000048  }
0xb8: {  	_ =	sfence  }
0xb9: {  	s30 =	sld [smem:$0x0];
	_ =	sdelay $0x2  }
0xba: {  	s31 =	sshll.u32 s1, $0xD;
	s1 =	sshrl.u32 s1, $0x2  }
0xbb: {  	s3 =	sand.u32 $0x4000, s31;
	s1 =	sadd.s32 s1, s30  }
0xbc: {  	s0 =	sor.u32 s3, s0;
	s1 =	sshll.u32 s1, $0x11  }
0xbd: {  	s0 =	sor.u32 s1, s0  }
0xbe: {  	s0 =	sadd.s32 $0x8F2B, s0  }
0xbf: {  	[sflag:s0] =	ssyncadd.remote.s32 $0x1  }
0xc0: {  	_ =	sfence.sel $0xFFFF  }
0xc1: {  	[dreg:$0x0] =	wrdreg $0xFFFFFFFF;
	(pc) =	sbr.abs _section_cstart, $3  }
0xc2: {  	[dreg:$0x1] =	wrdreg $0xFFFFFFFF  }
0xc3: {  	_ =	task.clear_ibuf [dreg:s7], $0x2FFFF;
	_ =	strace $0x9FFFFFFF  }
0xc4: {  	(tm) =	ssettm $0x7FFFFFFF  }
0xc5: {  	_ =	shalt  }
tec
execute0_lowered:
.L_overlay_start_1:
0x0: {  	(tag) =	ssettag $0x1  }
0x1: {  	s3 =	srdreg.scid  }
0x2: {  	s3 =	sand.u32 $0x1, s3  }
0x3: {  	s1 =	rddreg [dreg:$0x0];
	p1 =	seq.s32 s3, $0x1  }
.Ltmp0:
0x4: {  	s6 =	rddreg [dreg:$0x1];
	(pc) =	sbr.rel @p1 .LBB2_11-.Ltmp0, $4  }
0x5: {  	s4 =	rddreg [dreg:$0x2]  }
0x6: {  	s2 =	rddreg [dreg:$0x3];
	s7 =	simm.s32 $0x0  }
0x7: {  	s5 =	stileid.u32;
	[smem:$0x7FF] =	sst s7  }
0x8: {  	s0 =	rddreg [dreg:$0x4];
	p0 =	sne.s32 s5, $0x0;
	_ =	strace $0x80000047  }
0x9: {  	s8 =	sadd.s32 $0xE00, s1;
	s3 =	sshll.u32 s5, $0x6  }
0xa: {  	s9 =	simm.s32 $0x1;
	s8 =	sadd.s32 s8, s3  }
0xb: {  	[tilespmem:s7], [sflag:$0x1] =	stream.linear.gather [hbm4b:s8+s7], $0x200, $0x38;
	[tilespmem:$0x1690] =	vst v63  }
0xc: {  	_ =	swait.ge [sflag:s9], $0x200  }
0xd: {  	[sflag:s9] =	ssyncset.done $0x0  }
0xe: {  	v12 =	vimm.s32 $0x0;
	[sflag:s9] =	ssyncadd.s32 $0xFFFFFE00  }
0xf: {  	s31 =	simm.s32 $0x0;
	[tilespmem:$0x1300] =	vst v12  }
0x10: {  	v0 =	vld [tilespmem:s31+$0x0];
	_ =	sdelay $0x4  }
0x11: {  	vm6 =	veq.s32 v0, $0x1  }
0x12: {  	v1 =	vsel vm6, $0x1, v12  }
0x13: {  	vm7 =	veq.s32 v0, $0x0;
	(xrf0) =	vadd.scan.msk.s32 $0xffff, v1  }
0x14: {  	vm5 =	veq.s32 v0, $0x2;
	v2 =	vsel vm7, $0x1, v12  }
0x15: {  	vm4 =	veq.s32 v0, $0x3;
	v1 =	vsel vm5, $0x1, v12;
	(xrf0) =	vadd.scan.msk.s32 $0xffff, v2  }
0x16: {  	vm3 =	veq.s32 v0, $0x4;
	v2 =	vsel vm4, $0x1, v12;
	(xrf0) =	vadd.scan.msk.s32 $0xffff, v1  }
0x17: {  	vm2 =	veq.s32 v0, $0x5;
	v1 =	vsel vm3, $0x1, v12;
	(xrf0) =	vadd.scan.msk.s32 $0xffff, v2  }
0x18: {  	vm1 =	veq.s32 v0, $0x6;
	v2 =	vsel vm2, $0x1, v12;
	(xrf0) =	vadd.scan.msk.s32 $0xffff, v1  }
0x19: {  	v1 =	vsel vm1, $0x1, v12;
	(xrf0) =	vadd.scan.msk.s32 $0xffff, v2;
	v3, _, _ =	vpop (xrf0)  }
0x1a: {  	vm0 =	veq.s32 v0, $0x7;
	(xrf0) =	vadd.scan.msk.s32 $0xffff, v1;
	v1 =	vxor.u32 $0x80000000, v3  }
0x1b: {  	v2 =	vsel vm0, $0x1, v12;
	v4, _, _ =	vpop (xrf0)  }
0x1c: {  	(xrf0) =	vadd.scan.msk.s32 $0xffff, v2;
	v2 =	vxor.u32 $0x80000000, v4  }
0x1d: {  	(xrf0) =	vmax.scan.msk.u32 $0xffff, v1;
	v1, _, _ =	vpop (xrf0)  }
0x1e: {  	v5 =	vxor.u32 $0x80000000, v1  }
0x1f: {  	(xrf0) =	vmax.scan.msk.u32 $0xffff, v2;
	v2, _, _ =	vpop (xrf0)  }
0x20: {  	v6 =	vxor.u32 $0x80000000, v2  }
0x21: {  	(xrf0) =	vmax.scan.msk.u32 $0xffff, v5;
	v5, _, _ =	vpop (xrf0)  }
0x22: {  	v7 =	vxor.u32 $0x80000000, v5  }
0x23: {  	(xrf0) =	vmax.scan.msk.u32 $0xffff, v6;
	v6, _, _ =	vpop (xrf0)  }
0x24: {  	v8 =	vxor.u32 $0x80000000, v6  }
0x25: {  	(xrf0) =	vmax.scan.msk.u32 $0xffff, v7;
	v7, _, _ =	vpop (xrf0)  }
0x26: {  	v9 =	vxor.u32 $0x80000000, v7  }
0x27: {  	(xrf0) =	vmax.scan.msk.u32 $0xffff, v8;
	v8, _, _ =	vpop (xrf0)  }
0x28: {  	v10 =	vxor.u32 $0x80000000, v8;
	v11, _, _ =	vpop (xrf0);
	(xrf0) =	vmax.scan.msk.u32 $0xffff, v9  }
0x29: {  	v4 =	vadd.s32 $0xFFFFFFFF, v4;
	(v2sf) =	vpush v11, $0xF;
	(xrf0) =	vmax.scan.msk.u32 $0xffff, v10;
	v9, _, _ =	vpop (xrf0)  }
0x2a: {  	p1 =	sgt.u32 s5, $0x1;
	v3 =	vadd.s32 $0xFFFFFFFF, v3;
	v4 =	vnsel vm7, $0x0, v4;
	(v2sf) =	vpush v9, $0xF;
	v9, _, _ =	vpop (xrf0)  }
0x2b: {  	s11 =	simm.s32 $0x1;
	s12 =	simm.s32 $0x1;
	s13 =	simm.s32 $0x1;
	v3 =	vsel vm6, v3, v4;
	(v2sf) =	vpush v9, $0xF;
	v9, _, _ =	vpop (xrf0)  }
0x2c: {  	s10 =	simm.s32 $0x1300;
	s14 =	simm.s32 $0x1;
	s9 =	simm.s32 $0x1;
	(v2sf) =	vpush v9, $0xF;
	v9, _, _ =	vpop (xrf0)  }
0x2d: {  	s15 =	simm.s32 $0x1;
	s9 =	simm.s32 @!p1 $0x0;
	p1 =	sgt.u32 s5, $0x2;
	v1 =	vadd.s32 $0xFFFFFFFF, v1;
	(v2sf) =	vpush v9, $0xF;
	v4, _, _ =	vpop (xrf0)  }
0x2e: {  	s16 =	simm.s32 $0x1;
	s11 =	simm.s32 @!p1 $0x0;
	p1 =	sgt.u32 s5, $0x3;
	v1 =	vsel vm5, v1, v3;
	v2 =	vadd.s32 $0xFFFFFFFF, v2;
	(v2sf) =	vpush v4, $0xF;
	v3, _, _ =	vpop (xrf0)  }
0x2f: {  	s17 =	sadd.s32 s3, s1;
	s12 =	simm.s32 @!p1 $0x0;
	p1 =	sgt.u32 s5, $0x4;
	v0 =	vld.idx.msk [tilespmem:v0+s10+$0x0], $0xffff;
	v1 =	vsel vm4, v2, v1;
	v2 =	vadd.s32 $0xFFFFFFFF, v5;
	(v2sf) =	vpush v3, $0xF;
	v3, _, _ =	vpop (xrf0)  }
0x30: {  	s1 =	sadd.s32 $0x1200, s1;
	s13 =	simm.s32 @!p1 $0x0;
	p1 =	sgt.u32 s5, $0x5;
	v1 =	vsel vm3, v2, v1;
	v2 =	vadd.s32 $0xFFFFFFFF, v6;
	(v2sf) =	vpush v3, $0xF  }
0x31: {  	s8 =	simm.s32 $0x1;
	s14 =	simm.s32 @!p1 $0x0;
	p1 =	sgt.u32 s5, $0x6;
	v2 =	vsel vm2, v2, v1;
	v3 =	vadd.s32 $0xFFFFFFFF, v7  }
0x32: {  	vm8 =	vcmask $0x300;
	s7 =	sshll.u32 s5, $0x9;
	s15 =	simm.s32 @!p1 $0x0;
	p1 =	sgt.u32 s5, $0x7;
	v2 =	vsel vm1, v3, v2;
	v3 =	vadd.s32 $0xFFFFFFFF, v8  }
0x33: {  	vm9 =	vcmask $0x704;
	vm10 =	vcmask $0xB08;
	s8 =	simm.s32 @!p0 $0x0;
	s18 =	sshrl.u32 s7, $0x2;
	s16 =	simm.s32 @!p1 $0x0;
	v2 =	vsel vm0, v3, v2  }
0x34: {  	p1 =	sgt.u32 s5, $0x8;
	v5 =	vmov s15;
	s15 =	simm.s32 $0x1;
	v1 =	vmov s8;
	s8 =	simm.s32 $0x1;
	v0 =	vadd.s32 v0, v2  }
0x35: {  	vm11 =	vcmask $0xF0C;
	vm12 =	vcmask $0x1310;
	s8 =	simm.s32 @!p1 $0x0;
	p1 =	sgt.u32 s5, $0x9;
	v10 =	vmov s9;
	s9 =	simm.s32 $0x1;
	[tilespmem:s31+$0x200] =	vst v0  }
0x36: {  	vm13 =	vcmask $0x1714;
	vm14 =	vcmask $0x1B18;
	s9 =	simm.s32 @!p1 $0x0;
	p1 =	sgt.u32 s5, $0xA;
	v7 =	vmov s11;
	s11 =	simm.s32 $0x1;
	v13 =	vld [tilespmem:$0x1300]  }
0x37: {  	vm15 =	vcmask $0x1F1C;
	v16 =	vsel vm8, $0xFFFFFFFF, v12;
	v11 =	vmov s12;
	s12 =	simm.s32 $0x1;
	s11 =	simm.s32 @!p1 $0x0;
	p1 =	sgt.u32 s5, $0xB  }
0x38: {  	v19 =	vsel vm9, $0xFFFFFFFF, v12;
	v18 =	vsel vm10, $0xFFFFFFFF, v12;
	v9 =	vmov s14;
	s14 =	simm.s32 $0x1;
	s12 =	simm.s32 @!p1 $0x0;
	s19 =	spop (v2sf)  }
0x39: {  	v20 =	vsel vm11, $0xFFFFFFFF, v12;
	v17 =	vsel vm12, $0xFFFFFFFF, v12;
	v8 =	vmov s8;
	p1 =	sgt.u32 s5, $0xC;
	s8 =	sxor.u32 $0x80000000, s19;
	s20 =	spop (v2sf)  }
0x3a: {  	v4 =	vmov s13;
	v3 =	vmov s9;
	s9 =	sadd.s32 $0x1400, s17;
	v14 =	vand.u32 s8, v19;
	s13 =	sxor.u32 $0x80000000, s20;
	s21 =	spop (v2sf)  }
0x3b: {  	v6 =	vmov s12;
	s12 =	simm.s32 $0x1;
	v13 =	vadd.s32 v13, v14;
	v15 =	vand.u32 s13, v16;
	s8 =	sxor.u32 $0x80000000, s21;
	s22 =	spop (v2sf)  }
0x3c: {  	v21 =	vsel vm13, $0xFFFFFFFF, v12;
	s12 =	simm.s32 @!p1 $0x0;
	v14 =	vand.u32 s8, v18;
	s23 =	sxor.u32 $0x80000000, s22;
	v13 =	vadd.s32 v15, v13;
	s24 =	spop (v2sf)  }
0x3d: {  	v22 =	vsel vm14, $0xFFFFFFFF, v12;
	p1 =	sgt.u32 s5, $0xD;
	v15 =	vand.u32 s23, v20;
	s25 =	sxor.u32 $0x80000000, s24;
	v13 =	vadd.s32 v14, v13;
	s26 =	spop (v2sf)  }
0x3e: {  	v0 =	vmov s11;
	s11 =	sadd.s32 s18, s4;
	v14 =	vand.u32 s25, v17;
	s13 =	sxor.u32 $0x80000000, s26;
	v13 =	vadd.s32 v15, v13;
	s28 =	spop (v2sf)  }
0x3f: {  	v23 =	vsel vm15, $0xFFFFFFFF, v12;
	s8 =	smul.u32 $0x280, s5;
	v15 =	vand.u32 s13, v21;
	s29 =	sxor.u32 $0x80000000, s28;
	v13 =	vadd.s32 v14, v13;
	s30 =	spop (v2sf)  }
0x40: {  	v2 =	vmov s16;
	s14 =	simm.s32 @!p1 $0x0;
	p1 =	seq.s32 s5, $0xF;
	v14 =	vand.u32 s29, v22;
	s13 =	sxor.u32 $0x80000000, s30;
	v15 =	vadd.s32 v15, v13  }
0x41: {  	s15 =	simm.s32 @!p1 $0x0;
	s5 =	sadd.s32 s8, s2;
	s31 =	sshrl.u32 s8, $0x3;
	v13 =	vmov s12;
	v24 =	vand.u32 s13, v23;
	v25 =	vadd.s32 v14, v15  }
0x42: {  	s6 =	sadd.s32 s6, s31;
	s12 =	simm.s32 $0x40;
	v15 =	vmov s14;
	v14 =	vmov s15;
	s13 =	simm.s32 $0x80;
	v24 =	vadd.s32 v24, v25  }
.LBB2_2:
0x43: {  	p1 =	sne.s32 s13, $0x7C0  }
0x44: {  	s14 =	sshra.s32 s12, $0x2;
	[tilespmem:$0x1300] =	vst v24;
	s12 =	smov.u32 s13;
	s13 =	sadd.s32 $0x40, s13  }
0x45: {  	v24 =	vld [tilespmem:s14+$0x0];
	_ =	sdelay $0x4  }
0x46: {  	vm7 =	veq.s32 v24, $0x0;
	vm6 =	veq.s32 v24, $0x1;
	vm4 =	veq.s32 v24, $0x2  }
0x47: {  	v25 =	vsel vm7, $0x1, v12;
	v26 =	vsel vm6, $0x1, v12;
	v27 =	vsel vm4, $0x1, v12  }
0x48: {  	vm5 =	veq.s32 v24, $0x3;
	vm3 =	veq.s32 v24, $0x4;
	vm1 =	veq.s32 v24, $0x5;
	(xrf0) =	vadd.scan.msk.s32 $0xffff, v26  }
0x49: {  	v28 =	vsel vm3, $0x1, v12;
	v29 =	vsel vm1, $0x1, v12;
	v26 =	vsel vm5, $0x1, v12;
	(xrf0) =	vadd.scan.msk.s32 $0xffff, v25  }
0x4a: {  	vm2 =	veq.s32 v24, $0x6;
	vm0 =	veq.s32 v24, $0x7;
	(xrf0) =	vadd.scan.msk.s32 $0xffff, v27  }
0x4b: {  	v25 =	vsel vm2, $0x1, v12;
	v27 =	vsel vm0, $0x1, v12;
	(xrf0) =	vadd.scan.msk.s32 $0xffff, v26  }
0x4c: {  	(xrf0) =	vadd.scan.msk.s32 $0xffff, v28  }
0x4d: {  	(xrf0) =	vadd.scan.msk.s32 $0xffff, v29  }
0x4e: {  	v26, _, _ =	vpop (xrf0);
	(xrf0) =	vadd.scan.msk.s32 $0xffff, v25  }
0x4f: {  	v29 =	vxor.u32 $0x80000000, v26;
	v28, _, _ =	vpop (xrf0);
	(xrf0) =	vadd.scan.msk.s32 $0xffff, v27  }
0x50: {  	v27 =	vadd.s32 $0xFFFFFFFF, v28;
	v30 =	vxor.u32 $0x80000000, v28;
	(xrf0) =	vmax.scan.msk.u32 $0xffff, v29;
	v25, _, _ =	vpop (xrf0)  }
0x51: {  	v26 =	vadd.s32 $0xFFFFFFFF, v26;
	v32 =	vnsel vm7, $0x0, v27;
	v31 =	vxor.u32 $0x80000000, v25;
	(xrf0) =	vmax.scan.msk.u32 $0xffff, v30;
	v28, _, _ =	vpop (xrf0)  }
0x52: {  	v25 =	vadd.s32 $0xFFFFFFFF, v25;
	v26 =	vsel vm6, v26, v32;
	v30 =	vxor.u32 $0x80000000, v28;
	(xrf0) =	vmax.scan.msk.u32 $0xffff, v31;
	v29, _, _ =	vpop (xrf0)  }
0x53: {  	v24 =	vld.idx.msk [tilespmem:v24+s10+$0x0], $0xffff;
	v25 =	vsel vm4, v25, v26;
	v26 =	vadd.s32 $0xFFFFFFFF, v28;
	v31 =	vxor.u32 $0x80000000, v29;
	(xrf0) =	vmax.scan.msk.u32 $0xffff, v30;
	v27, _, _ =	vpop (xrf0)  }
0x54: {  	v25 =	vsel vm5, v26, v25;
	v26 =	vadd.s32 $0xFFFFFFFF, v29;
	v32 =	vxor.u32 $0x80000000, v27;
	(xrf0) =	vmax.scan.msk.u32 $0xffff, v31;
	v28, _, _ =	vpop (xrf0)  }
0x55: {  	v25 =	vsel vm3, v26, v25;
	v26 =	vadd.s32 $0xFFFFFFFF, v27;
	v31 =	vxor.u32 $0x80000000, v28;
	(xrf0) =	vmax.scan.msk.u32 $0xffff, v32;
	v29, _, _ =	vpop (xrf0)  }
0x56: {  	v32 =	vadd.s32 $0xFFFFFFFF, v28;
	v25 =	vsel vm1, v26, v25;
	v28 =	vxor.u32 $0x80000000, v29;
	v30, _, _ =	vpop (xrf0);
	(xrf0) =	vmax.scan.msk.u32 $0xffff, v31  }
0x57: {  	v29 =	vadd.s32 $0xFFFFFFFF, v29;
	v31 =	vsel vm2, v32, v25;
	v27, _, _ =	vpop (xrf0);
	(v2sf) =	vpush v30, $0xF;
	(xrf0) =	vmax.scan.msk.u32 $0xffff, v28  }
0x58: {  	v28 =	vsel vm0, v29, v31;
	(v2sf) =	vpush v27, $0xF;
	v26, _, _ =	vpop (xrf0)  }
0x59: {  	v27 =	vadd.s32 v24, v28;
	(v2sf) =	vpush v26, $0xF;
	v25, _, _ =	vpop (xrf0)  }
0x5a: {  	[tilespmem:s14+$0x200] =	vst v27;
	(v2sf) =	vpush v25, $0xF;
	v24, _, _ =	vpop (xrf0)  }
0x5b: {  	(v2sf) =	vpush v24, $0xF;
	v24, _, _ =	vpop (xrf0)  }
0x5c: {  	(v2sf) =	vpush v24, $0xF;
	v24, _, _ =	vpop (xrf0)  }
0x5d: {  	(v2sf) =	vpush v24, $0xF;
	v24, _, _ =	vpop (xrf0)  }
0x5e: {  	(v2sf) =	vpush v24, $0xF;
	_ =	sdelay $0x5  }
0x5f: {  	v24 =	vld [tilespmem:$0x1300];
	_ =	sdelay $0x1  }
0x60: {  	s14 =	spop (v2sf)  }
0x61: {  	s14 =	sxor.u32 $0x80000000, s14;
	s15 =	spop (v2sf)  }
0x62: {  	s15 =	sxor.u32 $0x80000000, s15;
	v25 =	vand.u32 s14, v19;
	s14 =	spop (v2sf)  }
0x63: {  	v26 =	vand.u32 s15, v16;
	s14 =	sxor.u32 $0x80000000, s14;
	v24 =	vadd.s32 v24, v25;
	s15 =	spop (v2sf)  }
0x64: {  	v25 =	vand.u32 s14, v18;
	s14 =	sxor.u32 $0x80000000, s15;
	v24 =	vadd.s32 v26, v24;
	s15 =	spop (v2sf)  }
0x65: {  	v26 =	vand.u32 s14, v20;
	s14 =	sxor.u32 $0x80000000, s15;
	v24 =	vadd.s32 v25, v24;
	s15 =	spop (v2sf)  }
.Ltmp1:
0x66: {  	v25 =	vand.u32 s14, v17;
	s14 =	sxor.u32 $0x80000000, s15;
	v24 =	vadd.s32 v26, v24;
	s15 =	spop (v2sf);
	(pc) =	sbr.rel @p1 .LBB2_2-.Ltmp1, $4  }
0x67: {  	v26 =	vand.u32 s14, v21;
	s14 =	sxor.u32 $0x80000000, s15;
	v24 =	vadd.s32 v25, v24;
	s15 =	spop (v2sf)  }
0x68: {  	v25 =	vand.u32 s14, v22;
	s14 =	sxor.u32 $0x80000000, s15;
	v24 =	vadd.s32 v26, v24  }
0x69: {  	v26 =	vand.u32 s14, v23;
	v24 =	vadd.s32 v25, v24  }
0x6a: {  	v24 =	vadd.s32 v26, v24  }
0x6b: {  	s12 =	sshra.s32 s12, $0x2;
	[tilespmem:$0x1300] =	vst v24  }
0x6c: {  	v24 =	vld [tilespmem:s12+$0x0];
	_ =	sdelay $0x4  }
0x6d: {  	vm6 =	veq.s32 v24, $0x1  }
0x6e: {  	vm7 =	veq.s32 v24, $0x0;
	v25 =	vsel vm6, $0x1, v12  }
0x6f: {  	vm5 =	veq.s32 v24, $0x2;
	v26 =	vsel vm7, $0x1, v12;
	(xrf0) =	vadd.scan.msk.s32 $0xffff, v25  }
0x70: {  	vm2 =	veq.s32 v24, $0x3;
	v43 =	vsel vm5, $0x1, v12;
	(xrf0) =	vadd.scan.msk.s32 $0xffff, v26  }
0x71: {  	vm0 =	veq.s32 v24, $0x4;
	v44 =	vsel vm2, $0x1, v12;
	(xrf0) =	vadd.scan.msk.s32 $0xffff, v43  }
0x72: {  	vm1 =	veq.s32 v24, $0x5;
	v45 =	vsel vm0, $0x1, v12;
	(xrf0) =	vadd.scan.msk.s32 $0xffff, v44  }
0x73: {  	vm3 =	veq.s32 v24, $0x6;
	v46 =	vsel vm1, $0x1, v12;
	(xrf0) =	vadd.scan.msk.s32 $0xffff, v45  }
0x74: {  	vm4 =	veq.s32 v24, $0x7;
	v47 =	vsel vm3, $0x1, v12;
	(xrf0) =	vadd.scan.msk.s32 $0xffff, v46  }
0x75: {  	v48 =	vsel vm4, $0x1, v12;
	v49, _, _ =	vpop (xrf0);
	(xrf0) =	vadd.scan.msk.s32 $0xffff, v47  }
0x76: {  	v50 =	vxor.u32 $0x80000000, v49;
	v27, _, _ =	vpop (xrf0);
	(xrf0) =	vadd.scan.msk.s32 $0xffff, v48  }
0x77: {  	v51 =	vxor.u32 $0x80000000, v27;
	(xrf0) =	vmax.scan.msk.u32 $0xffff, v50;
	v52, _, _ =	vpop (xrf0)  }
0x78: {  	v28 =	vxor.u32 $0x80000000, v52;
	(xrf0) =	vmax.scan.msk.u32 $0xffff, v51;
	v53, _, _ =	vpop (xrf0)  }
0x79: {  	v29 =	vxor.u32 $0x80000000, v53;
	(xrf0) =	vmax.scan.msk.u32 $0xffff, v28;
	v54, _, _ =	vpop (xrf0)  }
0x7a: {  	v30 =	vxor.u32 $0x80000000, v54;
	(xrf0) =	vmax.scan.msk.u32 $0xffff, v29;
	v55, _, _ =	vpop (xrf0)  }
0x7b: {  	v31 =	vxor.u32 $0x80000000, v55;
	(xrf0) =	vmax.scan.msk.u32 $0xffff, v30;
	v56, _, _ =	vpop (xrf0)  }
0x7c: {  	v32 =	vxor.u32 $0x80000000, v56;
	(xrf0) =	vmax.scan.msk.u32 $0xffff, v31;
	v57, _, _ =	vpop (xrf0)  }
0x7d: {  	v33 =	vxor.u32 $0x80000000, v57;
	(xrf0) =	vmax.scan.msk.u32 $0xffff, v32;
	v58, _, _ =	vpop (xrf0)  }
0x7e: {  	(v2sf) =	vpush v58, $0xF;
	(xrf0) =	vmax.scan.msk.u32 $0xffff, v33;
	v59, _, _ =	vpop (xrf0)  }
0x7f: {  	(v2sf) =	vpush v59, $0xF;
	v60, _, _ =	vpop (xrf0)  }
0x80: {  	v27 =	vadd.s32 $0xFFFFFFFF, v27;
	(v2sf) =	vpush v60, $0xF;
	v61, _, _ =	vpop (xrf0)  }
0x81: {  	v26 =	vadd.s32 $0xFFFFFFFF, v49;
	v27 =	vnsel vm7, $0x0, v27;
	(v2sf) =	vpush v61, $0xF;
	v62, _, _ =	vpop (xrf0)  }
0x82: {  	v25 =	vadd.s32 $0xFFFFFFFF, v52;
	v26 =	vsel vm6, v26, v27;
	(v2sf) =	vpush v62, $0xF;
	v63, _, _ =	vpop (xrf0)  }
0x83: {  	v12 =	vadd.s32 $0xFFFFFFFF, v53;
	v25 =	vsel vm5, v25, v26;
	(v2sf) =	vpush v63, $0xF;
	v32, _, _ =	vpop (xrf0)  }
0x84: {  	v24 =	vld.idx.msk [tilespmem:v24+s10+$0x0], $0xffff;
	v12 =	vsel vm2, v12, v25;
	v33 =	vadd.s32 $0xFFFFFFFF, v54;
	(v2sf) =	vpush v32, $0xF;
	v34, _, _ =	vpop (xrf0)  }
0x85: {  	v35 =	vadd.s32 $0xFFFFFFFF, v55;
	v12 =	vsel vm0, v33, v12;
	(v2sf) =	vpush v34, $0xF  }
0x86: {  	v36 =	vadd.s32 $0xFFFFFFFF, v56;
	v12 =	vsel vm1, v35, v12  }
0x87: {  	v37 =	vadd.s32 $0xFFFFFFFF, v57;
	v12 =	vsel vm3, v36, v12  }
0x88: {  	v12 =	vsel vm4, v37, v12  }
0x89: {  	v12 =	vadd.s32 v24, v12  }
0x8a: {  	[tilespmem:s12+$0x200] =	vst v12  }
0x8b: {  	v12 =	vld [tilespmem:$0x1300];
	_ =	sdelay $0x1  }
0x8c: {  	s15 =	spop (v2sf)  }
0x8d: {  	s10 =	sxor.u32 $0x80000000, s15;
	s16 =	spop (v2sf)  }
0x8e: {  	s12 =	sxor.u32 $0x80000000, s16;
	v19 =	vand.u32 s10, v19;
	s17 =	spop (v2sf)  }
0x8f: {  	v16 =	vand.u32 s12, v16;
	s10 =	sxor.u32 $0x80000000, s17;
	v12 =	vadd.s32 v12, v19;
	s18 =	spop (v2sf)  }
0x90: {  	v18 =	vand.u32 s10, v18;
	s19 =	sxor.u32 $0x80000000, s18;
	v12 =	vadd.s32 v16, v12;
	s20 =	spop (v2sf)  }
0x91: {  	v38 =	vand.u32 s19, v20;
	s21 =	sxor.u32 $0x80000000, s20;
	v12 =	vadd.s32 v18, v12;
	s22 =	spop (v2sf)  }
0x92: {  	v17 =	vand.u32 s21, v17;
	s23 =	sxor.u32 $0x80000000, s22;
	v12 =	vadd.s32 v38, v12;
	s24 =	spop (v2sf)  }
0x93: {  	v39 =	vand.u32 s23, v21;
	s25 =	sxor.u32 $0x80000000, s24;
	v12 =	vadd.s32 v17, v12;
	s26 =	spop (v2sf)  }
0x94: {  	v40 =	vand.u32 s25, v22;
	s28 =	sxor.u32 $0x80000000, s26;
	v12 =	vadd.s32 v39, v12  }
0x95: {  	v41 =	vand.u32 s28, v23;
	v12 =	vadd.s32 v40, v12  }
0x96: {  	v12 =	vadd.s32 v41, v12  }
0x97: {  	s29 =	simm.s32 $0x1300;
	s30 =	simm.s32 $0x1;
	[tilespmem:$0x1300] =	vst v12  }
0x98: {  	[spmem:s11] =	stream.linear.scatter [tilespmem:s29], [sflag:$0x1], $0x80, $0x38;
	[tilespmem:$0x1690] =	vst v63  }
0x99: {  	_ =	swait.ge [sflag:s30], $0x80  }
0x9a: {  	[sflag:s30] =	ssyncset.done $0x0  }
0x9b: {  	[sflag:s30] =	ssyncadd.s32 $0xFFFFFF80  }
0x9c: {  	s31 =	simm.s32 $0xA80;
	[bflag:$0x0] =	sbarrier.arrive $0xFFFF  }
0x9d: {  	[tilespmem:s31], [sflag:$0x1] =	stream.linear.gather [spmem:s4], $0x800, $0x38;
	[tilespmem:$0x1690] =	vst v63  }
0x9e: {  	_ =	swait.ge [sflag:s30], $0x800  }
0x9f: {  	[sflag:s30] =	ssyncset.done $0x0  }
0xa0: {  	[sflag:s30] =	ssyncadd.s32 $0xFFFFF800  }
0xa1: {  	v42 =	vld [tilespmem:$0xA80]  }
0xa2: {  	v43 =	vld [tilespmem:$0xB00]  }
0xa3: {  	v44 =	vld [tilespmem:$0xB80]  }
0xa4: {  	v45 =	vld [tilespmem:$0xC00]  }
0xa5: {  	v46 =	vld [tilespmem:$0xC80]  }
0xa6: {  	v47 =	vld [tilespmem:$0xD00]  }
0xa7: {  	v48 =	vld [tilespmem:$0xD80];
	v49 =	vadd.s32 v43, v42  }
0xa8: {  	v50 =	vld [tilespmem:$0xE00];
	v22 =	vadd.s32 v44, v49  }
0xa9: {  	v51 =	vld [tilespmem:$0xE80];
	v22 =	vadd.s32 v45, v22  }
0xaa: {  	v52 =	vld [tilespmem:$0xF00];
	v22 =	vadd.s32 v46, v22  }
0xab: {  	v53 =	vld [tilespmem:$0xF80];
	v22 =	vadd.s32 v47, v22  }
0xac: {  	v54 =	vld [tilespmem:$0x1000];
	v22 =	vadd.s32 v48, v22  }
0xad: {  	v55 =	vld [tilespmem:$0x1080];
	v1 =	vmul.u32 v1, v42;
	v10 =	vmul.u32 v10, v43;
	v22 =	vadd.s32 v50, v22  }
0xae: {  	v56 =	vld [tilespmem:$0x1100];
	v7 =	vmul.u32 v7, v44;
	v57 =	vadd.s32 v51, v22  }
0xaf: {  	v58 =	vld [tilespmem:$0x1180];
	v11 =	vmul.u32 v11, v45;
	v1 =	vadd.s32 v1, v10;
	v16 =	vadd.s32 v52, v57  }
0xb0: {  	v59 =	vld [tilespmem:$0x1200];
	v4 =	vmul.u32 v4, v46;
	v1 =	vadd.s32 v7, v1;
	v16 =	vadd.s32 v53, v16  }
0xb1: {  	v61 =	vmul.u32 v9, v47;
	v1 =	vadd.s32 v11, v1;
	v60 =	vadd.s32 v54, v16  }
0xb2: {  	v5 =	vmul.u32 v5, v48;
	v1 =	vadd.s32 v4, v1;
	v62 =	vadd.s32 v55, v60  }
0xb3: {  	v2 =	vmul.u32 v2, v50;
	v1 =	vadd.s32 v61, v1;
	v9 =	vadd.s32 v56, v62  }
0xb4: {  	v63 =	vmul.u32 v8, v51;
	v1 =	vadd.s32 v5, v1;
	v4 =	vadd.s32 v58, v9  }
0xb5: {  	v3 =	vmul.u32 v3, v52;
	v1 =	vadd.s32 v2, v1;
	v4 =	vadd.s32 v59, v4  }
0xb6: {  	v0 =	vmul.u32 v0, v53;
	v1 =	vadd.s32 v63, v1;
	v4 =	vadd.s32 $0xFF, v4  }
0xb7: {  	v1 =	vadd.s32 v3, v1;
	v2 =	vand.u32 $0xFFFFFF00, v4;
	v4 =	vmul.u32 v6, v54  }
0xb8: {  	v3 =	vmul.u32 v13, v55;
	v0 =	vadd.s32 v0, v1;
	(xrf0) =	vadd.scan.msk.s32 $0xffff, v2  }
0xb9: {  	v1 =	vmul.u32 v15, v56;
	v0 =	vadd.s32 v4, v0  }
0xba: {  	v0 =	vadd.s32 v3, v0  }
0xbb: {  	v4 =	vmul.u32 v14, v58;
	v0 =	vadd.s32 v1, v0;
	_ =	sdelay $0x1  }
0xbc: {  	v1 =	vadd.s32 v4, v0  }
0xbd: {  	v1 =	vsub.s32 v1, v2;
	v0, _, _ =	vpop (xrf0)  }
0xbe: {  	v1 =	vadd.s32 v0, v1  }
0xbf: {  	s4 =	simm.s32 $0x0;
	[tilespmem:$0x1380] =	vst v1  }
0xc0: {  	v3 =	vld [tilespmem:s4+$0x0];
	_ =	sdelay $0x4  }
0xc1: {  	v1 =	vlaneseq.u32  }
0xc2: {  	v4 =	vor.u32 s7, v1  }
0xc3: {  	s10 =	simm.s32 $0x1380;
	v2 =	vld [tilespmem:s4+$0x200];
	v4 =	vand.u32 $0xFFF, v4  }
0xc4: {  	s12 =	simm.s32 $0x80;
	s11 =	simm.s32 $0x10;
	v3 =	vld.idx.msk [tilespmem:v3+s10+$0x0], $0xffff;
	[tilespmem:s4+$0x600] =	vst v4  }
.LBB2_4:
0xc5: {  	p1 =	sne.s32 s12, $0x7C0;
	v4 =	vld [tilespmem:s11+$0x0];
	_ =	sdelay $0x3  }
.Ltmp2:
0xc6: {  	(pc) =	sbr.rel @p1 .LBB2_4-.Ltmp2, $4  }
0xc7: {  	s7 =	sadd.s32 $0x10, s7;
	v2 =	vadd.s32 v2, v3  }
0xc8: {  	v3 =	vor.u32 s7, v1;
	[tilespmem:s4+$0x400] =	vst v2;
	s4 =	smov.u32 s11  }
0xc9: {  	v5 =	vand.u32 $0xFFF, v3;
	v2 =	vld [tilespmem:s4+$0x200]  }
0xca: {  	s11 =	sshra.s32 s12, $0x2;
	s12 =	sadd.s32 $0x40, s12;
	v3 =	vld.idx.msk [tilespmem:v4+s10+$0x0], $0xffff;
	[tilespmem:s4+$0x600] =	vst v5  }
0xcb: {  	v4 =	vld [tilespmem:s11+$0x0];
	_ =	sdelay $0x4  }
0xcc: {  	v2 =	vadd.s32 v2, v3  }
0xcd: {  	[tilespmem:s4+$0x400] =	vst v2  }
0xce: {  	v2 =	vld [tilespmem:s11+$0x200]  }
0xcf: {  	v3 =	vld.idx.msk [tilespmem:v4+s10+$0x0], $0xffff;
	_ =	sdelay $0x1  }
0xd0: {  	s28 =	sadd.s32 $0x10, s7  }
0xd1: {  	v1 =	vor.u32 s28, v1  }
0xd2: {  	v1 =	vand.u32 $0xFFF, v1  }
0xd3: {  	[tilespmem:s11+$0x600] =	vst v1;
	v1 =	vadd.s32 v2, v3  }
0xd4: {  	s29 =	simm.s32 $0x0;
	s30 =	simm.s32 $0x400;
	s31 =	simm.s32 $0x1;
	[tilespmem:s11+$0x400] =	vst v1  }
0xd5: {  	[hbm4b:s9+s29] =	stream.linear.scatter [tilespmem:s30], [sflag:$0x1], $0x200, $0x38;
	[tilespmem:$0x1690] =	vst v63  }
0xd6: {  	v1 =	vlaneseq.u32;
	_ =	swait.ge [sflag:s31], $0x200  }
0xd7: {  	v2 =	vor.u32 s8, v1;
	[sflag:s31] =	ssyncset.done $0x0  }
0xd8: {  	s7 =	simm.s32 $0x0;
	s4 =	simm.s32 $0x40;
	v2 =	vand.u32 $0xFFF, v2;
	[sflag:s31] =	ssyncadd.s32 $0xFFFFFE00  }
.LBB2_6:
0xd9: {  	p1 =	sne.s32 s4, $0x9C0  }
0xda: {  	[tilespmem:s7+$0x800] =	vst v2;
	s8 =	sadd.s32 $0x10, s8;
	s7 =	smov.u32 s4;
	s4 =	sadd.s32 $0x40, s4  }
.Ltmp3:
0xdb: {  	(pc) =	sbr.rel @p1 .LBB2_6-.Ltmp3, $3  }
0xdc: {  	_ =	sdelay $0x1  }
0xdd: {  	v2 =	vor.u32 s8, v1  }
0xde: {  	s7 =	sshra.s32 s7, $0x2;
	v2 =	vand.u32 $0xFFF, v2  }
0xdf: {  	[tilespmem:s7+$0x800] =	vst v2;
	s4 =	simm.s32 $0x800  }
0xe0: {  	[spmem:s5] =	stream.linear.scatter [tilespmem:s4], [sflag:$0x1], $0x280, $0x38;
	[tilespmem:$0x1690] =	vst v63  }
0xe1: {  	s4 =	simm.s32 $0x1  }
0xe2: {  	_ =	swait.ge [sflag:s4], $0x280  }
0xe3: {  	[sflag:s4] =	ssyncset.done $0x0  }
0xe4: {  	[sflag:s4] =	ssyncadd.s32 $0xFFFFFD80  }
0xe5: {  	s8 =	simm.s32 $0x0;
	[bflag:$0x0] =	sbarrier.arrive $0xFFFF  }
0xe6: {  	vm0 =	vmmov $0xffff;
	s7 =	simm.s32 $0x40;
	v1 =	vld [tilespmem:s8+$0x400]  }
.LBB2_8:
0xe7: {  	p1 =	sne.s32 s7, $0x7C0;
	_ =	sdelay $0x5  }
0xe8: {  	s8 =	sadd.s32 $0x600, s8  }
0xe9: {  	[spmem:s2] =	stream.indirect_vreg.scatter [tilespmem:s8], [sflag:$0x1], $0x1, v1, vm0, $0xb8;
	[tilespmem:$0x1690] =	vst v63  }
.Ltmp4:
0xea: {  	_ = 	snop;
	(pc) =	sbr.rel @p1 .LBB2_8-.Ltmp4, $4  }
0xeb: {  	_ =	swait.ge [sflag:s4], $0x10  }
0xec: {  	[sflag:s4] =	ssyncset.done $0x0  }
0xed: {  	s8 =	sshra.s32 s7, $0x2;
	[sflag:s4] =	ssyncadd.s32 $0xFFFFFFF0  }
0xee: {  	s7 =	sadd.s32 $0x40, s7;
	v1 =	vld [tilespmem:s8+$0x400]  }
0xef: {  	_ =	sdelay $0x6  }
0xf0: {  	s7 =	sadd.s32 $0x600, s8  }
0xf1: {  	[spmem:s2] =	stream.indirect_vreg.scatter [tilespmem:s7], [sflag:$0x1], $0x1, v1, vm0, $0xb8;
	[tilespmem:$0x1690] =	vst v63  }
0xf2: {  	_ =	swait.ge [sflag:s4], $0x10  }
0xf3: {  	[sflag:s4] =	ssyncset.done $0x0  }
0xf4: {  	s30 =	sor.u32 $0x1C01, s3;
	s31 =	sshrl.u32 s5, $0x3;
	[sflag:s4] =	ssyncadd.s32 $0xFFFFFFF0  }
.Ltmp5:
0xf5: {  	s2 =	simm.s32 $0x1;
	[bflag:$0x0] =	sbarrier.arrive $0xFFFF;
	(pc) =	sbr.rel @p0 .LBB2_11-.Ltmp5, $4  }
0xf6: {  	[hbm:s6], [sflag:s30] =	dma.local [spmem:s31], $0x50  }
0xf7: {  	_ =	swait.ge [sflag:s2], $0x50  }
0xf8: {  	[sflag:s2] =	ssyncset.done $0x0  }
0xf9: {  	[sflag:s2] =	ssyncadd.s32 $0xFFFFFFB0  }
0xfa: {  	vm0 =	vmmov $0x1  }
0xfb: {  	vm10 =	vcmask $0x308;
	v1 =	vnsel vm0, $0x0, v0  }
0xfc: {  	v2 =	vsel vm10, $0x0, v0;
	v1 =	vxor.u32 $0x80000000, v1  }
0xfd: {  	vm11 =	vcmask $0x70C;
	v16 =	vxor.u32 $0x80000000, v2;
	(xrf0) =	vmax.scan.msk.u32 $0xffff, v1  }
0xfe: {  	v17 =	vsel vm11, $0x0, v0;
	(xrf0) =	vmax.scan.msk.u32 $0xffff, v16  }
0xff: {  	vm12 =	vcmask $0xB10;
	v1 =	vxor.u32 $0x80000000, v17  }
0x100: {  	v18 =	vsel vm12, $0x0, v0;
	(xrf0) =	vmax.scan.msk.u32 $0xffff, v1  }
0x101: {  	vm13 =	vcmask $0xF14;
	v19 =	vxor.u32 $0x80000000, v18  }
0x102: {  	v20 =	vsel vm13, $0x0, v0;
	(xrf0) =	vmax.scan.msk.u32 $0xffff, v19  }
0x103: {  	v21 =	vxor.u32 $0x80000000, v20;
	v23, _, _ =	vpop (xrf0)  }
0x104: {  	vm14 =	vcmask $0x1318;
	(xrf0) =	vmax.scan.msk.u32 $0xffff, v21;
	(v2sf) =	vpush v23, $0xF;
	v24, _, _ =	vpop (xrf0)  }
0x105: {  	v22 =	vsel vm14, $0x0, v0;
	(v2sf) =	vpush v24, $0xF  }
0x106: {  	vm15 =	vcmask $0x171C;
	v1 =	vxor.u32 $0x80000000, v22;
	v27, _, _ =	vpop (xrf0)  }
0x107: {  	v3 =	vsel vm15, $0x0, v0;
	(xrf0) =	vmax.scan.msk.u32 $0xffff, v1;
	(v2sf) =	vpush v27, $0xF  }
0x108: {  	vm4 =	vcmask $0x1B20;
	v25 =	vxor.u32 $0x80000000, v3;
	v28, _, _ =	vpop (xrf0)  }
0x109: {  	v26 =	vsel vm4, $0x0, v0;
	(xrf0) =	vmax.scan.msk.u32 $0xffff, v25;
	(v2sf) =	vpush v28, $0xF  }
0x10a: {  	v0 =	vxor.u32 $0x80000000, v26;
	v29, _, _ =	vpop (xrf0)  }
0x10b: {  	(xrf0) =	vmax.scan.msk.u32 $0xffff, v0;
	(v2sf) =	vpush v29, $0xF;
	_ =	sdelay $0x1  }
0x10c: {  	v30, _, _ =	vpop (xrf0)  }
0x10d: {  	(v2sf) =	vpush v30, $0xF  }
0x10e: {  	v31, _, _ =	vpop (xrf0)  }
0x10f: {  	(v2sf) =	vpush v31, $0xF  }
0x110: {  	v32, _, _ =	vpop (xrf0)  }
0x111: {  	v33 =	vlaneseq.u32;
	(v2sf) =	vpush v32, $0xF  }
0x112: {  	v0 =	vmul.u32 $0x100, v33;
	s3 =	spop (v2sf)  }
0x113: {  	s4 =	spop (v2sf)  }
0x114: {  	v4 =	vimm.s32 $0x0;
	v35 =	vor.u32 $0x1, v0;
	v41 =	vor.u32 $0x1001, v0;
	s3 =	sxor.u32 $0x80000000, s3;
	s4 =	sxor.u32 $0x80000000, s4  }
0x115: {  	v0 =	vor.u32 $0x2001, v0;
	v34 =	vmov s3;
	s22 =	spop (v2sf);
	v36 =	vmov s4  }
0x116: {  	vm5 =	vlt.s32 v34, v35;
	s3 =	sxor.u32 $0x80000000, s22;
	vm12 =	vlt.s32 v34, v41;
	vm1 =	vlt.s32 v36, v35  }
0x117: {  	s23 =	spop (v2sf);
	v5 =	vsel vm5, $0x1, v4;
	v6 =	vmov s3;
	v43 =	vsel vm12, $0x1, v4  }
0x118: {  	s4 =	sxor.u32 $0x80000000, s23;
	vm13 =	vlt.s32 v36, v41;
	v7 =	vsel vm1, $0x1, v4;
	vm6 =	vlt.s32 v6, v35  }
0x119: {  	s24 =	spop (v2sf);
	v37 =	vmov s4;
	v44 =	vsel vm13, $0x1, v4;
	vm14 =	vlt.s32 v6, v41  }
0x11a: {  	s3 =	sxor.u32 $0x80000000, s24;
	v5 =	vadd.s32 v7, v5;
	v8 =	vsel vm6, $0x1, v4;
	vm7 =	vlt.s32 v37, v35  }
0x11b: {  	v9 =	vmov s3;
	v45 =	vsel vm14, $0x1, v4;
	vm15 =	vlt.s32 v37, v41  }
0x11c: {  	s25 =	spop (v2sf);
	v5 =	vadd.s32 v8, v5;
	v38 =	vsel vm7, $0x1, v4;
	vm8 =	vlt.s32 v9, v35  }
0x11d: {  	s4 =	sxor.u32 $0x80000000, s25;
	v46 =	vsel vm15, $0x1, v4;
	vm4 =	vlt.s32 v9, v41;
	vm12 =	vlt.s32 v9, v0  }
0x11e: {  	s26 =	spop (v2sf);
	v5 =	vadd.s32 v38, v5;
	v39 =	vsel vm8, $0x1, v4;
	v10 =	vmov s4  }
0x11f: {  	s3 =	sxor.u32 $0x80000000, s26;
	v47 =	vsel vm4, $0x1, v4;
	vm8 =	vlt.s32 v34, v0;
	v57 =	vsel vm12, $0x1, v4  }
0x120: {  	s28 =	spop (v2sf);
	v5 =	vadd.s32 v39, v5;
	vm9 =	vlt.s32 v10, v35;
	v40 =	vmov s3  }
0x121: {  	s29 =	sxor.u32 $0x80000000, s28;
	vm5 =	vlt.s32 v10, v41;
	v52 =	vsel vm8, $0x1, v4;
	vm13 =	vlt.s32 v10, v0  }
0x122: {  	v11 =	vsel vm9, $0x1, v4;
	vm10 =	vlt.s32 v40, v35;
	v12 =	vmov s29  }
0x123: {  	v48 =	vsel vm5, $0x1, v4;
	vm6 =	vlt.s32 v40, v41;
	vm9 =	vlt.s32 v36, v0  }
0x124: {  	v58 =	vsel vm13, $0x1, v4;
	vm14 =	vlt.s32 v40, v0;
	v13 =	vsel vm10, $0x1, v4  }
0x125: {  	vm11 =	vlt.s32 v12, v35;
	v5 =	vadd.s32 v11, v5;
	v11 =	vadd.s32 v44, v43  }
0x126: {  	v14 =	vsel vm6, $0x1, v4;
	vm7 =	vlt.s32 v12, v41;
	v54 =	vsel vm9, $0x1, v4  }
0x127: {  	vm10 =	vlt.s32 v6, v0;
	v59 =	vsel vm14, $0x1, v4;
	vm15 =	vlt.s32 v12, v0  }
0x128: {  	v42 =	vsel vm11, $0x1, v4;
	v5 =	vadd.s32 v13, v5;
	v11 =	vadd.s32 v45, v11  }
0x129: {  	v2 =	vadd.s32 v54, v52;
	v55 =	vsel vm10, $0x1, v4;
	vm11 =	vlt.s32 v37, v0  }
0x12a: {  	v11 =	vadd.s32 v46, v11;
	v2 =	vadd.s32 v55, v2;
	v56 =	vsel vm11, $0x1, v4  }
0x12b: {  	v50 =	vsel vm7, $0x1, v4;
	v11 =	vadd.s32 v47, v11;
	v2 =	vadd.s32 v56, v2  }
0x12c: {  	v62 =	vsel vm15, $0x1, v4;
	v49 =	vadd.s32 v48, v11;
	v2 =	vadd.s32 v57, v2  }
0x12d: {  	v5 =	vadd.s32 v42, v5;
	v51 =	vadd.s32 v14, v49;
	v2 =	vadd.s32 v58, v2  }
0x12e: {  	v53 =	vmin.u32 v5, $0x7;
	v60 =	vadd.s32 v50, v51;
	v61 =	vadd.s32 v59, v2  }
0x12f: {  	[tilespmem:$0x1280] =	vst v53;
	v0 =	vmin.u32 v60, $0x7;
	v1 =	vadd.s32 v62, v61  }
0x130: {  	[tilespmem:$0x1290] =	vst v0;
	v63 =	vmin.u32 v1, $0x7  }
0x131: {  	s30 =	simm.s32 $0x0;
	s31 =	simm.s32 $0x1280;
	[tilespmem:$0x12A0] =	vst v63  }
0x132: {  	[hbm4b:s1+s30] =	stream.linear.scatter [tilespmem:s31], [sflag:$0x1], $0x80, $0x38;
	[tilespmem:$0x1690] =	vst v63  }
0x133: {  	_ =	swait.ge [sflag:s2], $0x80  }
0x134: {  	[sflag:s2] =	ssyncset.done $0x0  }
0x135: {  	[sflag:s2] =	ssyncadd.s32 $0xFFFFFF80  }
.LBB2_11:
0x136: {  	_ =	sfence.sel $0x180000  }
0x137: {  	[bflag:$0x0] =	sbarrier.arrive $0xFFFF  }
0x138: {  	_ =	strace $0x90000047  }
0x139: {  	s0 =	sadd.s32 @!p0 $0x100000, s0;
	[bflag:$0x2] =	sbarrier.arrive $0xFFFF  }
0x13a: {  	[sflag:s0] =	ssyncadd.tile.s32 @!p0 $0x1;
	_ =	shalt  }
.Lfunc_end2:
_tile_overlayer_lowered:
.L_overlay_start_2:
0x13b: {  	(tag) =	ssettag $0x2  }
0x13c: {  	s0 =	rddreg [dreg:$0x0];
	s2 =	stileid.u32  }
0x13d: {  	s1 =	rddreg [dreg:$0x1];
	p0 =	sne.s32 s2, $0x0  }
0x13e: {  	s3 =	rddreg [dreg:$0x2];
	[bflag:$0x3] =	sbarrier.arrive $0xFFFF;
	s2 =	simm.s32 @!p0 $0x1C01  }
0x13f: {  	[timem:s3], [sflag:s2] =	dma.local @!p0 [hbm:s0], s1  }
0x140: {  	s0 =	simm.s32 @!p0 $0x1  }
0x141: {  	_ =	swait.ge @!p0 [sflag:s0], s1  }
0x142: {  	s1 =	ssub.s32 @!p0 $0x0, s1;
	[sflag:s0] =	ssyncset.done @!p0 $0x0  }
0x143: {  	[sflag:s0] =	ssyncadd.s32 @!p0 s1  }
0x144: {  	[bflag:$0x3] =	sbarrier.arrive $0xFFFF  }
0x145: {  	_ =	shalt  }

</sc_bundles>
